<compile_context>
chip_gen: v7x
topology: tpu7x:2x2x1
jax: 0.10.2.dev20260603
libtpu: 0.0.44.dev20260713+nightly
codegen_flags: <defaults>
</compile_context>

<pallas_src>
import jax
import jax.numpy as jnp
from jax import lax
from jax.experimental import pallas as pl
from jax.experimental.pallas import tpu as pltpu
from jax.experimental.pallas import tpu_sc as plsc

_N_EDGES = 320000
_D = 128
_N_SEG = 10000
_NC = 2
_NS = 16
_NW = _NC * _NS
_EDGES_PER_TILE = _N_EDGES // _NW
_CHUNK = 64
_NFULL = _EDGES_PER_TILE // _CHUNK
_TAIL = _EDGES_PER_TILE - _NFULL * _CHUNK
_NBUF = 6
_SEG_PER_TILE = _N_SEG // _NS
_WB_CHUNK = 64
_N_WB_FULL = _N_SEG // _WB_CHUNK


def _sc_body(x_hbm, idx_hbm, out_hbm, acc_sh, idx_v, idx_t, rows_v, *sems):
    row_sems = sems[:_NBUF]
    idx_sems = sems[_NBUF:2 * _NBUF]
    scat_sems = sems[2 * _NBUF:3 * _NBUF]
    tail_sem = sems[3 * _NBUF]
    c = lax.axis_index("c")
    s = lax.axis_index("s")
    tid = c * _NS + s
    base = tid * _EDGES_PER_TILE

    def _row_src(ci):
        off = pl.multiple_of(base + ci * _CHUNK, 16)
        return x_hbm.at[pl.ds(off, _CHUNK)]

    def _idx_src(ci):
        off = pl.multiple_of(base + ci * _CHUNK, 16)
        return idx_hbm.at[pl.ds(off, _CHUNK)]

    def _start_loads(ci, b):
        pltpu.async_copy(_row_src(ci), rows_v.at[b], row_sems[b])
        pltpu.async_copy(_idx_src(ci), idx_v.at[b], idx_sems[b])

    def _wait_loads(ci, b):
        pltpu.make_async_copy(_row_src(ci), rows_v.at[b], row_sems[b]).wait()
        pltpu.make_async_copy(_idx_src(ci), idx_v.at[b],
                              idx_sems[b]).wait()

    for b in range(_NBUF - 1):
        _start_loads(b, b)

    zb = _NBUF - 1
    zvec = jnp.zeros((16,), jnp.float32)
    def _zero_row(i, _):
        def _zero_lane(k, _):
            rows_v[zb, i, pl.ds(k * 16, 16)] = zvec
            return ()
        lax.fori_loop(0, _D // 16, _zero_lane, (), unroll=True)
        return ()
    lax.fori_loop(0, _CHUNK, _zero_row, ())
    seg0 = s * _SEG_PER_TILE
    rem = _SEG_PER_TILE % _CHUNK
    for j in range(_SEG_PER_TILE // _CHUNK):
        pltpu.async_copy(rows_v.at[zb],
                         acc_sh.at[pl.ds(seg0 + j * _CHUNK, _CHUNK)],
                         tail_sem)
    pltpu.async_copy(rows_v.at[zb, pl.ds(0, rem)],
                     acc_sh.at[pl.ds(seg0 + _SEG_PER_TILE - rem, rem)],
                     tail_sem)
    for j in range(_SEG_PER_TILE // _CHUNK):
        pltpu.make_async_copy(rows_v.at[zb],
                              acc_sh.at[pl.ds(seg0 + j * _CHUNK, _CHUNK)],
                              tail_sem).wait()
    pltpu.make_async_copy(rows_v.at[zb, pl.ds(0, rem)],
                          acc_sh.at[pl.ds(seg0 + _SEG_PER_TILE - rem, rem)],
                          tail_sem).wait()
    _start_loads(zb, zb)
    plsc.subcore_barrier()

    def _scatter(b):
        pltpu.async_copy(rows_v.at[b], acc_sh.at[idx_v.at[b]], scat_sems[b],
                         add=True)

    def _wait_scatter(b):
        pltpu.make_async_copy(rows_v.at[b], acc_sh.at[idx_v.at[b]],
                              scat_sems[b]).wait()

    for k in (0, 1):
        _wait_loads(k, k % _NBUF)
        _scatter(k % _NBUF)
    def _outer(jo, _):
        for b in range(_NBUF):
            k = jo * _NBUF + b + 2
            bk = (b + 2) % _NBUF
            _wait_loads(k, bk)
            _scatter(bk)
            bws = b % _NBUF
            _wait_scatter(bws)
            _start_loads(k + 4, bws)
        return ()
    lax.fori_loop(0, (_NFULL - _NBUF) // _NBUF, _outer, ())
    for k in range(_NFULL - 4, _NFULL):
        _wait_loads(k, k % _NBUF)
        _scatter(k % _NBUF)
        _wait_scatter((k - 2) % _NBUF)
    for k in (_NFULL - 2, _NFULL - 1):
        _wait_scatter(k % _NBUF)

    tail_off = pl.multiple_of(base + _NFULL * _CHUNK, 16)
    pltpu.sync_copy(idx_hbm.at[pl.ds(tail_off, _TAIL)], idx_t)
    pltpu.async_copy(x_hbm.at[pl.ds(tail_off, _TAIL)],
                     rows_v.at[0, pl.ds(0, _TAIL)], tail_sem)
    pltpu.make_async_copy(x_hbm.at[pl.ds(tail_off, _TAIL)],
                          rows_v.at[0, pl.ds(0, _TAIL)], tail_sem).wait()
    pltpu.sync_copy(rows_v.at[0, pl.ds(0, _TAIL)], acc_sh.at[idx_t],
                    add=True)
    plsc.subcore_barrier()

    def _wb_desc(j):
        r0 = pl.multiple_of((j * _NS + s) * _WB_CHUNK, 64)
        return (acc_sh.at[pl.ds(r0, _WB_CHUNK)],
                out_hbm.at[c, pl.ds(r0, _WB_CHUNK)])

    rem_src = acc_sh.at[pl.ds(_N_WB_FULL * _WB_CHUNK, _N_SEG % _WB_CHUNK)]
    rem_dst = out_hbm.at[c, pl.ds(_N_WB_FULL * _WB_CHUNK,
                                  _N_SEG % _WB_CHUNK)]
    def _wb_start(j, _):
        src, dst = _wb_desc(j)
        pltpu.async_copy(src, dst, tail_sem)
        return ()
    lax.fori_loop(0, _N_WB_FULL // _NS, _wb_start, ())
    @pl.when(s < _N_WB_FULL % _NS)
    def _():
        _wb_start(_N_WB_FULL // _NS, ())
    @pl.when(s == _N_WB_FULL % _NS)
    def _():
        pltpu.async_copy(rem_src, rem_dst, tail_sem)

    def _wb_wait(j, _):
        src, dst = _wb_desc(j)
        pltpu.make_async_copy(src, dst, tail_sem).wait()
        return ()
    lax.fori_loop(0, _N_WB_FULL // _NS, _wb_wait, ())
    @pl.when(s < _N_WB_FULL % _NS)
    def _():
        _wb_wait(_N_WB_FULL // _NS, ())
    @pl.when(s == _N_WB_FULL % _NS)
    def _():
        pltpu.make_async_copy(rem_src, rem_dst, tail_sem).wait()


def _tc_add(a_ref, b_ref, o_ref):
    o_ref[...] = a_ref[0] + b_ref[0]


@jax.jit
def kernel(x, index):
    idx = index.astype(jnp.int32)
    mesh = plsc.VectorSubcoreMesh(core_axis_name="c", subcore_axis_name="s")
    partials = pl.kernel(
        _sc_body,
        out_type=jax.ShapeDtypeStruct((_NC, _N_SEG, _D), jnp.float32),
        mesh=mesh,
        scratch_types=[
            pltpu.VMEM_SHARED((_N_SEG, _D), jnp.float32),
            pltpu.VMEM((_NBUF, _CHUNK), jnp.int32),
            pltpu.VMEM((_TAIL,), jnp.int32),
            pltpu.VMEM((_NBUF, _CHUNK, _D), jnp.float32),
            *([pltpu.SemaphoreType.DMA] * (3 * _NBUF + 1)),
        ],
    )(x, idx)

    blk = 2000
    out = pl.pallas_call(
        _tc_add,
        grid=(_N_SEG // blk,),
        in_specs=[
            pl.BlockSpec((1, blk, _D), lambda i: (0, i, 0)),
            pl.BlockSpec((1, blk, _D), lambda i: (1, i, 0)),
        ],
        out_specs=pl.BlockSpec((blk, _D), lambda i: (i, 0)),
        out_shape=jax.ShapeDtypeStruct((_N_SEG, _D), jnp.float32),
    )(partials, partials)
    return out

# --- scband reference (transcript-rebuilt; emitter-appended) ---
"""Pipeline reference for scband-sum-pooling-9234179686674 (READ-ONLY COPY).

The authoritative reference and input builder live on the scoring server;
editing this copy changes nothing except your own understanding.
"""

import jax, jax.numpy as jnp
import numpy as np

N_EDGES = 320000
D_FEAT = 128
N_SEGMENTS = 10000

def setup_inputs(seed: int = 0) -> dict:
    key = jax.random.key(seed)
    k1, k2 = jax.random.split(key)
    x = jax.random.normal(k1, (N_EDGES, D_FEAT), dtype=jnp.float32)
    index = jnp.sort(jax.random.randint(k2, (N_EDGES,), 0, N_SEGMENTS))
    return {"x": x, "index": index}

def reference(x, index):
    # scatter_add(x, index, dim=0): sum rows of x into output rows given by index
    out = jax.ops.segment_sum(x, index, num_segments=N_SEGMENTS)
    return out

if __name__ == "__main__":
    import jax
    _d = setup_inputs()
    print(jax.jit(kernel)(*tuple(_d.values())))

</pallas_src>

<mosaic_0001>
#map = affine_map<(d0, d1) -> (0, 0)>
#map1 = affine_map<(d0, d1) -> (0)>
#map2 = affine_map<(d0, d1) -> (0, 0, 0)>
module attributes {stable_mosaic.version = 14 : i64} {
  func.func @_sc_body(%arg0: i32, %arg1: i32, %arg2: memref<320000x128xf32, #tpu.memory_space<hbm>>, %arg3: memref<320000xi32, #tpu.memory_space<hbm>>, %arg4: memref<2x10000x128xf32, #tpu.memory_space<hbm>>, %arg5: memref<10000x128xf32, #tpu.memory_space<vmem_shared>>, %arg6: memref<6x64xi32, #tpu.memory_space<vmem>>, %arg7: memref<16xi32, #tpu.memory_space<vmem>>, %arg8: memref<6x64x128xf32, #tpu.memory_space<vmem>>, %arg9: memref<!tpu.dma_semaphore, #tpu.memory_space<semaphore_mem>>, %arg10: memref<!tpu.dma_semaphore, #tpu.memory_space<semaphore_mem>>, %arg11: memref<!tpu.dma_semaphore, #tpu.memory_space<semaphore_mem>>, %arg12: memref<!tpu.dma_semaphore, #tpu.memory_space<semaphore_mem>>, %arg13: memref<!tpu.dma_semaphore, #tpu.memory_space<semaphore_mem>>, %arg14: memref<!tpu.dma_semaphore, #tpu.memory_space<semaphore_mem>>, %arg15: memref<!tpu.dma_semaphore, #tpu.memory_space<semaphore_mem>>, %arg16: memref<!tpu.dma_semaphore, #tpu.memory_space<semaphore_mem>>, %arg17: memref<!tpu.dma_semaphore, #tpu.memory_space<semaphore_mem>>, %arg18: memref<!tpu.dma_semaphore, #tpu.memory_space<semaphore_mem>>, %arg19: memref<!tpu.dma_semaphore, #tpu.memory_space<semaphore_mem>>, %arg20: memref<!tpu.dma_semaphore, #tpu.memory_space<semaphore_mem>>, %arg21: memref<!tpu.dma_semaphore, #tpu.memory_space<semaphore_mem>>, %arg22: memref<!tpu.dma_semaphore, #tpu.memory_space<semaphore_mem>>, %arg23: memref<!tpu.dma_semaphore, #tpu.memory_space<semaphore_mem>>, %arg24: memref<!tpu.dma_semaphore, #tpu.memory_space<semaphore_mem>>, %arg25: memref<!tpu.dma_semaphore, #tpu.memory_space<semaphore_mem>>, %arg26: memref<!tpu.dma_semaphore, #tpu.memory_space<semaphore_mem>>, %arg27: memref<!tpu.dma_semaphore, #tpu.memory_space<semaphore_mem>>) attributes {dimension_semantics = [#tpu.dimension_semantics<core_parallel>, #tpu.dimension_semantics<subcore_parallel>], iteration_bounds = array<i64: 2, 16>, scalar_prefetch = 0 : i64, scratch_operands = 23 : i64, tpu.core_type = #tpu.core_type<sc_vector_subcore>, window_params = [{transform_indices = #map}, {transform_indices = #map1}, {transform_indices = #map2}]} {
    %mul3A = arith.constant 16 : i32
    %mul3A_0 = arith.muli %arg0, %mul3A : i32
    %add3A = arith.addi %mul3A_0, %arg1 : i32
    %mul3A_1 = arith.constant 10000 : i32
    %mul3A_2 = arith.muli %add3A, %mul3A_1 : i32
    %add3A_3 = arith.constant 0 : i32
    %add3A_4 = arith.addi %mul3A_2, %add3A_3 : i32
    %multiple_of3A = tpu.assume_multiple %add3A_4, 16 : i32
    %dma_start3A = arith.constant 0 : i32
    %dma_start3A_5 = arith.constant 0 : i32
    %dma_start3A_6 = arith.constant 0 : i32
    %dma_start3A_7 = tpu.memref_slice %arg8[%dma_start3A, %dma_start3A_5, %dma_start3A_6] : memref<6x64x128xf32, #tpu.memory_space<vmem>> -> memref<1x64x128xf32, #tpu.memory_space<vmem>>
    %dma_start3A_8 = tpu.memref_squeeze %dma_start3A_7 : memref<1x64x128xf32, #tpu.memory_space<vmem>> -> memref<64x128xf32, #tpu.memory_space<vmem>>
    %dma_start3A_9 = arith.constant 0 : i32
    %dma_start3A_10 = tpu.memref_slice %arg2[%multiple_of3A, %dma_start3A_9] : memref<320000x128xf32, #tpu.memory_space<hbm>> -> memref<64x128xf32, #tpu.memory_space<hbm>>
    %dma_start3A_11 = arith.constant 0 : i32
    %dma_start3A_12 = arith.constant 0 : i32
    %dma_start3A_13 = tpu.memref_slice %arg8[%dma_start3A, %dma_start3A_11, %dma_start3A_12] : memref<6x64x128xf32, #tpu.memory_space<vmem>> -> memref<1x64x128xf32, #tpu.memory_space<vmem>>
    %dma_start3A_14 = tpu.memref_squeeze %dma_start3A_13 : memref<1x64x128xf32, #tpu.memory_space<vmem>> -> memref<64x128xf32, #tpu.memory_space<vmem>>
    %dma_start3A_15 = arith.constant 0 : i32
    %dma_start3A_16 = tpu.memref_slice %arg2[%multiple_of3A, %dma_start3A_15] : memref<320000x128xf32, #tpu.memory_space<hbm>> -> memref<64x128xf32, #tpu.memory_space<hbm>>
    tpu.enqueue_dma source(%dma_start3A_16 : memref<64x128xf32, #tpu.memory_space<hbm>>) target(%dma_start3A_14 : memref<64x128xf32, #tpu.memory_space<vmem>>) target_semaphore(%arg9 : memref<!tpu.dma_semaphore, #tpu.memory_space<semaphore_mem>>)
    %add3A_17 = arith.constant 0 : i32
    %add3A_18 = arith.addi %mul3A_2, %add3A_17 : i32
    %multiple_of3A_19 = tpu.assume_multiple %add3A_18, 16 : i32
    %dma_start3A_20 = arith.constant 0 : i32
    %dma_start3A_21 = arith.constant 0 : i32
    %dma_start3A_22 = tpu.memref_slice %arg6[%dma_start3A_20, %dma_start3A_21] : memref<6x64xi32, #tpu.memory_space<vmem>> -> memref<1x64xi32, #tpu.memory_space<vmem>>
    %dma_start3A_23 = tpu.memref_squeeze %dma_start3A_22 : memref<1x64xi32, #tpu.memory_space<vmem>> -> memref<64xi32, #tpu.memory_space<vmem>>
    %dma_start3A_24 = tpu.memref_slice %arg3[%multiple_of3A_19] : memref<320000xi32, #tpu.memory_space<hbm>> -> memref<64xi32, #tpu.memory_space<hbm>>
    %dma_start3A_25 = arith.constant 0 : i32
    %dma_start3A_26 = tpu.memref_slice %arg6[%dma_start3A_20, %dma_start3A_25] : memref<6x64xi32, #tpu.memory_space<vmem>> -> memref<1x64xi32, #tpu.memory_space<vmem>>
    %dma_start3A_27 = tpu.memref_squeeze %dma_start3A_26 : memref<1x64xi32, #tpu.memory_space<vmem>> -> memref<64xi32, #tpu.memory_space<vmem>>
    %dma_start3A_28 = tpu.memref_slice %arg3[%multiple_of3A_19] : memref<320000xi32, #tpu.memory_space<hbm>> -> memref<64xi32, #tpu.memory_space<hbm>>
    tpu.enqueue_dma source(%dma_start3A_28 : memref<64xi32, #tpu.memory_space<hbm>>) target(%dma_start3A_27 : memref<64xi32, #tpu.memory_space<vmem>>) target_semaphore(%arg15 : memref<!tpu.dma_semaphore, #tpu.memory_space<semaphore_mem>>)
    %add3A_29 = arith.constant 64 : i32
    %add3A_30 = arith.addi %mul3A_2, %add3A_29 : i32
    %multiple_of3A_31 = tpu.assume_multiple %add3A_30, 16 : i32
    %dma_start3A_32 = arith.constant 1 : i32
    %dma_start3A_33 = arith.constant 0 : i32
    %dma_start3A_34 = arith.constant 0 : i32
    %dma_start3A_35 = tpu.memref_slice %arg8[%dma_start3A_32, %dma_start3A_33, %dma_start3A_34] : memref<6x64x128xf32, #tpu.memory_space<vmem>> -> memref<1x64x128xf32, #tpu.memory_space<vmem>>
    %dma_start3A_36 = tpu.memref_squeeze %dma_start3A_35 : memref<1x64x128xf32, #tpu.memory_space<vmem>> -> memref<64x128xf32, #tpu.memory_space<vmem>>
    %dma_start3A_37 = arith.constant 0 : i32
    %dma_start3A_38 = tpu.memref_slice %arg2[%multiple_of3A_31, %dma_start3A_37] : memref<320000x128xf32, #tpu.memory_space<hbm>> -> memref<64x128xf32, #tpu.memory_space<hbm>>
    %dma_start3A_39 = arith.constant 0 : i32
    %dma_start3A_40 = arith.constant 0 : i32
    %dma_start3A_41 = tpu.memref_slice %arg8[%dma_start3A_32, %dma_start3A_39, %dma_start3A_40] : memref<6x64x128xf32, #tpu.memory_space<vmem>> -> memref<1x64x128xf32, #tpu.memory_space<vmem>>
    %dma_start3A_42 = tpu.memref_squeeze %dma_start3A_41 : memref<1x64x128xf32, #tpu.memory_space<vmem>> -> memref<64x128xf32, #tpu.memory_space<vmem>>
    %dma_start3A_43 = arith.constant 0 : i32
    %dma_start3A_44 = tpu.memref_slice %arg2[%multiple_of3A_31, %dma_start3A_43] : memref<320000x128xf32, #tpu.memory_space<hbm>> -> memref<64x128xf32, #tpu.memory_space<hbm>>
    tpu.enqueue_dma source(%dma_start3A_44 : memref<64x128xf32, #tpu.memory_space<hbm>>) target(%dma_start3A_42 : memref<64x128xf32, #tpu.memory_space<vmem>>) target_semaphore(%arg10 : memref<!tpu.dma_semaphore, #tpu.memory_space<semaphore_mem>>)
    %add3A_45 = arith.constant 64 : i32
    %add3A_46 = arith.addi %mul3A_2, %add3A_45 : i32
    %multiple_of3A_47 = tpu.assume_multiple %add3A_46, 16 : i32
    %dma_start3A_48 = arith.constant 1 : i32
    %dma_start3A_49 = arith.constant 0 : i32
    %dma_start3A_50 = tpu.memref_slice %arg6[%dma_start3A_48, %dma_start3A_49] : memref<6x64xi32, #tpu.memory_space<vmem>> -> memref<1x64xi32, #tpu.memory_space<vmem>>
    %dma_start3A_51 = tpu.memref_squeeze %dma_start3A_50 : memref<1x64xi32, #tpu.memory_space<vmem>> -> memref<64xi32, #tpu.memory_space<vmem>>
    %dma_start3A_52 = tpu.memref_slice %arg3[%multiple_of3A_47] : memref<320000xi32, #tpu.memory_space<hbm>> -> memref<64xi32, #tpu.memory_space<hbm>>
    %dma_start3A_53 = arith.constant 0 : i32
    %dma_start3A_54 = tpu.memref_slice %arg6[%dma_start3A_48, %dma_start3A_53] : memref<6x64xi32, #tpu.memory_space<vmem>> -> memref<1x64xi32, #tpu.memory_space<vmem>>
    %dma_start3A_55 = tpu.memref_squeeze %dma_start3A_54 : memref<1x64xi32, #tpu.memory_space<vmem>> -> memref<64xi32, #tpu.memory_space<vmem>>
    %dma_start3A_56 = tpu.memref_slice %arg3[%multiple_of3A_47] : memref<320000xi32, #tpu.memory_space<hbm>> -> memref<64xi32, #tpu.memory_space<hbm>>
    tpu.enqueue_dma source(%dma_start3A_56 : memref<64xi32, #tpu.memory_space<hbm>>) target(%dma_start3A_55 : memref<64xi32, #tpu.memory_space<vmem>>) target_semaphore(%arg16 : memref<!tpu.dma_semaphore, #tpu.memory_space<semaphore_mem>>)
    %add3A_57 = arith.constant 128 : i32
    %add3A_58 = arith.addi %mul3A_2, %add3A_57 : i32
    %multiple_of3A_59 = tpu.assume_multiple %add3A_58, 16 : i32
    %dma_start3A_60 = arith.constant 2 : i32
    %dma_start3A_61 = arith.constant 0 : i32
    %dma_start3A_62 = arith.constant 0 : i32
    %dma_start3A_63 = tpu.memref_slice %arg8[%dma_start3A_60, %dma_start3A_61, %dma_start3A_62] : memref<6x64x128xf32, #tpu.memory_space<vmem>> -> memref<1x64x128xf32, #tpu.memory_space<vmem>>
    %dma_start3A_64 = tpu.memref_squeeze %dma_start3A_63 : memref<1x64x128xf32, #tpu.memory_space<vmem>> -> memref<64x128xf32, #tpu.memory_space<vmem>>
    %dma_start3A_65 = arith.constant 0 : i32
    %dma_start3A_66 = tpu.memref_slice %arg2[%multiple_of3A_59, %dma_start3A_65] : memref<320000x128xf32, #tpu.memory_space<hbm>> -> memref<64x128xf32, #tpu.memory_space<hbm>>
    %dma_start3A_67 = arith.constant 0 : i32
    %dma_start3A_68 = arith.constant 0 : i32
    %dma_start3A_69 = tpu.memref_slice %arg8[%dma_start3A_60, %dma_start3A_67, %dma_start3A_68] : memref<6x64x128xf32, #tpu.memory_space<vmem>> -> memref<1x64x128xf32, #tpu.memory_space<vmem>>
    %dma_start3A_70 = tpu.memref_squeeze %dma_start3A_69 : memref<1x64x128xf32, #tpu.memory_space<vmem>> -> memref<64x128xf32, #tpu.memory_space<vmem>>
    %dma_start3A_71 = arith.constant 0 : i32
    %dma_start3A_72 = tpu.memref_slice %arg2[%multiple_of3A_59, %dma_start3A_71] : memref<320000x128xf32, #tpu.memory_space<hbm>> -> memref<64x128xf32, #tpu.memory_space<hbm>>
    tpu.enqueue_dma source(%dma_start3A_72 : memref<64x128xf32, #tpu.memory_space<hbm>>) target(%dma_start3A_70 : memref<64x128xf32, #tpu.memory_space<vmem>>) target_semaphore(%arg11 : memref<!tpu.dma_semaphore, #tpu.memory_space<semaphore_mem>>)
    %add3A_73 = arith.constant 128 : i32
    %add3A_74 = arith.addi %mul3A_2, %add3A_73 : i32
    %multiple_of3A_75 = tpu.assume_multiple %add3A_74, 16 : i32
    %dma_start3A_76 = arith.constant 2 : i32
    %dma_start3A_77 = arith.constant 0 : i32
    %dma_start3A_78 = tpu.memref_slice %arg6[%dma_start3A_76, %dma_start3A_77] : memref<6x64xi32, #tpu.memory_space<vmem>> -> memref<1x64xi32, #tpu.memory_space<vmem>>
    %dma_start3A_79 = tpu.memref_squeeze %dma_start3A_78 : memref<1x64xi32, #tpu.memory_space<vmem>> -> memref<64xi32, #tpu.memory_space<vmem>>
    %dma_start3A_80 = tpu.memref_slice %arg3[%multiple_of3A_75] : memref<320000xi32, #tpu.memory_space<hbm>> -> memref<64xi32, #tpu.memory_space<hbm>>
    %dma_start3A_81 = arith.constant 0 : i32
    %dma_start3A_82 = tpu.memref_slice %arg6[%dma_start3A_76, %dma_start3A_81] : memref<6x64xi32, #tpu.memory_space<vmem>> -> memref<1x64xi32, #tpu.memory_space<vmem>>
    %dma_start3A_83 = tpu.memref_squeeze %dma_start3A_82 : memref<1x64xi32, #tpu.memory_space<vmem>> -> memref<64xi32, #tpu.memory_space<vmem>>
    %dma_start3A_84 = tpu.memref_slice %arg3[%multiple_of3A_75] : memref<320000xi32, #tpu.memory_space<hbm>> -> memref<64xi32, #tpu.memory_space<hbm>>
    tpu.enqueue_dma source(%dma_start3A_84 : memref<64xi32, #tpu.memory_space<hbm>>) target(%dma_start3A_83 : memref<64xi32, #tpu.memory_space<vmem>>) target_semaphore(%arg17 : memref<!tpu.dma_semaphore, #tpu.memory_space<semaphore_mem>>)
    %add3A_85 = arith.constant 192 : i32
    %add3A_86 = arith.addi %mul3A_2, %add3A_85 : i32
    %multiple_of3A_87 = tpu.assume_multiple %add3A_86, 16 : i32
    %dma_start3A_88 = arith.constant 3 : i32
    %dma_start3A_89 = arith.constant 0 : i32
    %dma_start3A_90 = arith.constant 0 : i32
    %dma_start3A_91 = tpu.memref_slice %arg8[%dma_start3A_88, %dma_start3A_89, %dma_start3A_90] : memref<6x64x128xf32, #tpu.memory_space<vmem>> -> memref<1x64x128xf32, #tpu.memory_space<vmem>>
    %dma_start3A_92 = tpu.memref_squeeze %dma_start3A_91 : memref<1x64x128xf32, #tpu.memory_space<vmem>> -> memref<64x128xf32, #tpu.memory_space<vmem>>
    %dma_start3A_93 = arith.constant 0 : i32
    %dma_start3A_94 = tpu.memref_slice %arg2[%multiple_of3A_87, %dma_start3A_93] : memref<320000x128xf32, #tpu.memory_space<hbm>> -> memref<64x128xf32, #tpu.memory_space<hbm>>
    %dma_start3A_95 = arith.constant 0 : i32
    %dma_start3A_96 = arith.constant 0 : i32
    %dma_start3A_97 = tpu.memref_slice %arg8[%dma_start3A_88, %dma_start3A_95, %dma_start3A_96] : memref<6x64x128xf32, #tpu.memory_space<vmem>> -> memref<1x64x128xf32, #tpu.memory_space<vmem>>
    %dma_start3A_98 = tpu.memref_squeeze %dma_start3A_97 : memref<1x64x128xf32, #tpu.memory_space<vmem>> -> memref<64x128xf32, #tpu.memory_space<vmem>>
    %dma_start3A_99 = arith.constant 0 : i32
    %dma_start3A_100 = tpu.memref_slice %arg2[%multiple_of3A_87, %dma_start3A_99] : memref<320000x128xf32, #tpu.memory_space<hbm>> -> memref<64x128xf32, #tpu.memory_space<hbm>>
    tpu.enqueue_dma source(%dma_start3A_100 : memref<64x128xf32, #tpu.memory_space<hbm>>) target(%dma_start3A_98 : memref<64x128xf32, #tpu.memory_space<vmem>>) target_semaphore(%arg12 : memref<!tpu.dma_semaphore, #tpu.memory_space<semaphore_mem>>)
    %add3A_101 = arith.constant 192 : i32
    %add3A_102 = arith.addi %mul3A_2, %add3A_101 : i32
    %multiple_of3A_103 = tpu.assume_multiple %add3A_102, 16 : i32
    %dma_start3A_104 = arith.constant 3 : i32
    %dma_start3A_105 = arith.constant 0 : i32
    %dma_start3A_106 = tpu.memref_slice %arg6[%dma_start3A_104, %dma_start3A_105] : memref<6x64xi32, #tpu.memory_space<vmem>> -> memref<1x64xi32, #tpu.memory_space<vmem>>
    %dma_start3A_107 = tpu.memref_squeeze %dma_start3A_106 : memref<1x64xi32, #tpu.memory_space<vmem>> -> memref<64xi32, #tpu.memory_space<vmem>>
    %dma_start3A_108 = tpu.memref_slice %arg3[%multiple_of3A_103] : memref<320000xi32, #tpu.memory_space<hbm>> -> memref<64xi32, #tpu.memory_space<hbm>>
    %dma_start3A_109 = arith.constant 0 : i32
    %dma_start3A_110 = tpu.memref_slice %arg6[%dma_start3A_104, %dma_start3A_109] : memref<6x64xi32, #tpu.memory_space<vmem>> -> memref<1x64xi32, #tpu.memory_space<vmem>>
    %dma_start3A_111 = tpu.memref_squeeze %dma_start3A_110 : memref<1x64xi32, #tpu.memory_space<vmem>> -> memref<64xi32, #tpu.memory_space<vmem>>
    %dma_start3A_112 = tpu.memref_slice %arg3[%multiple_of3A_103] : memref<320000xi32, #tpu.memory_space<hbm>> -> memref<64xi32, #tpu.memory_space<hbm>>
    tpu.enqueue_dma source(%dma_start3A_112 : memref<64xi32, #tpu.memory_space<hbm>>) target(%dma_start3A_111 : memref<64xi32, #tpu.memory_space<vmem>>) target_semaphore(%arg18 : memref<!tpu.dma_semaphore, #tpu.memory_space<semaphore_mem>>)
    %add3A_113 = arith.constant 256 : i32
    %add3A_114 = arith.addi %mul3A_2, %add3A_113 : i32
    %multiple_of3A_115 = tpu.assume_multiple %add3A_114, 16 : i32
    %dma_start3A_116 = arith.constant 4 : i32
    %dma_start3A_117 = arith.constant 0 : i32
    %dma_start3A_118 = arith.constant 0 : i32
    %dma_start3A_119 = tpu.memref_slice %arg8[%dma_start3A_116, %dma_start3A_117, %dma_start3A_118] : memref<6x64x128xf32, #tpu.memory_space<vmem>> -> memref<1x64x128xf32, #tpu.memory_space<vmem>>
    %dma_start3A_120 = tpu.memref_squeeze %dma_start3A_119 : memref<1x64x128xf32, #tpu.memory_space<vmem>> -> memref<64x128xf32, #tpu.memory_space<vmem>>
    %dma_start3A_121 = arith.constant 0 : i32
    %dma_start3A_122 = tpu.memref_slice %arg2[%multiple_of3A_115, %dma_start3A_121] : memref<320000x128xf32, #tpu.memory_space<hbm>> -> memref<64x128xf32, #tpu.memory_space<hbm>>
    %dma_start3A_123 = arith.constant 0 : i32
    %dma_start3A_124 = arith.constant 0 : i32
    %dma_start3A_125 = tpu.memref_slice %arg8[%dma_start3A_116, %dma_start3A_123, %dma_start3A_124] : memref<6x64x128xf32, #tpu.memory_space<vmem>> -> memref<1x64x128xf32, #tpu.memory_space<vmem>>
    %dma_start3A_126 = tpu.memref_squeeze %dma_start3A_125 : memref<1x64x128xf32, #tpu.memory_space<vmem>> -> memref<64x128xf32, #tpu.memory_space<vmem>>
    %dma_start3A_127 = arith.constant 0 : i32
    %dma_start3A_128 = tpu.memref_slice %arg2[%multiple_of3A_115, %dma_start3A_127] : memref<320000x128xf32, #tpu.memory_space<hbm>> -> memref<64x128xf32, #tpu.memory_space<hbm>>
    tpu.enqueue_dma source(%dma_start3A_128 : memref<64x128xf32, #tpu.memory_space<hbm>>) target(%dma_start3A_126 : memref<64x128xf32, #tpu.memory_space<vmem>>) target_semaphore(%arg13 : memref<!tpu.dma_semaphore, #tpu.memory_space<semaphore_mem>>)
    %add3A_129 = arith.constant 256 : i32
    %add3A_130 = arith.addi %mul3A_2, %add3A_129 : i32
    %multiple_of3A_131 = tpu.assume_multiple %add3A_130, 16 : i32
    %dma_start3A_132 = arith.constant 4 : i32
    %dma_start3A_133 = arith.constant 0 : i32
    %dma_start3A_134 = tpu.memref_slice %arg6[%dma_start3A_132, %dma_start3A_133] : memref<6x64xi32, #tpu.memory_space<vmem>> -> memref<1x64xi32, #tpu.memory_space<vmem>>
    %dma_start3A_135 = tpu.memref_squeeze %dma_start3A_134 : memref<1x64xi32, #tpu.memory_space<vmem>> -> memref<64xi32, #tpu.memory_space<vmem>>
    %dma_start3A_136 = tpu.memref_slice %arg3[%multiple_of3A_131] : memref<320000xi32, #tpu.memory_space<hbm>> -> memref<64xi32, #tpu.memory_space<hbm>>
    %dma_start3A_137 = arith.constant 0 : i32
    %dma_start3A_138 = tpu.memref_slice %arg6[%dma_start3A_132, %dma_start3A_137] : memref<6x64xi32, #tpu.memory_space<vmem>> -> memref<1x64xi32, #tpu.memory_space<vmem>>
    %dma_start3A_139 = tpu.memref_squeeze %dma_start3A_138 : memref<1x64xi32, #tpu.memory_space<vmem>> -> memref<64xi32, #tpu.memory_space<vmem>>
    %dma_start3A_140 = tpu.memref_slice %arg3[%multiple_of3A_131] : memref<320000xi32, #tpu.memory_space<hbm>> -> memref<64xi32, #tpu.memory_space<hbm>>
    tpu.enqueue_dma source(%dma_start3A_140 : memref<64xi32, #tpu.memory_space<hbm>>) target(%dma_start3A_139 : memref<64xi32, #tpu.memory_space<vmem>>) target_semaphore(%arg19 : memref<!tpu.dma_semaphore, #tpu.memory_space<semaphore_mem>>)
    %broadcast_in_dim3A = arith.constant 0.000000e+00 : f32
    %broadcast_in_dim3A_141 = vector.broadcast %broadcast_in_dim3A : f32 to vector<16xf32>
    %scan3A = arith.constant 0 : i32
    %scan3A_142 = arith.constant 64 : i32
    %scan3A_143 = arith.addi %scan3A, %scan3A_142 : i32
    %scan3A_144 = arith.constant 1 : i32
    scf.for %scan3A_851 = %scan3A to %scan3A_143 step %scan3A_144  : i32 {
      %scan3A_852 = arith.constant 0 : i32
      %mul3A_853 = arith.constant 16 : i32
      %mul3A_854 = arith.muli %scan3A_852, %mul3A_853 : i32
      %swap3A = arith.constant 5 : i32
      %swap3A_855 = arith.index_cast %swap3A : i32 to index
      %swap3A_856 = arith.index_cast %scan3A_851 : i32 to index
      %swap3A_857 = arith.index_cast %mul3A_854 : i32 to index
      %swap3A_858 = tpu.vector_load %arg8[%swap3A_855, %swap3A_856, %swap3A_857] {strides = array<i32>} : memref<6x64x128xf32, #tpu.memory_space<vmem>>, vector<1x1x16xf32>,
      %swap3A_859 = vector.shape_cast %swap3A_858 : vector<1x1x16xf32> to vector<16xf32>
      %swap3A_860 = vector.shape_cast %broadcast_in_dim3A_141 : vector<16xf32> to vector<1x1x16xf32>
      tpu.vector_store %arg8[%swap3A_855, %swap3A_856, %swap3A_857], %swap3A_860 {strides = array<i32>} : memref<6x64x128xf32, #tpu.memory_space<vmem>>, vector<1x1x16xf32>,
      %scan3A_861 = arith.constant 1 : i32
      %mul3A_862 = arith.constant 16 : i32
      %mul3A_863 = arith.muli %scan3A_861, %mul3A_862 : i32
      %swap3A_864 = arith.constant 5 : i32
      %swap3A_865 = arith.index_cast %swap3A_864 : i32 to index
      %swap3A_866 = arith.index_cast %scan3A_851 : i32 to index
      %swap3A_867 = arith.index_cast %mul3A_863 : i32 to index
      %swap3A_868 = tpu.vector_load %arg8[%swap3A_865, %swap3A_866, %swap3A_867] {strides = array<i32>} : memref<6x64x128xf32, #tpu.memory_space<vmem>>, vector<1x1x16xf32>,
      %swap3A_869 = vector.shape_cast %swap3A_868 : vector<1x1x16xf32> to vector<16xf32>
      %swap3A_870 = vector.shape_cast %broadcast_in_dim3A_141 : vector<16xf32> to vector<1x1x16xf32>
      tpu.vector_store %arg8[%swap3A_865, %swap3A_866, %swap3A_867], %swap3A_870 {strides = array<i32>} : memref<6x64x128xf32, #tpu.memory_space<vmem>>, vector<1x1x16xf32>,
      %scan3A_871 = arith.constant 2 : i32
      %mul3A_872 = arith.constant 16 : i32
      %mul3A_873 = arith.muli %scan3A_871, %mul3A_872 : i32
      %swap3A_874 = arith.constant 5 : i32
      %swap3A_875 = arith.index_cast %swap3A_874 : i32 to index
      %swap3A_876 = arith.index_cast %scan3A_851 : i32 to index
      %swap3A_877 = arith.index_cast %mul3A_873 : i32 to index
      %swap3A_878 = tpu.vector_load %arg8[%swap3A_875, %swap3A_876, %swap3A_877] {strides = array<i32>} : memref<6x64x128xf32, #tpu.memory_space<vmem>>, vector<1x1x16xf32>,
      %swap3A_879 = vector.shape_cast %swap3A_878 : vector<1x1x16xf32> to vector<16xf32>
      %swap3A_880 = vector.shape_cast %broadcast_in_dim3A_141 : vector<16xf32> to vector<1x1x16xf32>
      tpu.vector_store %arg8[%swap3A_875, %swap3A_876, %swap3A_877], %swap3A_880 {strides = array<i32>} : memref<6x64x128xf32, #tpu.memory_space<vmem>>, vector<1x1x16xf32>,
      %scan3A_881 = arith.constant 3 : i32
      %mul3A_882 = arith.constant 16 : i32
      %mul3A_883 = arith.muli %scan3A_881, %mul3A_882 : i32
      %swap3A_884 = arith.constant 5 : i32
      %swap3A_885 = arith.index_cast %swap3A_884 : i32 to index
      %swap3A_886 = arith.index_cast %scan3A_851 : i32 to index
      %swap3A_887 = arith.index_cast %mul3A_883 : i32 to index
      %swap3A_888 = tpu.vector_load %arg8[%swap3A_885, %swap3A_886, %swap3A_887] {strides = array<i32>} : memref<6x64x128xf32, #tpu.memory_space<vmem>>, vector<1x1x16xf32>,
      %swap3A_889 = vector.shape_cast %swap3A_888 : vector<1x1x16xf32> to vector<16xf32>
      %swap3A_890 = vector.shape_cast %broadcast_in_dim3A_141 : vector<16xf32> to vector<1x1x16xf32>
      tpu.vector_store %arg8[%swap3A_885, %swap3A_886, %swap3A_887], %swap3A_890 {strides = array<i32>} : memref<6x64x128xf32, #tpu.memory_space<vmem>>, vector<1x1x16xf32>,
      %scan3A_891 = arith.constant 4 : i32
      %mul3A_892 = arith.constant 16 : i32
      %mul3A_893 = arith.muli %scan3A_891, %mul3A_892 : i32
      %swap3A_894 = arith.constant 5 : i32
      %swap3A_895 = arith.index_cast %swap3A_894 : i32 to index
      %swap3A_896 = arith.index_cast %scan3A_851 : i32 to index
      %swap3A_897 = arith.index_cast %mul3A_893 : i32 to index
      %swap3A_898 = tpu.vector_load %arg8[%swap3A_895, %swap3A_896, %swap3A_897] {strides = array<i32>} : memref<6x64x128xf32, #tpu.memory_space<vmem>>, vector<1x1x16xf32>,
      %swap3A_899 = vector.shape_cast %swap3A_898 : vector<1x1x16xf32> to vector<16xf32>
      %swap3A_900 = vector.shape_cast %broadcast_in_dim3A_141 : vector<16xf32> to vector<1x1x16xf32>
      tpu.vector_store %arg8[%swap3A_895, %swap3A_896, %swap3A_897], %swap3A_900 {strides = array<i32>} : memref<6x64x128xf32, #tpu.memory_space<vmem>>, vector<1x1x16xf32>,
      %scan3A_901 = arith.constant 5 : i32
      %mul3A_902 = arith.constant 16 : i32
      %mul3A_903 = arith.muli %scan3A_901, %mul3A_902 : i32
      %swap3A_904 = arith.constant 5 : i32
      %swap3A_905 = arith.index_cast %swap3A_904 : i32 to index
      %swap3A_906 = arith.index_cast %scan3A_851 : i32 to index
      %swap3A_907 = arith.index_cast %mul3A_903 : i32 to index
      %swap3A_908 = tpu.vector_load %arg8[%swap3A_905, %swap3A_906, %swap3A_907] {strides = array<i32>} : memref<6x64x128xf32, #tpu.memory_space<vmem>>, vector<1x1x16xf32>,
      %swap3A_909 = vector.shape_cast %swap3A_908 : vector<1x1x16xf32> to vector<16xf32>
      %swap3A_910 = vector.shape_cast %broadcast_in_dim3A_141 : vector<16xf32> to vector<1x1x16xf32>
      tpu.vector_store %arg8[%swap3A_905, %swap3A_906, %swap3A_907], %swap3A_910 {strides = array<i32>} : memref<6x64x128xf32, #tpu.memory_space<vmem>>, vector<1x1x16xf32>,
      %scan3A_911 = arith.constant 6 : i32
      %mul3A_912 = arith.constant 16 : i32
      %mul3A_913 = arith.muli %scan3A_911, %mul3A_912 : i32
      %swap3A_914 = arith.constant 5 : i32
      %swap3A_915 = arith.index_cast %swap3A_914 : i32 to index
      %swap3A_916 = arith.index_cast %scan3A_851 : i32 to index
      %swap3A_917 = arith.index_cast %mul3A_913 : i32 to index
      %swap3A_918 = tpu.vector_load %arg8[%swap3A_915, %swap3A_916, %swap3A_917] {strides = array<i32>} : memref<6x64x128xf32, #tpu.memory_space<vmem>>, vector<1x1x16xf32>,
      %swap3A_919 = vector.shape_cast %swap3A_918 : vector<1x1x16xf32> to vector<16xf32>
      %swap3A_920 = vector.shape_cast %broadcast_in_dim3A_141 : vector<16xf32> to vector<1x1x16xf32>
      tpu.vector_store %arg8[%swap3A_915, %swap3A_916, %swap3A_917], %swap3A_920 {strides = array<i32>} : memref<6x64x128xf32, #tpu.memory_space<vmem>>, vector<1x1x16xf32>,
      %scan3A_921 = arith.constant 7 : i32
      %mul3A_922 = arith.constant 16 : i32
      %mul3A_923 = arith.muli %scan3A_921, %mul3A_922 : i32
      %swap3A_924 = arith.constant 5 : i32
      %swap3A_925 = arith.index_cast %swap3A_924 : i32 to index
      %swap3A_926 = arith.index_cast %scan3A_851 : i32 to index
      %swap3A_927 = arith.index_cast %mul3A_923 : i32 to index
      %swap3A_928 = tpu.vector_load %arg8[%swap3A_925, %swap3A_926, %swap3A_927] {strides = array<i32>} : memref<6x64x128xf32, #tpu.memory_space<vmem>>, vector<1x1x16xf32>,
      %swap3A_929 = vector.shape_cast %swap3A_928 : vector<1x1x16xf32> to vector<16xf32>
      %swap3A_930 = vector.shape_cast %broadcast_in_dim3A_141 : vector<16xf32> to vector<1x1x16xf32>
      tpu.vector_store %arg8[%swap3A_925, %swap3A_926, %swap3A_927], %swap3A_930 {strides = array<i32>} : memref<6x64x128xf32, #tpu.memory_space<vmem>>, vector<1x1x16xf32>,
      %scan3A_931 = arith.constant 8 : i32
    }
    %scan3A_145 = arith.constant 64 : i32
    %mul3A_146 = arith.constant 625 : i32
    %mul3A_147 = arith.muli %arg1, %mul3A_146 : i32
    %add3A_148 = arith.constant 0 : i32
    %add3A_149 = arith.addi %mul3A_147, %add3A_148 : i32
    %dma_start3A_150 = arith.constant 5 : i32
    %dma_start3A_151 = arith.constant 0 : i32
    %dma_start3A_152 = arith.constant 0 : i32
    %dma_start3A_153 = tpu.memref_slice %arg8[%dma_start3A_150, %dma_start3A_151, %dma_start3A_152] : memref<6x64x128xf32, #tpu.memory_space<vmem>> -> memref<1x64x128xf32, #tpu.memory_space<vmem>>
    %dma_start3A_154 = tpu.memref_squeeze %dma_start3A_153 : memref<1x64x128xf32, #tpu.memory_space<vmem>> -> memref<64x128xf32, #tpu.memory_space<vmem>>
    %dma_start3A_155 = arith.constant 0 : i32
    %dma_start3A_156 = tpu.memref_slice %arg5[%add3A_149, %dma_start3A_155] : memref<10000x128xf32, #tpu.memory_space<vmem_shared>> -> memref<64x128xf32, #tpu.memory_space<vmem_shared>>
    %dma_start3A_157 = arith.constant 0 : i32
    %dma_start3A_158 = tpu.memref_slice %arg5[%add3A_149, %dma_start3A_157] : memref<10000x128xf32, #tpu.memory_space<vmem_shared>> -> memref<64x128xf32, #tpu.memory_space<vmem_shared>>
    %dma_start3A_159 = arith.constant 0 : i32
    %dma_start3A_160 = arith.constant 0 : i32
    %dma_start3A_161 = tpu.memref_slice %arg8[%dma_start3A_150, %dma_start3A_159, %dma_start3A_160] : memref<6x64x128xf32, #tpu.memory_space<vmem>> -> memref<1x64x128xf32, #tpu.memory_space<vmem>>
    %dma_start3A_162 = tpu.memref_squeeze %dma_start3A_161 : memref<1x64x128xf32, #tpu.memory_space<vmem>> -> memref<64x128xf32, #tpu.memory_space<vmem>>
    tpu.enqueue_dma source(%dma_start3A_162 : memref<64x128xf32, #tpu.memory_space<vmem>>) target(%dma_start3A_158 : memref<64x128xf32, #tpu.memory_space<vmem_shared>>) target_semaphore(%arg27 : memref<!tpu.dma_semaphore, #tpu.memory_space<semaphore_mem>>)
    %add3A_163 = arith.constant 64 : i32
    %add3A_164 = arith.addi %mul3A_147, %add3A_163 : i32
    %dma_start3A_165 = arith.constant 5 : i32
    %dma_start3A_166 = arith.constant 0 : i32
    %dma_start3A_167 = arith.constant 0 : i32
    %dma_start3A_168 = tpu.memref_slice %arg8[%dma_start3A_165, %dma_start3A_166, %dma_start3A_167] : memref<6x64x128xf32, #tpu.memory_space<vmem>> -> memref<1x64x128xf32, #tpu.memory_space<vmem>>
    %dma_start3A_169 = tpu.memref_squeeze %dma_start3A_168 : memref<1x64x128xf32, #tpu.memory_space<vmem>> -> memref<64x128xf32, #tpu.memory_space<vmem>>
    %dma_start3A_170 = arith.constant 0 : i32
    %dma_start3A_171 = tpu.memref_slice %arg5[%add3A_164, %dma_start3A_170] : memref<10000x128xf32, #tpu.memory_space<vmem_shared>> -> memref<64x128xf32, #tpu.memory_space<vmem_shared>>
    %dma_start3A_172 = arith.constant 0 : i32
    %dma_start3A_173 = tpu.memref_slice %arg5[%add3A_164, %dma_start3A_172] : memref<10000x128xf32, #tpu.memory_space<vmem_shared>> -> memref<64x128xf32, #tpu.memory_space<vmem_shared>>
    %dma_start3A_174 = arith.constant 0 : i32
    %dma_start3A_175 = arith.constant 0 : i32
    %dma_start3A_176 = tpu.memref_slice %arg8[%dma_start3A_165, %dma_start3A_174, %dma_start3A_175] : memref<6x64x128xf32, #tpu.memory_space<vmem>> -> memref<1x64x128xf32, #tpu.memory_space<vmem>>
    %dma_start3A_177 = tpu.memref_squeeze %dma_start3A_176 : memref<1x64x128xf32, #tpu.memory_space<vmem>> -> memref<64x128xf32, #tpu.memory_space<vmem>>
    tpu.enqueue_dma source(%dma_start3A_177 : memref<64x128xf32, #tpu.memory_space<vmem>>) target(%dma_start3A_173 : memref<64x128xf32, #tpu.memory_space<vmem_shared>>) target_semaphore(%arg27 : memref<!tpu.dma_semaphore, #tpu.memory_space<semaphore_mem>>)
    %add3A_178 = arith.constant 128 : i32
    %add3A_179 = arith.addi %mul3A_147, %add3A_178 : i32
    %dma_start3A_180 = arith.constant 5 : i32
    %dma_start3A_181 = arith.constant 0 : i32
    %dma_start3A_182 = arith.constant 0 : i32
    %dma_start3A_183 = tpu.memref_slice %arg8[%dma_start3A_180, %dma_start3A_181, %dma_start3A_182] : memref<6x64x128xf32, #tpu.memory_space<vmem>> -> memref<1x64x128xf32, #tpu.memory_space<vmem>>
    %dma_start3A_184 = tpu.memref_squeeze %dma_start3A_183 : memref<1x64x128xf32, #tpu.memory_space<vmem>> -> memref<64x128xf32, #tpu.memory_space<vmem>>
    %dma_start3A_185 = arith.constant 0 : i32
    %dma_start3A_186 = tpu.memref_slice %arg5[%add3A_179, %dma_start3A_185] : memref<10000x128xf32, #tpu.memory_space<vmem_shared>> -> memref<64x128xf32, #tpu.memory_space<vmem_shared>>
    %dma_start3A_187 = arith.constant 0 : i32
    %dma_start3A_188 = tpu.memref_slice %arg5[%add3A_179, %dma_start3A_187] : memref<10000x128xf32, #tpu.memory_space<vmem_shared>> -> memref<64x128xf32, #tpu.memory_space<vmem_shared>>
    %dma_start3A_189 = arith.constant 0 : i32
    %dma_start3A_190 = arith.constant 0 : i32
    %dma_start3A_191 = tpu.memref_slice %arg8[%dma_start3A_180, %dma_start3A_189, %dma_start3A_190] : memref<6x64x128xf32, #tpu.memory_space<vmem>> -> memref<1x64x128xf32, #tpu.memory_space<vmem>>
    %dma_start3A_192 = tpu.memref_squeeze %dma_start3A_191 : memref<1x64x128xf32, #tpu.memory_space<vmem>> -> memref<64x128xf32, #tpu.memory_space<vmem>>
    tpu.enqueue_dma source(%dma_start3A_192 : memref<64x128xf32, #tpu.memory_space<vmem>>) target(%dma_start3A_188 : memref<64x128xf32, #tpu.memory_space<vmem_shared>>) target_semaphore(%arg27 : memref<!tpu.dma_semaphore, #tpu.memory_space<semaphore_mem>>)
    %add3A_193 = arith.constant 192 : i32
    %add3A_194 = arith.addi %mul3A_147, %add3A_193 : i32
    %dma_start3A_195 = arith.constant 5 : i32
    %dma_start3A_196 = arith.constant 0 : i32
    %dma_start3A_197 = arith.constant 0 : i32
    %dma_start3A_198 = tpu.memref_slice %arg8[%dma_start3A_195, %dma_start3A_196, %dma_start3A_197] : memref<6x64x128xf32, #tpu.memory_space<vmem>> -> memref<1x64x128xf32, #tpu.memory_space<vmem>>
    %dma_start3A_199 = tpu.memref_squeeze %dma_start3A_198 : memref<1x64x128xf32, #tpu.memory_space<vmem>> -> memref<64x128xf32, #tpu.memory_space<vmem>>
    %dma_start3A_200 = arith.constant 0 : i32
    %dma_start3A_201 = tpu.memref_slice %arg5[%add3A_194, %dma_start3A_200] : memref<10000x128xf32, #tpu.memory_space<vmem_shared>> -> memref<64x128xf32, #tpu.memory_space<vmem_shared>>
    %dma_start3A_202 = arith.constant 0 : i32
    %dma_start3A_203 = tpu.memref_slice %arg5[%add3A_194, %dma_start3A_202] : memref<10000x128xf32, #tpu.memory_space<vmem_shared>> -> memref<64x128xf32, #tpu.memory_space<vmem_shared>>
    %dma_start3A_204 = arith.constant 0 : i32
    %dma_start3A_205 = arith.constant 0 : i32
    %dma_start3A_206 = tpu.memref_slice %arg8[%dma_start3A_195, %dma_start3A_204, %dma_start3A_205] : memref<6x64x128xf32, #tpu.memory_space<vmem>> -> memref<1x64x128xf32, #tpu.memory_space<vmem>>
    %dma_start3A_207 = tpu.memref_squeeze %dma_start3A_206 : memref<1x64x128xf32, #tpu.memory_space<vmem>> -> memref<64x128xf32, #tpu.memory_space<vmem>>
    tpu.enqueue_dma source(%dma_start3A_207 : memref<64x128xf32, #tpu.memory_space<vmem>>) target(%dma_start3A_203 : memref<64x128xf32, #tpu.memory_space<vmem_shared>>) target_semaphore(%arg27 : memref<!tpu.dma_semaphore, #tpu.memory_space<semaphore_mem>>)
    %add3A_208 = arith.constant 256 : i32
    %add3A_209 = arith.addi %mul3A_147, %add3A_208 : i32
    %dma_start3A_210 = arith.constant 5 : i32
    %dma_start3A_211 = arith.constant 0 : i32
    %dma_start3A_212 = arith.constant 0 : i32
    %dma_start3A_213 = tpu.memref_slice %arg8[%dma_start3A_210, %dma_start3A_211, %dma_start3A_212] : memref<6x64x128xf32, #tpu.memory_space<vmem>> -> memref<1x64x128xf32, #tpu.memory_space<vmem>>
    %dma_start3A_214 = tpu.memref_squeeze %dma_start3A_213 : memref<1x64x128xf32, #tpu.memory_space<vmem>> -> memref<64x128xf32, #tpu.memory_space<vmem>>
    %dma_start3A_215 = arith.constant 0 : i32
    %dma_start3A_216 = tpu.memref_slice %arg5[%add3A_209, %dma_start3A_215] : memref<10000x128xf32, #tpu.memory_space<vmem_shared>> -> memref<64x128xf32, #tpu.memory_space<vmem_shared>>
    %dma_start3A_217 = arith.constant 0 : i32
    %dma_start3A_218 = tpu.memref_slice %arg5[%add3A_209, %dma_start3A_217] : memref<10000x128xf32, #tpu.memory_space<vmem_shared>> -> memref<64x128xf32, #tpu.memory_space<vmem_shared>>
    %dma_start3A_219 = arith.constant 0 : i32
    %dma_start3A_220 = arith.constant 0 : i32
    %dma_start3A_221 = tpu.memref_slice %arg8[%dma_start3A_210, %dma_start3A_219, %dma_start3A_220] : memref<6x64x128xf32, #tpu.memory_space<vmem>> -> memref<1x64x128xf32, #tpu.memory_space<vmem>>
    %dma_start3A_222 = tpu.memref_squeeze %dma_start3A_221 : memref<1x64x128xf32, #tpu.memory_space<vmem>> -> memref<64x128xf32, #tpu.memory_space<vmem>>
    tpu.enqueue_dma source(%dma_start3A_222 : memref<64x128xf32, #tpu.memory_space<vmem>>) target(%dma_start3A_218 : memref<64x128xf32, #tpu.memory_space<vmem_shared>>) target_semaphore(%arg27 : memref<!tpu.dma_semaphore, #tpu.memory_space<semaphore_mem>>)
    %add3A_223 = arith.constant 320 : i32
    %add3A_224 = arith.addi %mul3A_147, %add3A_223 : i32
    %dma_start3A_225 = arith.constant 5 : i32
    %dma_start3A_226 = arith.constant 0 : i32
    %dma_start3A_227 = arith.constant 0 : i32
    %dma_start3A_228 = tpu.memref_slice %arg8[%dma_start3A_225, %dma_start3A_226, %dma_start3A_227] : memref<6x64x128xf32, #tpu.memory_space<vmem>> -> memref<1x64x128xf32, #tpu.memory_space<vmem>>
    %dma_start3A_229 = tpu.memref_squeeze %dma_start3A_228 : memref<1x64x128xf32, #tpu.memory_space<vmem>> -> memref<64x128xf32, #tpu.memory_space<vmem>>
    %dma_start3A_230 = arith.constant 0 : i32
    %dma_start3A_231 = tpu.memref_slice %arg5[%add3A_224, %dma_start3A_230] : memref<10000x128xf32, #tpu.memory_space<vmem_shared>> -> memref<64x128xf32, #tpu.memory_space<vmem_shared>>
    %dma_start3A_232 = arith.constant 0 : i32
    %dma_start3A_233 = tpu.memref_slice %arg5[%add3A_224, %dma_start3A_232] : memref<10000x128xf32, #tpu.memory_space<vmem_shared>> -> memref<64x128xf32, #tpu.memory_space<vmem_shared>>
    %dma_start3A_234 = arith.constant 0 : i32
    %dma_start3A_235 = arith.constant 0 : i32
    %dma_start3A_236 = tpu.memref_slice %arg8[%dma_start3A_225, %dma_start3A_234, %dma_start3A_235] : memref<6x64x128xf32, #tpu.memory_space<vmem>> -> memref<1x64x128xf32, #tpu.memory_space<vmem>>
    %dma_start3A_237 = tpu.memref_squeeze %dma_start3A_236 : memref<1x64x128xf32, #tpu.memory_space<vmem>> -> memref<64x128xf32, #tpu.memory_space<vmem>>
    tpu.enqueue_dma source(%dma_start3A_237 : memref<64x128xf32, #tpu.memory_space<vmem>>) target(%dma_start3A_233 : memref<64x128xf32, #tpu.memory_space<vmem_shared>>) target_semaphore(%arg27 : memref<!tpu.dma_semaphore, #tpu.memory_space<semaphore_mem>>)
    %add3A_238 = arith.constant 384 : i32
    %add3A_239 = arith.addi %mul3A_147, %add3A_238 : i32
    %dma_start3A_240 = arith.constant 5 : i32
    %dma_start3A_241 = arith.constant 0 : i32
    %dma_start3A_242 = arith.constant 0 : i32
    %dma_start3A_243 = tpu.memref_slice %arg8[%dma_start3A_240, %dma_start3A_241, %dma_start3A_242] : memref<6x64x128xf32, #tpu.memory_space<vmem>> -> memref<1x64x128xf32, #tpu.memory_space<vmem>>
    %dma_start3A_244 = tpu.memref_squeeze %dma_start3A_243 : memref<1x64x128xf32, #tpu.memory_space<vmem>> -> memref<64x128xf32, #tpu.memory_space<vmem>>
    %dma_start3A_245 = arith.constant 0 : i32
    %dma_start3A_246 = tpu.memref_slice %arg5[%add3A_239, %dma_start3A_245] : memref<10000x128xf32, #tpu.memory_space<vmem_shared>> -> memref<64x128xf32, #tpu.memory_space<vmem_shared>>
    %dma_start3A_247 = arith.constant 0 : i32
    %dma_start3A_248 = tpu.memref_slice %arg5[%add3A_239, %dma_start3A_247] : memref<10000x128xf32, #tpu.memory_space<vmem_shared>> -> memref<64x128xf32, #tpu.memory_space<vmem_shared>>
    %dma_start3A_249 = arith.constant 0 : i32
    %dma_start3A_250 = arith.constant 0 : i32
    %dma_start3A_251 = tpu.memref_slice %arg8[%dma_start3A_240, %dma_start3A_249, %dma_start3A_250] : memref<6x64x128xf32, #tpu.memory_space<vmem>> -> memref<1x64x128xf32, #tpu.memory_space<vmem>>
    %dma_start3A_252 = tpu.memref_squeeze %dma_start3A_251 : memref<1x64x128xf32, #tpu.memory_space<vmem>> -> memref<64x128xf32, #tpu.memory_space<vmem>>
    tpu.enqueue_dma source(%dma_start3A_252 : memref<64x128xf32, #tpu.memory_space<vmem>>) target(%dma_start3A_248 : memref<64x128xf32, #tpu.memory_space<vmem_shared>>) target_semaphore(%arg27 : memref<!tpu.dma_semaphore, #tpu.memory_space<semaphore_mem>>)
    %add3A_253 = arith.constant 448 : i32
    %add3A_254 = arith.addi %mul3A_147, %add3A_253 : i32
    %dma_start3A_255 = arith.constant 5 : i32
    %dma_start3A_256 = arith.constant 0 : i32
    %dma_start3A_257 = arith.constant 0 : i32
    %dma_start3A_258 = tpu.memref_slice %arg8[%dma_start3A_255, %dma_start3A_256, %dma_start3A_257] : memref<6x64x128xf32, #tpu.memory_space<vmem>> -> memref<1x64x128xf32, #tpu.memory_space<vmem>>
    %dma_start3A_259 = tpu.memref_squeeze %dma_start3A_258 : memref<1x64x128xf32, #tpu.memory_space<vmem>> -> memref<64x128xf32, #tpu.memory_space<vmem>>
    %dma_start3A_260 = arith.constant 0 : i32
    %dma_start3A_261 = tpu.memref_slice %arg5[%add3A_254, %dma_start3A_260] : memref<10000x128xf32, #tpu.memory_space<vmem_shared>> -> memref<64x128xf32, #tpu.memory_space<vmem_shared>>
    %dma_start3A_262 = arith.constant 0 : i32
    %dma_start3A_263 = tpu.memref_slice %arg5[%add3A_254, %dma_start3A_262] : memref<10000x128xf32, #tpu.memory_space<vmem_shared>> -> memref<64x128xf32, #tpu.memory_space<vmem_shared>>
    %dma_start3A_264 = arith.constant 0 : i32
    %dma_start3A_265 = arith.constant 0 : i32
    %dma_start3A_266 = tpu.memref_slice %arg8[%dma_start3A_255, %dma_start3A_264, %dma_start3A_265] : memref<6x64x128xf32, #tpu.memory_space<vmem>> -> memref<1x64x128xf32, #tpu.memory_space<vmem>>
    %dma_start3A_267 = tpu.memref_squeeze %dma_start3A_266 : memref<1x64x128xf32, #tpu.memory_space<vmem>> -> memref<64x128xf32, #tpu.memory_space<vmem>>
    tpu.enqueue_dma source(%dma_start3A_267 : memref<64x128xf32, #tpu.memory_space<vmem>>) target(%dma_start3A_263 : memref<64x128xf32, #tpu.memory_space<vmem_shared>>) target_semaphore(%arg27 : memref<!tpu.dma_semaphore, #tpu.memory_space<semaphore_mem>>)
    %add3A_268 = arith.constant 512 : i32
    %add3A_269 = arith.addi %mul3A_147, %add3A_268 : i32
    %dma_start3A_270 = arith.constant 5 : i32
    %dma_start3A_271 = arith.constant 0 : i32
    %dma_start3A_272 = arith.constant 0 : i32
    %dma_start3A_273 = tpu.memref_slice %arg8[%dma_start3A_270, %dma_start3A_271, %dma_start3A_272] : memref<6x64x128xf32, #tpu.memory_space<vmem>> -> memref<1x64x128xf32, #tpu.memory_space<vmem>>
    %dma_start3A_274 = tpu.memref_squeeze %dma_start3A_273 : memref<1x64x128xf32, #tpu.memory_space<vmem>> -> memref<64x128xf32, #tpu.memory_space<vmem>>
    %dma_start3A_275 = arith.constant 0 : i32
    %dma_start3A_276 = tpu.memref_slice %arg5[%add3A_269, %dma_start3A_275] : memref<10000x128xf32, #tpu.memory_space<vmem_shared>> -> memref<64x128xf32, #tpu.memory_space<vmem_shared>>
    %dma_start3A_277 = arith.constant 0 : i32
    %dma_start3A_278 = tpu.memref_slice %arg5[%add3A_269, %dma_start3A_277] : memref<10000x128xf32, #tpu.memory_space<vmem_shared>> -> memref<64x128xf32, #tpu.memory_space<vmem_shared>>
    %dma_start3A_279 = arith.constant 0 : i32
    %dma_start3A_280 = arith.constant 0 : i32
    %dma_start3A_281 = tpu.memref_slice %arg8[%dma_start3A_270, %dma_start3A_279, %dma_start3A_280] : memref<6x64x128xf32, #tpu.memory_space<vmem>> -> memref<1x64x128xf32, #tpu.memory_space<vmem>>
    %dma_start3A_282 = tpu.memref_squeeze %dma_start3A_281 : memref<1x64x128xf32, #tpu.memory_space<vmem>> -> memref<64x128xf32, #tpu.memory_space<vmem>>
    tpu.enqueue_dma source(%dma_start3A_282 : memref<64x128xf32, #tpu.memory_space<vmem>>) target(%dma_start3A_278 : memref<64x128xf32, #tpu.memory_space<vmem_shared>>) target_semaphore(%arg27 : memref<!tpu.dma_semaphore, #tpu.memory_space<semaphore_mem>>)
    %add3A_283 = arith.constant 625 : i32
    %add3A_284 = arith.addi %mul3A_147, %add3A_283 : i32
    %sub3A = arith.constant 49 : i32
    %sub3A_285 = arith.subi %add3A_284, %sub3A : i32
    %dma_start3A_286 = arith.constant 5 : i32
    %dma_start3A_287 = arith.constant 0 : i32
    %dma_start3A_288 = arith.constant 0 : i32
    %dma_start3A_289 = tpu.memref_slice %arg8[%dma_start3A_286, %dma_start3A_287, %dma_start3A_288] : memref<6x64x128xf32, #tpu.memory_space<vmem>> -> memref<1x49x128xf32, #tpu.memory_space<vmem>>
    %dma_start3A_290 = tpu.memref_squeeze %dma_start3A_289 : memref<1x49x128xf32, #tpu.memory_space<vmem>> -> memref<49x128xf32, #tpu.memory_space<vmem>>
    %dma_start3A_291 = arith.constant 0 : i32
    %dma_start3A_292 = tpu.memref_slice %arg5[%sub3A_285, %dma_start3A_291] : memref<10000x128xf32, #tpu.memory_space<vmem_shared>> -> memref<49x128xf32, #tpu.memory_space<vmem_shared>>
    %dma_start3A_293 = arith.constant 0 : i32
    %dma_start3A_294 = tpu.memref_slice %arg5[%sub3A_285, %dma_start3A_293] : memref<10000x128xf32, #tpu.memory_space<vmem_shared>> -> memref<49x128xf32, #tpu.memory_space<vmem_shared>>
    %dma_start3A_295 = arith.constant 0 : i32
    %dma_start3A_296 = arith.constant 0 : i32
    %dma_start3A_297 = tpu.memref_slice %arg8[%dma_start3A_286, %dma_start3A_295, %dma_start3A_296] : memref<6x64x128xf32, #tpu.memory_space<vmem>> -> memref<1x49x128xf32, #tpu.memory_space<vmem>>
    %dma_start3A_298 = tpu.memref_squeeze %dma_start3A_297 : memref<1x49x128xf32, #tpu.memory_space<vmem>> -> memref<49x128xf32, #tpu.memory_space<vmem>>
    tpu.enqueue_dma source(%dma_start3A_298 : memref<49x128xf32, #tpu.memory_space<vmem>>) target(%dma_start3A_294 : memref<49x128xf32, #tpu.memory_space<vmem_shared>>) target_semaphore(%arg27 : memref<!tpu.dma_semaphore, #tpu.memory_space<semaphore_mem>>)
    %add3A_299 = arith.constant 0 : i32
    %add3A_300 = arith.addi %mul3A_147, %add3A_299 : i32
    %dma_wait3A = arith.constant 5 : i32
    %dma_wait3A_301 = arith.constant 0 : i32
    %dma_wait3A_302 = arith.constant 0 : i32
    %dma_wait3A_303 = tpu.memref_slice %arg8[%dma_wait3A, %dma_wait3A_301, %dma_wait3A_302] : memref<6x64x128xf32, #tpu.memory_space<vmem>> -> memref<1x64x128xf32, #tpu.memory_space<vmem>>
    %dma_wait3A_304 = tpu.memref_squeeze %dma_wait3A_303 : memref<1x64x128xf32, #tpu.memory_space<vmem>> -> memref<64x128xf32, #tpu.memory_space<vmem>>
    %dma_wait3A_305 = arith.constant 0 : i32
    %dma_wait3A_306 = tpu.memref_slice %arg5[%add3A_300, %dma_wait3A_305] : memref<10000x128xf32, #tpu.memory_space<vmem_shared>> -> memref<64x128xf32, #tpu.memory_space<vmem_shared>>
    %dma_wait3A_307 = arith.constant 0 : i32
    %dma_wait3A_308 = tpu.memref_slice %arg5[%add3A_300, %dma_wait3A_307] : memref<10000x128xf32, #tpu.memory_space<vmem_shared>> -> memref<64x128xf32, #tpu.memory_space<vmem_shared>>
    %dma_wait3A_309 = arith.constant 0 : i32
    %dma_wait3A_310 = arith.constant 0 : i32
    %dma_wait3A_311 = tpu.memref_slice %arg8[%dma_wait3A, %dma_wait3A_309, %dma_wait3A_310] : memref<6x64x128xf32, #tpu.memory_space<vmem>> -> memref<1x64x128xf32, #tpu.memory_space<vmem>>
    %dma_wait3A_312 = tpu.memref_squeeze %dma_wait3A_311 : memref<1x64x128xf32, #tpu.memory_space<vmem>> -> memref<64x128xf32, #tpu.memory_space<vmem>>
    tpu.wait_dma2 semaphore(%arg27 : memref<!tpu.dma_semaphore, #tpu.memory_space<semaphore_mem>>) src(%dma_wait3A_312 : memref<64x128xf32, #tpu.memory_space<vmem>>) dst(%dma_wait3A_308 : memref<64x128xf32, #tpu.memory_space<vmem_shared>>)
    %add3A_313 = arith.constant 64 : i32
    %add3A_314 = arith.addi %mul3A_147, %add3A_313 : i32
    %dma_wait3A_315 = arith.constant 5 : i32
    %dma_wait3A_316 = arith.constant 0 : i32
    %dma_wait3A_317 = arith.constant 0 : i32
    %dma_wait3A_318 = tpu.memref_slice %arg8[%dma_wait3A_315, %dma_wait3A_316, %dma_wait3A_317] : memref<6x64x128xf32, #tpu.memory_space<vmem>> -> memref<1x64x128xf32, #tpu.memory_space<vmem>>
    %dma_wait3A_319 = tpu.memref_squeeze %dma_wait3A_318 : memref<1x64x128xf32, #tpu.memory_space<vmem>> -> memref<64x128xf32, #tpu.memory_space<vmem>>
    %dma_wait3A_320 = arith.constant 0 : i32
    %dma_wait3A_321 = tpu.memref_slice %arg5[%add3A_314, %dma_wait3A_320] : memref<10000x128xf32, #tpu.memory_space<vmem_shared>> -> memref<64x128xf32, #tpu.memory_space<vmem_shared>>
    %dma_wait3A_322 = arith.constant 0 : i32
    %dma_wait3A_323 = tpu.memref_slice %arg5[%add3A_314, %dma_wait3A_322] : memref<10000x128xf32, #tpu.memory_space<vmem_shared>> -> memref<64x128xf32, #tpu.memory_space<vmem_shared>>
    %dma_wait3A_324 = arith.constant 0 : i32
    %dma_wait3A_325 = arith.constant 0 : i32
    %dma_wait3A_326 = tpu.memref_slice %arg8[%dma_wait3A_315, %dma_wait3A_324, %dma_wait3A_325] : memref<6x64x128xf32, #tpu.memory_space<vmem>> -> memref<1x64x128xf32, #tpu.memory_space<vmem>>
    %dma_wait3A_327 = tpu.memref_squeeze %dma_wait3A_326 : memref<1x64x128xf32, #tpu.memory_space<vmem>> -> memref<64x128xf32, #tpu.memory_space<vmem>>
    tpu.wait_dma2 semaphore(%arg27 : memref<!tpu.dma_semaphore, #tpu.memory_space<semaphore_mem>>) src(%dma_wait3A_327 : memref<64x128xf32, #tpu.memory_space<vmem>>) dst(%dma_wait3A_323 : memref<64x128xf32, #tpu.memory_space<vmem_shared>>)
    %add3A_328 = arith.constant 128 : i32
    %add3A_329 = arith.addi %mul3A_147, %add3A_328 : i32
    %dma_wait3A_330 = arith.constant 5 : i32
    %dma_wait3A_331 = arith.constant 0 : i32
    %dma_wait3A_332 = arith.constant 0 : i32
    %dma_wait3A_333 = tpu.memref_slice %arg8[%dma_wait3A_330, %dma_wait3A_331, %dma_wait3A_332] : memref<6x64x128xf32, #tpu.memory_space<vmem>> -> memref<1x64x128xf32, #tpu.memory_space<vmem>>
    %dma_wait3A_334 = tpu.memref_squeeze %dma_wait3A_333 : memref<1x64x128xf32, #tpu.memory_space<vmem>> -> memref<64x128xf32, #tpu.memory_space<vmem>>
    %dma_wait3A_335 = arith.constant 0 : i32
    %dma_wait3A_336 = tpu.memref_slice %arg5[%add3A_329, %dma_wait3A_335] : memref<10000x128xf32, #tpu.memory_space<vmem_shared>> -> memref<64x128xf32, #tpu.memory_space<vmem_shared>>
    %dma_wait3A_337 = arith.constant 0 : i32
    %dma_wait3A_338 = tpu.memref_slice %arg5[%add3A_329, %dma_wait3A_337] : memref<10000x128xf32, #tpu.memory_space<vmem_shared>> -> memref<64x128xf32, #tpu.memory_space<vmem_shared>>
    %dma_wait3A_339 = arith.constant 0 : i32
    %dma_wait3A_340 = arith.constant 0 : i32
    %dma_wait3A_341 = tpu.memref_slice %arg8[%dma_wait3A_330, %dma_wait3A_339, %dma_wait3A_340] : memref<6x64x128xf32, #tpu.memory_space<vmem>> -> memref<1x64x128xf32, #tpu.memory_space<vmem>>
    %dma_wait3A_342 = tpu.memref_squeeze %dma_wait3A_341 : memref<1x64x128xf32, #tpu.memory_space<vmem>> -> memref<64x128xf32, #tpu.memory_space<vmem>>
    tpu.wait_dma2 semaphore(%arg27 : memref<!tpu.dma_semaphore, #tpu.memory_space<semaphore_mem>>) src(%dma_wait3A_342 : memref<64x128xf32, #tpu.memory_space<vmem>>) dst(%dma_wait3A_338 : memref<64x128xf32, #tpu.memory_space<vmem_shared>>)
    %add3A_343 = arith.constant 192 : i32
    %add3A_344 = arith.addi %mul3A_147, %add3A_343 : i32
    %dma_wait3A_345 = arith.constant 5 : i32
    %dma_wait3A_346 = arith.constant 0 : i32
    %dma_wait3A_347 = arith.constant 0 : i32
    %dma_wait3A_348 = tpu.memref_slice %arg8[%dma_wait3A_345, %dma_wait3A_346, %dma_wait3A_347] : memref<6x64x128xf32, #tpu.memory_space<vmem>> -> memref<1x64x128xf32, #tpu.memory_space<vmem>>
    %dma_wait3A_349 = tpu.memref_squeeze %dma_wait3A_348 : memref<1x64x128xf32, #tpu.memory_space<vmem>> -> memref<64x128xf32, #tpu.memory_space<vmem>>
    %dma_wait3A_350 = arith.constant 0 : i32
    %dma_wait3A_351 = tpu.memref_slice %arg5[%add3A_344, %dma_wait3A_350] : memref<10000x128xf32, #tpu.memory_space<vmem_shared>> -> memref<64x128xf32, #tpu.memory_space<vmem_shared>>
    %dma_wait3A_352 = arith.constant 0 : i32
    %dma_wait3A_353 = tpu.memref_slice %arg5[%add3A_344, %dma_wait3A_352] : memref<10000x128xf32, #tpu.memory_space<vmem_shared>> -> memref<64x128xf32, #tpu.memory_space<vmem_shared>>
    %dma_wait3A_354 = arith.constant 0 : i32
    %dma_wait3A_355 = arith.constant 0 : i32
    %dma_wait3A_356 = tpu.memref_slice %arg8[%dma_wait3A_345, %dma_wait3A_354, %dma_wait3A_355] : memref<6x64x128xf32, #tpu.memory_space<vmem>> -> memref<1x64x128xf32, #tpu.memory_space<vmem>>
    %dma_wait3A_357 = tpu.memref_squeeze %dma_wait3A_356 : memref<1x64x128xf32, #tpu.memory_space<vmem>> -> memref<64x128xf32, #tpu.memory_space<vmem>>
    tpu.wait_dma2 semaphore(%arg27 : memref<!tpu.dma_semaphore, #tpu.memory_space<semaphore_mem>>) src(%dma_wait3A_357 : memref<64x128xf32, #tpu.memory_space<vmem>>) dst(%dma_wait3A_353 : memref<64x128xf32, #tpu.memory_space<vmem_shared>>)
    %add3A_358 = arith.constant 256 : i32
    %add3A_359 = arith.addi %mul3A_147, %add3A_358 : i32
    %dma_wait3A_360 = arith.constant 5 : i32
    %dma_wait3A_361 = arith.constant 0 : i32
    %dma_wait3A_362 = arith.constant 0 : i32
    %dma_wait3A_363 = tpu.memref_slice %arg8[%dma_wait3A_360, %dma_wait3A_361, %dma_wait3A_362] : memref<6x64x128xf32, #tpu.memory_space<vmem>> -> memref<1x64x128xf32, #tpu.memory_space<vmem>>
    %dma_wait3A_364 = tpu.memref_squeeze %dma_wait3A_363 : memref<1x64x128xf32, #tpu.memory_space<vmem>> -> memref<64x128xf32, #tpu.memory_space<vmem>>
    %dma_wait3A_365 = arith.constant 0 : i32
    %dma_wait3A_366 = tpu.memref_slice %arg5[%add3A_359, %dma_wait3A_365] : memref<10000x128xf32, #tpu.memory_space<vmem_shared>> -> memref<64x128xf32, #tpu.memory_space<vmem_shared>>
    %dma_wait3A_367 = arith.constant 0 : i32
    %dma_wait3A_368 = tpu.memref_slice %arg5[%add3A_359, %dma_wait3A_367] : memref<10000x128xf32, #tpu.memory_space<vmem_shared>> -> memref<64x128xf32, #tpu.memory_space<vmem_shared>>
    %dma_wait3A_369 = arith.constant 0 : i32
    %dma_wait3A_370 = arith.constant 0 : i32
    %dma_wait3A_371 = tpu.memref_slice %arg8[%dma_wait3A_360, %dma_wait3A_369, %dma_wait3A_370] : memref<6x64x128xf32, #tpu.memory_space<vmem>> -> memref<1x64x128xf32, #tpu.memory_space<vmem>>
    %dma_wait3A_372 = tpu.memref_squeeze %dma_wait3A_371 : memref<1x64x128xf32, #tpu.memory_space<vmem>> -> memref<64x128xf32, #tpu.memory_space<vmem>>
    tpu.wait_dma2 semaphore(%arg27 : memref<!tpu.dma_semaphore, #tpu.memory_space<semaphore_mem>>) src(%dma_wait3A_372 : memref<64x128xf32, #tpu.memory_space<vmem>>) dst(%dma_wait3A_368 : memref<64x128xf32, #tpu.memory_space<vmem_shared>>)
    %add3A_373 = arith.constant 320 : i32
    %add3A_374 = arith.addi %mul3A_147, %add3A_373 : i32
    %dma_wait3A_375 = arith.constant 5 : i32
    %dma_wait3A_376 = arith.constant 0 : i32
    %dma_wait3A_377 = arith.constant 0 : i32
    %dma_wait3A_378 = tpu.memref_slice %arg8[%dma_wait3A_375, %dma_wait3A_376, %dma_wait3A_377] : memref<6x64x128xf32, #tpu.memory_space<vmem>> -> memref<1x64x128xf32, #tpu.memory_space<vmem>>
    %dma_wait3A_379 = tpu.memref_squeeze %dma_wait3A_378 : memref<1x64x128xf32, #tpu.memory_space<vmem>> -> memref<64x128xf32, #tpu.memory_space<vmem>>
    %dma_wait3A_380 = arith.constant 0 : i32
    %dma_wait3A_381 = tpu.memref_slice %arg5[%add3A_374, %dma_wait3A_380] : memref<10000x128xf32, #tpu.memory_space<vmem_shared>> -> memref<64x128xf32, #tpu.memory_space<vmem_shared>>
    %dma_wait3A_382 = arith.constant 0 : i32
    %dma_wait3A_383 = tpu.memref_slice %arg5[%add3A_374, %dma_wait3A_382] : memref<10000x128xf32, #tpu.memory_space<vmem_shared>> -> memref<64x128xf32, #tpu.memory_space<vmem_shared>>
    %dma_wait3A_384 = arith.constant 0 : i32
    %dma_wait3A_385 = arith.constant 0 : i32
    %dma_wait3A_386 = tpu.memref_slice %arg8[%dma_wait3A_375, %dma_wait3A_384, %dma_wait3A_385] : memref<6x64x128xf32, #tpu.memory_space<vmem>> -> memref<1x64x128xf32, #tpu.memory_space<vmem>>
    %dma_wait3A_387 = tpu.memref_squeeze %dma_wait3A_386 : memref<1x64x128xf32, #tpu.memory_space<vmem>> -> memref<64x128xf32, #tpu.memory_space<vmem>>
    tpu.wait_dma2 semaphore(%arg27 : memref<!tpu.dma_semaphore, #tpu.memory_space<semaphore_mem>>) src(%dma_wait3A_387 : memref<64x128xf32, #tpu.memory_space<vmem>>) dst(%dma_wait3A_383 : memref<64x128xf32, #tpu.memory_space<vmem_shared>>)
    %add3A_388 = arith.constant 384 : i32
    %add3A_389 = arith.addi %mul3A_147, %add3A_388 : i32
    %dma_wait3A_390 = arith.constant 5 : i32
    %dma_wait3A_391 = arith.constant 0 : i32
    %dma_wait3A_392 = arith.constant 0 : i32
    %dma_wait3A_393 = tpu.memref_slice %arg8[%dma_wait3A_390, %dma_wait3A_391, %dma_wait3A_392] : memref<6x64x128xf32, #tpu.memory_space<vmem>> -> memref<1x64x128xf32, #tpu.memory_space<vmem>>
    %dma_wait3A_394 = tpu.memref_squeeze %dma_wait3A_393 : memref<1x64x128xf32, #tpu.memory_space<vmem>> -> memref<64x128xf32, #tpu.memory_space<vmem>>
    %dma_wait3A_395 = arith.constant 0 : i32
    %dma_wait3A_396 = tpu.memref_slice %arg5[%add3A_389, %dma_wait3A_395] : memref<10000x128xf32, #tpu.memory_space<vmem_shared>> -> memref<64x128xf32, #tpu.memory_space<vmem_shared>>
    %dma_wait3A_397 = arith.constant 0 : i32
    %dma_wait3A_398 = tpu.memref_slice %arg5[%add3A_389, %dma_wait3A_397] : memref<10000x128xf32, #tpu.memory_space<vmem_shared>> -> memref<64x128xf32, #tpu.memory_space<vmem_shared>>
    %dma_wait3A_399 = arith.constant 0 : i32
    %dma_wait3A_400 = arith.constant 0 : i32
    %dma_wait3A_401 = tpu.memref_slice %arg8[%dma_wait3A_390, %dma_wait3A_399, %dma_wait3A_400] : memref<6x64x128xf32, #tpu.memory_space<vmem>> -> memref<1x64x128xf32, #tpu.memory_space<vmem>>
    %dma_wait3A_402 = tpu.memref_squeeze %dma_wait3A_401 : memref<1x64x128xf32, #tpu.memory_space<vmem>> -> memref<64x128xf32, #tpu.memory_space<vmem>>
    tpu.wait_dma2 semaphore(%arg27 : memref<!tpu.dma_semaphore, #tpu.memory_space<semaphore_mem>>) src(%dma_wait3A_402 : memref<64x128xf32, #tpu.memory_space<vmem>>) dst(%dma_wait3A_398 : memref<64x128xf32, #tpu.memory_space<vmem_shared>>)
    %add3A_403 = arith.constant 448 : i32
    %add3A_404 = arith.addi %mul3A_147, %add3A_403 : i32
    %dma_wait3A_405 = arith.constant 5 : i32
    %dma_wait3A_406 = arith.constant 0 : i32
    %dma_wait3A_407 = arith.constant 0 : i32
    %dma_wait3A_408 = tpu.memref_slice %arg8[%dma_wait3A_405, %dma_wait3A_406, %dma_wait3A_407] : memref<6x64x128xf32, #tpu.memory_space<vmem>> -> memref<1x64x128xf32, #tpu.memory_space<vmem>>
    %dma_wait3A_409 = tpu.memref_squeeze %dma_wait3A_408 : memref<1x64x128xf32, #tpu.memory_space<vmem>> -> memref<64x128xf32, #tpu.memory_space<vmem>>
    %dma_wait3A_410 = arith.constant 0 : i32
    %dma_wait3A_411 = tpu.memref_slice %arg5[%add3A_404, %dma_wait3A_410] : memref<10000x128xf32, #tpu.memory_space<vmem_shared>> -> memref<64x128xf32, #tpu.memory_space<vmem_shared>>
    %dma_wait3A_412 = arith.constant 0 : i32
    %dma_wait3A_413 = tpu.memref_slice %arg5[%add3A_404, %dma_wait3A_412] : memref<10000x128xf32, #tpu.memory_space<vmem_shared>> -> memref<64x128xf32, #tpu.memory_space<vmem_shared>>
    %dma_wait3A_414 = arith.constant 0 : i32
    %dma_wait3A_415 = arith.constant 0 : i32
    %dma_wait3A_416 = tpu.memref_slice %arg8[%dma_wait3A_405, %dma_wait3A_414, %dma_wait3A_415] : memref<6x64x128xf32, #tpu.memory_space<vmem>> -> memref<1x64x128xf32, #tpu.memory_space<vmem>>
    %dma_wait3A_417 = tpu.memref_squeeze %dma_wait3A_416 : memref<1x64x128xf32, #tpu.memory_space<vmem>> -> memref<64x128xf32, #tpu.memory_space<vmem>>
    tpu.wait_dma2 semaphore(%arg27 : memref<!tpu.dma_semaphore, #tpu.memory_space<semaphore_mem>>) src(%dma_wait3A_417 : memref<64x128xf32, #tpu.memory_space<vmem>>) dst(%dma_wait3A_413 : memref<64x128xf32, #tpu.memory_space<vmem_shared>>)
    %add3A_418 = arith.constant 512 : i32
    %add3A_419 = arith.addi %mul3A_147, %add3A_418 : i32
    %dma_wait3A_420 = arith.constant 5 : i32
    %dma_wait3A_421 = arith.constant 0 : i32
    %dma_wait3A_422 = arith.constant 0 : i32
    %dma_wait3A_423 = tpu.memref_slice %arg8[%dma_wait3A_420, %dma_wait3A_421, %dma_wait3A_422] : memref<6x64x128xf32, #tpu.memory_space<vmem>> -> memref<1x64x128xf32, #tpu.memory_space<vmem>>
    %dma_wait3A_424 = tpu.memref_squeeze %dma_wait3A_423 : memref<1x64x128xf32, #tpu.memory_space<vmem>> -> memref<64x128xf32, #tpu.memory_space<vmem>>
    %dma_wait3A_425 = arith.constant 0 : i32
    %dma_wait3A_426 = tpu.memref_slice %arg5[%add3A_419, %dma_wait3A_425] : memref<10000x128xf32, #tpu.memory_space<vmem_shared>> -> memref<64x128xf32, #tpu.memory_space<vmem_shared>>
    %dma_wait3A_427 = arith.constant 0 : i32
    %dma_wait3A_428 = tpu.memref_slice %arg5[%add3A_419, %dma_wait3A_427] : memref<10000x128xf32, #tpu.memory_space<vmem_shared>> -> memref<64x128xf32, #tpu.memory_space<vmem_shared>>
    %dma_wait3A_429 = arith.constant 0 : i32
    %dma_wait3A_430 = arith.constant 0 : i32
    %dma_wait3A_431 = tpu.memref_slice %arg8[%dma_wait3A_420, %dma_wait3A_429, %dma_wait3A_430] : memref<6x64x128xf32, #tpu.memory_space<vmem>> -> memref<1x64x128xf32, #tpu.memory_space<vmem>>
    %dma_wait3A_432 = tpu.memref_squeeze %dma_wait3A_431 : memref<1x64x128xf32, #tpu.memory_space<vmem>> -> memref<64x128xf32, #tpu.memory_space<vmem>>
    tpu.wait_dma2 semaphore(%arg27 : memref<!tpu.dma_semaphore, #tpu.memory_space<semaphore_mem>>) src(%dma_wait3A_432 : memref<64x128xf32, #tpu.memory_space<vmem>>) dst(%dma_wait3A_428 : memref<64x128xf32, #tpu.memory_space<vmem_shared>>)
    %add3A_433 = arith.constant 625 : i32
    %add3A_434 = arith.addi %mul3A_147, %add3A_433 : i32
    %sub3A_435 = arith.constant 49 : i32
    %sub3A_436 = arith.subi %add3A_434, %sub3A_435 : i32
    %dma_wait3A_437 = arith.constant 5 : i32
    %dma_wait3A_438 = arith.constant 0 : i32
    %dma_wait3A_439 = arith.constant 0 : i32
    %dma_wait3A_440 = tpu.memref_slice %arg8[%dma_wait3A_437, %dma_wait3A_438, %dma_wait3A_439] : memref<6x64x128xf32, #tpu.memory_space<vmem>> -> memref<1x49x128xf32, #tpu.memory_space<vmem>>
    %dma_wait3A_441 = tpu.memref_squeeze %dma_wait3A_440 : memref<1x49x128xf32, #tpu.memory_space<vmem>> -> memref<49x128xf32, #tpu.memory_space<vmem>>
    %dma_wait3A_442 = arith.constant 0 : i32
    %dma_wait3A_443 = tpu.memref_slice %arg5[%sub3A_436, %dma_wait3A_442] : memref<10000x128xf32, #tpu.memory_space<vmem_shared>> -> memref<49x128xf32, #tpu.memory_space<vmem_shared>>
    %dma_wait3A_444 = arith.constant 0 : i32
    %dma_wait3A_445 = tpu.memref_slice %arg5[%sub3A_436, %dma_wait3A_444] : memref<10000x128xf32, #tpu.memory_space<vmem_shared>> -> memref<49x128xf32, #tpu.memory_space<vmem_shared>>
    %dma_wait3A_446 = arith.constant 0 : i32
    %dma_wait3A_447 = arith.constant 0 : i32
    %dma_wait3A_448 = tpu.memref_slice %arg8[%dma_wait3A_437, %dma_wait3A_446, %dma_wait3A_447] : memref<6x64x128xf32, #tpu.memory_space<vmem>> -> memref<1x49x128xf32, #tpu.memory_space<vmem>>
    %dma_wait3A_449 = tpu.memref_squeeze %dma_wait3A_448 : memref<1x49x128xf32, #tpu.memory_space<vmem>> -> memref<49x128xf32, #tpu.memory_space<vmem>>
    tpu.wait_dma2 semaphore(%arg27 : memref<!tpu.dma_semaphore, #tpu.memory_space<semaphore_mem>>) src(%dma_wait3A_449 : memref<49x128xf32, #tpu.memory_space<vmem>>) dst(%dma_wait3A_445 : memref<49x128xf32, #tpu.memory_space<vmem_shared>>)
    %add3A_450 = arith.constant 320 : i32
    %add3A_451 = arith.addi %mul3A_2, %add3A_450 : i32
    %multiple_of3A_452 = tpu.assume_multiple %add3A_451, 16 : i32
    %dma_start3A_453 = arith.constant 5 : i32
    %dma_start3A_454 = arith.constant 0 : i32
    %dma_start3A_455 = arith.constant 0 : i32
    %dma_start3A_456 = tpu.memref_slice %arg8[%dma_start3A_453, %dma_start3A_454, %dma_start3A_455] : memref<6x64x128xf32, #tpu.memory_space<vmem>> -> memref<1x64x128xf32, #tpu.memory_space<vmem>>
    %dma_start3A_457 = tpu.memref_squeeze %dma_start3A_456 : memref<1x64x128xf32, #tpu.memory_space<vmem>> -> memref<64x128xf32, #tpu.memory_space<vmem>>
    %dma_start3A_458 = arith.constant 0 : i32
    %dma_start3A_459 = tpu.memref_slice %arg2[%multiple_of3A_452, %dma_start3A_458] : memref<320000x128xf32, #tpu.memory_space<hbm>> -> memref<64x128xf32, #tpu.memory_space<hbm>>
    %dma_start3A_460 = arith.constant 0 : i32
    %dma_start3A_461 = arith.constant 0 : i32
    %dma_start3A_462 = tpu.memref_slice %arg8[%dma_start3A_453, %dma_start3A_460, %dma_start3A_461] : memref<6x64x128xf32, #tpu.memory_space<vmem>> -> memref<1x64x128xf32, #tpu.memory_space<vmem>>
    %dma_start3A_463 = tpu.memref_squeeze %dma_start3A_462 : memref<1x64x128xf32, #tpu.memory_space<vmem>> -> memref<64x128xf32, #tpu.memory_space<vmem>>
    %dma_start3A_464 = arith.constant 0 : i32
    %dma_start3A_465 = tpu.memref_slice %arg2[%multiple_of3A_452, %dma_start3A_464] : memref<320000x128xf32, #tpu.memory_space<hbm>> -> memref<64x128xf32, #tpu.memory_space<hbm>>
    tpu.enqueue_dma source(%dma_start3A_465 : memref<64x128xf32, #tpu.memory_space<hbm>>) target(%dma_start3A_463 : memref<64x128xf32, #tpu.memory_space<vmem>>) target_semaphore(%arg14 : memref<!tpu.dma_semaphore, #tpu.memory_space<semaphore_mem>>)
    %add3A_466 = arith.constant 320 : i32
    %add3A_467 = arith.addi %mul3A_2, %add3A_466 : i32
    %multiple_of3A_468 = tpu.assume_multiple %add3A_467, 16 : i32
    %dma_start3A_469 = arith.constant 5 : i32
    %dma_start3A_470 = arith.constant 0 : i32
    %dma_start3A_471 = tpu.memref_slice %arg6[%dma_start3A_469, %dma_start3A_470] : memref<6x64xi32, #tpu.memory_space<vmem>> -> memref<1x64xi32, #tpu.memory_space<vmem>>
    %dma_start3A_472 = tpu.memref_squeeze %dma_start3A_471 : memref<1x64xi32, #tpu.memory_space<vmem>> -> memref<64xi32, #tpu.memory_space<vmem>>
    %dma_start3A_473 = tpu.memref_slice %arg3[%multiple_of3A_468] : memref<320000xi32, #tpu.memory_space<hbm>> -> memref<64xi32, #tpu.memory_space<hbm>>
    %dma_start3A_474 = arith.constant 0 : i32
    %dma_start3A_475 = tpu.memref_slice %arg6[%dma_start3A_469, %dma_start3A_474] : memref<6x64xi32, #tpu.memory_space<vmem>> -> memref<1x64xi32, #tpu.memory_space<vmem>>
    %dma_start3A_476 = tpu.memref_squeeze %dma_start3A_475 : memref<1x64xi32, #tpu.memory_space<vmem>> -> memref<64xi32, #tpu.memory_space<vmem>>
    %dma_start3A_477 = tpu.memref_slice %arg3[%multiple_of3A_468] : memref<320000xi32, #tpu.memory_space<hbm>> -> memref<64xi32, #tpu.memory_space<hbm>>
    tpu.enqueue_dma source(%dma_start3A_477 : memref<64xi32, #tpu.memory_space<hbm>>) target(%dma_start3A_476 : memref<64xi32, #tpu.memory_space<vmem>>) target_semaphore(%arg20 : memref<!tpu.dma_semaphore, #tpu.memory_space<semaphore_mem>>)
    %barrier3A = arith.constant 0 : index
    tpu.barrier barrier_id(%barrier3A)
    %add3A_478 = arith.constant 0 : i32
    %add3A_479 = arith.addi %mul3A_2, %add3A_478 : i32
    %multiple_of3A_480 = tpu.assume_multiple %add3A_479, 16 : i32
    %dma_wait3A_481 = arith.constant 0 : i32
    %dma_wait3A_482 = arith.constant 0 : i32
    %dma_wait3A_483 = arith.constant 0 : i32
    %dma_wait3A_484 = tpu.memref_slice %arg8[%dma_wait3A_481, %dma_wait3A_482, %dma_wait3A_483] : memref<6x64x128xf32, #tpu.memory_space<vmem>> -> memref<1x64x128xf32, #tpu.memory_space<vmem>>
    %dma_wait3A_485 = tpu.memref_squeeze %dma_wait3A_484 : memref<1x64x128xf32, #tpu.memory_space<vmem>> -> memref<64x128xf32, #tpu.memory_space<vmem>>
    %dma_wait3A_486 = arith.constant 0 : i32
    %dma_wait3A_487 = tpu.memref_slice %arg2[%multiple_of3A_480, %dma_wait3A_486] : memref<320000x128xf32, #tpu.memory_space<hbm>> -> memref<64x128xf32, #tpu.memory_space<hbm>>
    %dma_wait3A_488 = arith.constant 0 : i32
    %dma_wait3A_489 = arith.constant 0 : i32
    %dma_wait3A_490 = tpu.memref_slice %arg8[%dma_wait3A_481, %dma_wait3A_488, %dma_wait3A_489] : memref<6x64x128xf32, #tpu.memory_space<vmem>> -> memref<1x64x128xf32, #tpu.memory_space<vmem>>
    %dma_wait3A_491 = tpu.memref_squeeze %dma_wait3A_490 : memref<1x64x128xf32, #tpu.memory_space<vmem>> -> memref<64x128xf32, #tpu.memory_space<vmem>>
    %dma_wait3A_492 = arith.constant 0 : i32
    %dma_wait3A_493 = tpu.memref_slice %arg2[%multiple_of3A_480, %dma_wait3A_492] : memref<320000x128xf32, #tpu.memory_space<hbm>> -> memref<64x128xf32, #tpu.memory_space<hbm>>
    tpu.wait_dma2 semaphore(%arg9 : memref<!tpu.dma_semaphore, #tpu.memory_space<semaphore_mem>>) src(%dma_wait3A_493 : memref<64x128xf32, #tpu.memory_space<hbm>>) dst(%dma_wait3A_491 : memref<64x128xf32, #tpu.memory_space<vmem>>)
    %add3A_494 = arith.constant 0 : i32
    %add3A_495 = arith.addi %mul3A_2, %add3A_494 : i32
    %multiple_of3A_496 = tpu.assume_multiple %add3A_495, 16 : i32
    %dma_wait3A_497 = arith.constant 0 : i32
    %dma_wait3A_498 = arith.constant 0 : i32
    %dma_wait3A_499 = tpu.memref_slice %arg6[%dma_wait3A_497, %dma_wait3A_498] : memref<6x64xi32, #tpu.memory_space<vmem>> -> memref<1x64xi32, #tpu.memory_space<vmem>>
    %dma_wait3A_500 = tpu.memref_squeeze %dma_wait3A_499 : memref<1x64xi32, #tpu.memory_space<vmem>> -> memref<64xi32, #tpu.memory_space<vmem>>
    %dma_wait3A_501 = tpu.memref_slice %arg3[%multiple_of3A_496] : memref<320000xi32, #tpu.memory_space<hbm>> -> memref<64xi32, #tpu.memory_space<hbm>>
    %dma_wait3A_502 = arith.constant 0 : i32
    %dma_wait3A_503 = tpu.memref_slice %arg6[%dma_wait3A_497, %dma_wait3A_502] : memref<6x64xi32, #tpu.memory_space<vmem>> -> memref<1x64xi32, #tpu.memory_space<vmem>>
    %dma_wait3A_504 = tpu.memref_squeeze %dma_wait3A_503 : memref<1x64xi32, #tpu.memory_space<vmem>> -> memref<64xi32, #tpu.memory_space<vmem>>
    %dma_wait3A_505 = tpu.memref_slice %arg3[%multiple_of3A_496] : memref<320000xi32, #tpu.memory_space<hbm>> -> memref<64xi32, #tpu.memory_space<hbm>>
    tpu.wait_dma2 semaphore(%arg15 : memref<!tpu.dma_semaphore, #tpu.memory_space<semaphore_mem>>) src(%dma_wait3A_505 : memref<64xi32, #tpu.memory_space<hbm>>) dst(%dma_wait3A_504 : memref<64xi32, #tpu.memory_space<vmem>>)
    %dma_start3A_506 = arith.constant 0 : i32
    %dma_start3A_507 = arith.constant 0 : i32
    %dma_start3A_508 = arith.constant 0 : i32
    %dma_start3A_509 = arith.constant 0 : i32
    %dma_start3A_510 = tpu.memref_slice %arg8[%dma_start3A_506, %dma_start3A_508, %dma_start3A_509] : memref<6x64x128xf32, #tpu.memory_space<vmem>> -> memref<1x64x128xf32, #tpu.memory_space<vmem>>
    %dma_start3A_511 = tpu.memref_squeeze %dma_start3A_510 : memref<1x64x128xf32, #tpu.memory_space<vmem>> -> memref<64x128xf32, #tpu.memory_space<vmem>>
    %dma_start3A_512 = arith.constant 0 : i32
    %dma_start3A_513 = tpu.memref_slice %arg6[%dma_start3A_507, %dma_start3A_512] : memref<6x64xi32, #tpu.memory_space<vmem>> -> memref<1x64xi32, #tpu.memory_space<vmem>>
    %dma_start3A_514 = tpu.memref_squeeze %dma_start3A_513 : memref<1x64xi32, #tpu.memory_space<vmem>> -> memref<64xi32, #tpu.memory_space<vmem>>
    %dma_start3A_515 = arith.constant 0 : i32
    %dma_start3A_516 = arith.constant 0 : i32
    %dma_start3A_517 = tpu.memref_slice %arg5[%dma_start3A_515, %dma_start3A_516] : memref<10000x128xf32, #tpu.memory_space<vmem_shared>> -> memref<10000x128xf32, #tpu.memory_space<vmem_shared>>
    tpu.enqueue_indirect_dma source(%dma_start3A_511 : memref<64x128xf32, #tpu.memory_space<vmem>>) target(%dma_start3A_517 : memref<10000x128xf32, #tpu.memory_space<vmem_shared>>) offsets(%dma_start3A_514 : memref<64xi32, #tpu.memory_space<vmem>>) semaphore(%arg21 : memref<!tpu.dma_semaphore, #tpu.memory_space<semaphore_mem>>) {add = true}
    %add3A_518 = arith.constant 64 : i32
    %add3A_519 = arith.addi %mul3A_2, %add3A_518 : i32
    %multiple_of3A_520 = tpu.assume_multiple %add3A_519, 16 : i32
    %dma_wait3A_521 = arith.constant 1 : i32
    %dma_wait3A_522 = arith.constant 0 : i32
    %dma_wait3A_523 = arith.constant 0 : i32
    %dma_wait3A_524 = tpu.memref_slice %arg8[%dma_wait3A_521, %dma_wait3A_522, %dma_wait3A_523] : memref<6x64x128xf32, #tpu.memory_space<vmem>> -> memref<1x64x128xf32, #tpu.memory_space<vmem>>
    %dma_wait3A_525 = tpu.memref_squeeze %dma_wait3A_524 : memref<1x64x128xf32, #tpu.memory_space<vmem>> -> memref<64x128xf32, #tpu.memory_space<vmem>>
    %dma_wait3A_526 = arith.constant 0 : i32
    %dma_wait3A_527 = tpu.memref_slice %arg2[%multiple_of3A_520, %dma_wait3A_526] : memref<320000x128xf32, #tpu.memory_space<hbm>> -> memref<64x128xf32, #tpu.memory_space<hbm>>
    %dma_wait3A_528 = arith.constant 0 : i32
    %dma_wait3A_529 = arith.constant 0 : i32
    %dma_wait3A_530 = tpu.memref_slice %arg8[%dma_wait3A_521, %dma_wait3A_528, %dma_wait3A_529] : memref<6x64x128xf32, #tpu.memory_space<vmem>> -> memref<1x64x128xf32, #tpu.memory_space<vmem>>
    %dma_wait3A_531 = tpu.memref_squeeze %dma_wait3A_530 : memref<1x64x128xf32, #tpu.memory_space<vmem>> -> memref<64x128xf32, #tpu.memory_space<vmem>>
    %dma_wait3A_532 = arith.constant 0 : i32
    %dma_wait3A_533 = tpu.memref_slice %arg2[%multiple_of3A_520, %dma_wait3A_532] : memref<320000x128xf32, #tpu.memory_space<hbm>> -> memref<64x128xf32, #tpu.memory_space<hbm>>
    tpu.wait_dma2 semaphore(%arg10 : memref<!tpu.dma_semaphore, #tpu.memory_space<semaphore_mem>>) src(%dma_wait3A_533 : memref<64x128xf32, #tpu.memory_space<hbm>>) dst(%dma_wait3A_531 : memref<64x128xf32, #tpu.memory_space<vmem>>)
    %add3A_534 = arith.constant 64 : i32
    %add3A_535 = arith.addi %mul3A_2, %add3A_534 : i32
    %multiple_of3A_536 = tpu.assume_multiple %add3A_535, 16 : i32
    %dma_wait3A_537 = arith.constant 1 : i32
    %dma_wait3A_538 = arith.constant 0 : i32
    %dma_wait3A_539 = tpu.memref_slice %arg6[%dma_wait3A_537, %dma_wait3A_538] : memref<6x64xi32, #tpu.memory_space<vmem>> -> memref<1x64xi32, #tpu.memory_space<vmem>>
    %dma_wait3A_540 = tpu.memref_squeeze %dma_wait3A_539 : memref<1x64xi32, #tpu.memory_space<vmem>> -> memref<64xi32, #tpu.memory_space<vmem>>
    %dma_wait3A_541 = tpu.memref_slice %arg3[%multiple_of3A_536] : memref<320000xi32, #tpu.memory_space<hbm>> -> memref<64xi32, #tpu.memory_space<hbm>>
    %dma_wait3A_542 = arith.constant 0 : i32
    %dma_wait3A_543 = tpu.memref_slice %arg6[%dma_wait3A_537, %dma_wait3A_542] : memref<6x64xi32, #tpu.memory_space<vmem>> -> memref<1x64xi32, #tpu.memory_space<vmem>>
    %dma_wait3A_544 = tpu.memref_squeeze %dma_wait3A_543 : memref<1x64xi32, #tpu.memory_space<vmem>> -> memref<64xi32, #tpu.memory_space<vmem>>
    %dma_wait3A_545 = tpu.memref_slice %arg3[%multiple_of3A_536] : memref<320000xi32, #tpu.memory_space<hbm>> -> memref<64xi32, #tpu.memory_space<hbm>>
    tpu.wait_dma2 semaphore(%arg16 : memref<!tpu.dma_semaphore, #tpu.memory_space<semaphore_mem>>) src(%dma_wait3A_545 : memref<64xi32, #tpu.memory_space<hbm>>) dst(%dma_wait3A_544 : memref<64xi32, #tpu.memory_space<vmem>>)
    %dma_start3A_546 = arith.constant 1 : i32
    %dma_start3A_547 = arith.constant 1 : i32
    %dma_start3A_548 = arith.constant 0 : i32
    %dma_start3A_549 = arith.constant 0 : i32
    %dma_start3A_550 = tpu.memref_slice %arg8[%dma_start3A_546, %dma_start3A_548, %dma_start3A_549] : memref<6x64x128xf32, #tpu.memory_space<vmem>> -> memref<1x64x128xf32, #tpu.memory_space<vmem>>
    %dma_start3A_551 = tpu.memref_squeeze %dma_start3A_550 : memref<1x64x128xf32, #tpu.memory_space<vmem>> -> memref<64x128xf32, #tpu.memory_space<vmem>>
    %dma_start3A_552 = arith.constant 0 : i32
    %dma_start3A_553 = tpu.memref_slice %arg6[%dma_start3A_547, %dma_start3A_552] : memref<6x64xi32, #tpu.memory_space<vmem>> -> memref<1x64xi32, #tpu.memory_space<vmem>>
    %dma_start3A_554 = tpu.memref_squeeze %dma_start3A_553 : memref<1x64xi32, #tpu.memory_space<vmem>> -> memref<64xi32, #tpu.memory_space<vmem>>
    %dma_start3A_555 = arith.constant 0 : i32
    %dma_start3A_556 = arith.constant 0 : i32
    %dma_start3A_557 = tpu.memref_slice %arg5[%dma_start3A_555, %dma_start3A_556] : memref<10000x128xf32, #tpu.memory_space<vmem_shared>> -> memref<10000x128xf32, #tpu.memory_space<vmem_shared>>
    tpu.enqueue_indirect_dma source(%dma_start3A_551 : memref<64x128xf32, #tpu.memory_space<vmem>>) target(%dma_start3A_557 : memref<10000x128xf32, #tpu.memory_space<vmem_shared>>) offsets(%dma_start3A_554 : memref<64xi32, #tpu.memory_space<vmem>>) semaphore(%arg22 : memref<!tpu.dma_semaphore, #tpu.memory_space<semaphore_mem>>) {add = true}
    %scan3A_558 = arith.constant 0 : i32
    %scan3A_559 = arith.constant 25 : i32
    %scan3A_560 = arith.addi %scan3A_558, %scan3A_559 : i32
    %scan3A_561 = arith.constant 1 : i32
    scf.for %scan3A_851 = %scan3A_558 to %scan3A_560 step %scan3A_561  : i32 {
      %mul3A_852 = arith.constant 6 : i32
      %mul3A_853 = arith.muli %scan3A_851, %mul3A_852 : i32
      %add3A_854 = arith.constant 0 : i32
      %add3A_855 = arith.addi %mul3A_853, %add3A_854 : i32
      %add3A_856 = arith.constant 2 : i32
      %add3A_857 = arith.addi %add3A_855, %add3A_856 : i32
      %mul3A_858 = arith.constant 64 : i32
      %mul3A_859 = arith.muli %add3A_857, %mul3A_858 : i32
      %add3A_860 = arith.addi %mul3A_2, %mul3A_859 : i32
      %multiple_of3A_861 = tpu.assume_multiple %add3A_860, 16 : i32
      %dma_wait3A_862 = arith.constant 2 : i32
      %dma_wait3A_863 = arith.constant 0 : i32
      %dma_wait3A_864 = arith.constant 0 : i32
      %dma_wait3A_865 = tpu.memref_slice %arg8[%dma_wait3A_862, %dma_wait3A_863, %dma_wait3A_864] : memref<6x64x128xf32, #tpu.memory_space<vmem>> -> memref<1x64x128xf32, #tpu.memory_space<vmem>>
      %dma_wait3A_866 = tpu.memref_squeeze %dma_wait3A_865 : memref<1x64x128xf32, #tpu.memory_space<vmem>> -> memref<64x128xf32, #tpu.memory_space<vmem>>
      %dma_wait3A_867 = arith.constant 0 : i32
      %dma_wait3A_868 = tpu.memref_slice %arg2[%multiple_of3A_861, %dma_wait3A_867] : memref<320000x128xf32, #tpu.memory_space<hbm>> -> memref<64x128xf32, #tpu.memory_space<hbm>>
      %dma_wait3A_869 = arith.constant 0 : i32
      %dma_wait3A_870 = arith.constant 0 : i32
      %dma_wait3A_871 = tpu.memref_slice %arg8[%dma_wait3A_862, %dma_wait3A_869, %dma_wait3A_870] : memref<6x64x128xf32, #tpu.memory_space<vmem>> -> memref<1x64x128xf32, #tpu.memory_space<vmem>>
      %dma_wait3A_872 = tpu.memref_squeeze %dma_wait3A_871 : memref<1x64x128xf32, #tpu.memory_space<vmem>> -> memref<64x128xf32, #tpu.memory_space<vmem>>
      %dma_wait3A_873 = arith.constant 0 : i32
      %dma_wait3A_874 = tpu.memref_slice %arg2[%multiple_of3A_861, %dma_wait3A_873] : memref<320000x128xf32, #tpu.memory_space<hbm>> -> memref<64x128xf32, #tpu.memory_space<hbm>>
      tpu.wait_dma2 semaphore(%arg11 : memref<!tpu.dma_semaphore, #tpu.memory_space<semaphore_mem>>) src(%dma_wait3A_874 : memref<64x128xf32, #tpu.memory_space<hbm>>) dst(%dma_wait3A_872 : memref<64x128xf32, #tpu.memory_space<vmem>>)
      %mul3A_875 = arith.constant 64 : i32
      %mul3A_876 = arith.muli %add3A_857, %mul3A_875 : i32
      %add3A_877 = arith.addi %mul3A_2, %mul3A_876 : i32
      %multiple_of3A_878 = tpu.assume_multiple %add3A_877, 16 : i32
      %dma_wait3A_879 = arith.constant 2 : i32
      %dma_wait3A_880 = arith.constant 0 : i32
      %dma_wait3A_881 = tpu.memref_slice %arg6[%dma_wait3A_879, %dma_wait3A_880] : memref<6x64xi32, #tpu.memory_space<vmem>> -> memref<1x64xi32, #tpu.memory_space<vmem>>
      %dma_wait3A_882 = tpu.memref_squeeze %dma_wait3A_881 : memref<1x64xi32, #tpu.memory_space<vmem>> -> memref<64xi32, #tpu.memory_space<vmem>>
      %dma_wait3A_883 = tpu.memref_slice %arg3[%multiple_of3A_878] : memref<320000xi32, #tpu.memory_space<hbm>> -> memref<64xi32, #tpu.memory_space<hbm>>
      %dma_wait3A_884 = arith.constant 0 : i32
      %dma_wait3A_885 = tpu.memref_slice %arg6[%dma_wait3A_879, %dma_wait3A_884] : memref<6x64xi32, #tpu.memory_space<vmem>> -> memref<1x64xi32, #tpu.memory_space<vmem>>
      %dma_wait3A_886 = tpu.memref_squeeze %dma_wait3A_885 : memref<1x64xi32, #tpu.memory_space<vmem>> -> memref<64xi32, #tpu.memory_space<vmem>>
      %dma_wait3A_887 = tpu.memref_slice %arg3[%multiple_of3A_878] : memref<320000xi32, #tpu.memory_space<hbm>> -> memref<64xi32, #tpu.memory_space<hbm>>
      tpu.wait_dma2 semaphore(%arg17 : memref<!tpu.dma_semaphore, #tpu.memory_space<semaphore_mem>>) src(%dma_wait3A_887 : memref<64xi32, #tpu.memory_space<hbm>>) dst(%dma_wait3A_886 : memref<64xi32, #tpu.memory_space<vmem>>)
      %dma_start3A_888 = arith.constant 2 : i32
      %dma_start3A_889 = arith.constant 2 : i32
      %dma_start3A_890 = arith.constant 0 : i32
      %dma_start3A_891 = arith.constant 0 : i32
      %dma_start3A_892 = tpu.memref_slice %arg8[%dma_start3A_888, %dma_start3A_890, %dma_start3A_891] : memref<6x64x128xf32, #tpu.memory_space<vmem>> -> memref<1x64x128xf32, #tpu.memory_space<vmem>>
      %dma_start3A_893 = tpu.memref_squeeze %dma_start3A_892 : memref<1x64x128xf32, #tpu.memory_space<vmem>> -> memref<64x128xf32, #tpu.memory_space<vmem>>
      %dma_start3A_894 = arith.constant 0 : i32
      %dma_start3A_895 = tpu.memref_slice %arg6[%dma_start3A_889, %dma_start3A_894] : memref<6x64xi32, #tpu.memory_space<vmem>> -> memref<1x64xi32, #tpu.memory_space<vmem>>
      %dma_start3A_896 = tpu.memref_squeeze %dma_start3A_895 : memref<1x64xi32, #tpu.memory_space<vmem>> -> memref<64xi32, #tpu.memory_space<vmem>>
      %dma_start3A_897 = arith.constant 0 : i32
      %dma_start3A_898 = arith.constant 0 : i32
      %dma_start3A_899 = tpu.memref_slice %arg5[%dma_start3A_897, %dma_start3A_898] : memref<10000x128xf32, #tpu.memory_space<vmem_shared>> -> memref<10000x128xf32, #tpu.memory_space<vmem_shared>>
      tpu.enqueue_indirect_dma source(%dma_start3A_893 : memref<64x128xf32, #tpu.memory_space<vmem>>) target(%dma_start3A_899 : memref<10000x128xf32, #tpu.memory_space<vmem_shared>>) offsets(%dma_start3A_896 : memref<64xi32, #tpu.memory_space<vmem>>) semaphore(%arg23 : memref<!tpu.dma_semaphore, #tpu.memory_space<semaphore_mem>>) {add = true}
      %dma_wait3A_900 = arith.constant 0 : i32
      %dma_wait3A_901 = arith.constant 0 : i32
      %dma_wait3A_902 = arith.constant 0 : i32
      %dma_wait3A_903 = arith.constant 0 : i32
      %dma_wait3A_904 = tpu.memref_slice %arg8[%dma_wait3A_900, %dma_wait3A_902, %dma_wait3A_903] : memref<6x64x128xf32, #tpu.memory_space<vmem>> -> memref<1x64x128xf32, #tpu.memory_space<vmem>>
      %dma_wait3A_905 = tpu.memref_squeeze %dma_wait3A_904 : memref<1x64x128xf32, #tpu.memory_space<vmem>> -> memref<64x128xf32, #tpu.memory_space<vmem>>
      %dma_wait3A_906 = arith.constant 0 : i32
      %dma_wait3A_907 = tpu.memref_slice %arg6[%dma_wait3A_901, %dma_wait3A_906] : memref<6x64xi32, #tpu.memory_space<vmem>> -> memref<1x64xi32, #tpu.memory_space<vmem>>
      %dma_wait3A_908 = tpu.memref_squeeze %dma_wait3A_907 : memref<1x64xi32, #tpu.memory_space<vmem>> -> memref<64xi32, #tpu.memory_space<vmem>>
      %dma_wait3A_909 = arith.constant 0 : i32
      %dma_wait3A_910 = arith.constant 0 : i32
      %dma_wait3A_911 = tpu.memref_slice %arg5[%dma_wait3A_909, %dma_wait3A_910] : memref<10000x128xf32, #tpu.memory_space<vmem_shared>> -> memref<10000x128xf32, #tpu.memory_space<vmem_shared>>
      tpu.wait_indirect_dma semaphore(%arg21 : memref<!tpu.dma_semaphore, #tpu.memory_space<semaphore_mem>>) src(%dma_wait3A_905 : memref<64x128xf32, #tpu.memory_space<vmem>>) dst(%dma_wait3A_911 : memref<10000x128xf32, #tpu.memory_space<vmem_shared>>)
      %add3A_912 = arith.constant 4 : i32
      %add3A_913 = arith.addi %add3A_857, %add3A_912 : i32
      %mul3A_914 = arith.constant 64 : i32
      %mul3A_915 = arith.muli %add3A_913, %mul3A_914 : i32
      %add3A_916 = arith.addi %mul3A_2, %mul3A_915 : i32
      %multiple_of3A_917 = tpu.assume_multiple %add3A_916, 16 : i32
      %dma_start3A_918 = arith.constant 0 : i32
      %dma_start3A_919 = arith.constant 0 : i32
      %dma_start3A_920 = arith.constant 0 : i32
      %dma_start3A_921 = tpu.memref_slice %arg8[%dma_start3A_918, %dma_start3A_919, %dma_start3A_920] : memref<6x64x128xf32, #tpu.memory_space<vmem>> -> memref<1x64x128xf32, #tpu.memory_space<vmem>>
      %dma_start3A_922 = tpu.memref_squeeze %dma_start3A_921 : memref<1x64x128xf32, #tpu.memory_space<vmem>> -> memref<64x128xf32, #tpu.memory_space<vmem>>
      %dma_start3A_923 = arith.constant 0 : i32
      %dma_start3A_924 = tpu.memref_slice %arg2[%multiple_of3A_917, %dma_start3A_923] : memref<320000x128xf32, #tpu.memory_space<hbm>> -> memref<64x128xf32, #tpu.memory_space<hbm>>
      %dma_start3A_925 = arith.constant 0 : i32
      %dma_start3A_926 = arith.constant 0 : i32
      %dma_start3A_927 = tpu.memref_slice %arg8[%dma_start3A_918, %dma_start3A_925, %dma_start3A_926] : memref<6x64x128xf32, #tpu.memory_space<vmem>> -> memref<1x64x128xf32, #tpu.memory_space<vmem>>
      %dma_start3A_928 = tpu.memref_squeeze %dma_start3A_927 : memref<1x64x128xf32, #tpu.memory_space<vmem>> -> memref<64x128xf32, #tpu.memory_space<vmem>>
      %dma_start3A_929 = arith.constant 0 : i32
      %dma_start3A_930 = tpu.memref_slice %arg2[%multiple_of3A_917, %dma_start3A_929] : memref<320000x128xf32, #tpu.memory_space<hbm>> -> memref<64x128xf32, #tpu.memory_space<hbm>>
      tpu.enqueue_dma source(%dma_start3A_930 : memref<64x128xf32, #tpu.memory_space<hbm>>) target(%dma_start3A_928 : memref<64x128xf32, #tpu.memory_space<vmem>>) target_semaphore(%arg9 : memref<!tpu.dma_semaphore, #tpu.memory_space<semaphore_mem>>)
      %mul3A_931 = arith.constant 64 : i32
      %mul3A_932 = arith.muli %add3A_913, %mul3A_931 : i32
      %add3A_933 = arith.addi %mul3A_2, %mul3A_932 : i32
      %multiple_of3A_934 = tpu.assume_multiple %add3A_933, 16 : i32
      %dma_start3A_935 = arith.constant 0 : i32
      %dma_start3A_936 = arith.constant 0 : i32
      %dma_start3A_937 = tpu.memref_slice %arg6[%dma_start3A_935, %dma_start3A_936] : memref<6x64xi32, #tpu.memory_space<vmem>> -> memref<1x64xi32, #tpu.memory_space<vmem>>
      %dma_start3A_938 = tpu.memref_squeeze %dma_start3A_937 : memref<1x64xi32, #tpu.memory_space<vmem>> -> memref<64xi32, #tpu.memory_space<vmem>>
      %dma_start3A_939 = tpu.memref_slice %arg3[%multiple_of3A_934] : memref<320000xi32, #tpu.memory_space<hbm>> -> memref<64xi32, #tpu.memory_space<hbm>>
      %dma_start3A_940 = arith.constant 0 : i32
      %dma_start3A_941 = tpu.memref_slice %arg6[%dma_start3A_935, %dma_start3A_940] : memref<6x64xi32, #tpu.memory_space<vmem>> -> memref<1x64xi32, #tpu.memory_space<vmem>>
      %dma_start3A_942 = tpu.memref_squeeze %dma_start3A_941 : memref<1x64xi32, #tpu.memory_space<vmem>> -> memref<64xi32, #tpu.memory_space<vmem>>
      %dma_start3A_943 = tpu.memref_slice %arg3[%multiple_of3A_934] : memref<320000xi32, #tpu.memory_space<hbm>> -> memref<64xi32, #tpu.memory_space<hbm>>
      tpu.enqueue_dma source(%dma_start3A_943 : memref<64xi32, #tpu.memory_space<hbm>>) target(%dma_start3A_942 : memref<64xi32, #tpu.memory_space<vmem>>) target_semaphore(%arg15 : memref<!tpu.dma_semaphore, #tpu.memory_space<semaphore_mem>>)
      %mul3A_944 = arith.constant 6 : i32
      %mul3A_945 = arith.muli %scan3A_851, %mul3A_944 : i32
      %add3A_946 = arith.constant 1 : i32
      %add3A_947 = arith.addi %mul3A_945, %add3A_946 : i32
      %add3A_948 = arith.constant 2 : i32
      %add3A_949 = arith.addi %add3A_947, %add3A_948 : i32
      %mul3A_950 = arith.constant 64 : i32
      %mul3A_951 = arith.muli %add3A_949, %mul3A_950 : i32
      %add3A_952 = arith.addi %mul3A_2, %mul3A_951 : i32
      %multiple_of3A_953 = tpu.assume_multiple %add3A_952, 16 : i32
      %dma_wait3A_954 = arith.constant 3 : i32
      %dma_wait3A_955 = arith.constant 0 : i32
      %dma_wait3A_956 = arith.constant 0 : i32
      %dma_wait3A_957 = tpu.memref_slice %arg8[%dma_wait3A_954, %dma_wait3A_955, %dma_wait3A_956] : memref<6x64x128xf32, #tpu.memory_space<vmem>> -> memref<1x64x128xf32, #tpu.memory_space<vmem>>
      %dma_wait3A_958 = tpu.memref_squeeze %dma_wait3A_957 : memref<1x64x128xf32, #tpu.memory_space<vmem>> -> memref<64x128xf32, #tpu.memory_space<vmem>>
      %dma_wait3A_959 = arith.constant 0 : i32
      %dma_wait3A_960 = tpu.memref_slice %arg2[%multiple_of3A_953, %dma_wait3A_959] : memref<320000x128xf32, #tpu.memory_space<hbm>> -> memref<64x128xf32, #tpu.memory_space<hbm>>
      %dma_wait3A_961 = arith.constant 0 : i32
      %dma_wait3A_962 = arith.constant 0 : i32
      %dma_wait3A_963 = tpu.memref_slice %arg8[%dma_wait3A_954, %dma_wait3A_961, %dma_wait3A_962] : memref<6x64x128xf32, #tpu.memory_space<vmem>> -> memref<1x64x128xf32, #tpu.memory_space<vmem>>
      %dma_wait3A_964 = tpu.memref_squeeze %dma_wait3A_963 : memref<1x64x128xf32, #tpu.memory_space<vmem>> -> memref<64x128xf32, #tpu.memory_space<vmem>>
      %dma_wait3A_965 = arith.constant 0 : i32
      %dma_wait3A_966 = tpu.memref_slice %arg2[%multiple_of3A_953, %dma_wait3A_965] : memref<320000x128xf32, #tpu.memory_space<hbm>> -> memref<64x128xf32, #tpu.memory_space<hbm>>
      tpu.wait_dma2 semaphore(%arg12 : memref<!tpu.dma_semaphore, #tpu.memory_space<semaphore_mem>>) src(%dma_wait3A_966 : memref<64x128xf32, #tpu.memory_space<hbm>>) dst(%dma_wait3A_964 : memref<64x128xf32, #tpu.memory_space<vmem>>)
      %mul3A_967 = arith.constant 64 : i32
      %mul3A_968 = arith.muli %add3A_949, %mul3A_967 : i32
      %add3A_969 = arith.addi %mul3A_2, %mul3A_968 : i32
      %multiple_of3A_970 = tpu.assume_multiple %add3A_969, 16 : i32
      %dma_wait3A_971 = arith.constant 3 : i32
      %dma_wait3A_972 = arith.constant 0 : i32
      %dma_wait3A_973 = tpu.memref_slice %arg6[%dma_wait3A_971, %dma_wait3A_972] : memref<6x64xi32, #tpu.memory_space<vmem>> -> memref<1x64xi32, #tpu.memory_space<vmem>>
      %dma_wait3A_974 = tpu.memref_squeeze %dma_wait3A_973 : memref<1x64xi32, #tpu.memory_space<vmem>> -> memref<64xi32, #tpu.memory_space<vmem>>
      %dma_wait3A_975 = tpu.memref_slice %arg3[%multiple_of3A_970] : memref<320000xi32, #tpu.memory_space<hbm>> -> memref<64xi32, #tpu.memory_space<hbm>>
      %dma_wait3A_976 = arith.constant 0 : i32
      %dma_wait3A_977 = tpu.memref_slice %arg6[%dma_wait3A_971, %dma_wait3A_976] : memref<6x64xi32, #tpu.memory_space<vmem>> -> memref<1x64xi32, #tpu.memory_space<vmem>>
      %dma_wait3A_978 = tpu.memref_squeeze %dma_wait3A_977 : memref<1x64xi32, #tpu.memory_space<vmem>> -> memref<64xi32, #tpu.memory_space<vmem>>
      %dma_wait3A_979 = tpu.memref_slice %arg3[%multiple_of3A_970] : memref<320000xi32, #tpu.memory_space<hbm>> -> memref<64xi32, #tpu.memory_space<hbm>>
      tpu.wait_dma2 semaphore(%arg18 : memref<!tpu.dma_semaphore, #tpu.memory_space<semaphore_mem>>) src(%dma_wait3A_979 : memref<64xi32, #tpu.memory_space<hbm>>) dst(%dma_wait3A_978 : memref<64xi32, #tpu.memory_space<vmem>>)
      %dma_start3A_980 = arith.constant 3 : i32
      %dma_start3A_981 = arith.constant 3 : i32
      %dma_start3A_982 = arith.constant 0 : i32
      %dma_start3A_983 = arith.constant 0 : i32
      %dma_start3A_984 = tpu.memref_slice %arg8[%dma_start3A_980, %dma_start3A_982, %dma_start3A_983] : memref<6x64x128xf32, #tpu.memory_space<vmem>> -> memref<1x64x128xf32, #tpu.memory_space<vmem>>
      %dma_start3A_985 = tpu.memref_squeeze %dma_start3A_984 : memref<1x64x128xf32, #tpu.memory_space<vmem>> -> memref<64x128xf32, #tpu.memory_space<vmem>>
      %dma_start3A_986 = arith.constant 0 : i32
      %dma_start3A_987 = tpu.memref_slice %arg6[%dma_start3A_981, %dma_start3A_986] : memref<6x64xi32, #tpu.memory_space<vmem>> -> memref<1x64xi32, #tpu.memory_space<vmem>>
      %dma_start3A_988 = tpu.memref_squeeze %dma_start3A_987 : memref<1x64xi32, #tpu.memory_space<vmem>> -> memref<64xi32, #tpu.memory_space<vmem>>
      %dma_start3A_989 = arith.constant 0 : i32
      %dma_start3A_990 = arith.constant 0 : i32
      %dma_start3A_991 = tpu.memref_slice %arg5[%dma_start3A_989, %dma_start3A_990] : memref<10000x128xf32, #tpu.memory_space<vmem_shared>> -> memref<10000x128xf32, #tpu.memory_space<vmem_shared>>
      tpu.enqueue_indirect_dma source(%dma_start3A_985 : memref<64x128xf32, #tpu.memory_space<vmem>>) target(%dma_start3A_991 : memref<10000x128xf32, #tpu.memory_space<vmem_shared>>) offsets(%dma_start3A_988 : memref<64xi32, #tpu.memory_space<vmem>>) semaphore(%arg24 : memref<!tpu.dma_semaphore, #tpu.memory_space<semaphore_mem>>) {add = true}
      %dma_wait3A_992 = arith.constant 1 : i32
      %dma_wait3A_993 = arith.constant 1 : i32
      %dma_wait3A_994 = arith.constant 0 : i32
      %dma_wait3A_995 = arith.constant 0 : i32
      %dma_wait3A_996 = tpu.memref_slice %arg8[%dma_wait3A_992, %dma_wait3A_994, %dma_wait3A_995] : memref<6x64x128xf32, #tpu.memory_space<vmem>> -> memref<1x64x128xf32, #tpu.memory_space<vmem>>
      %dma_wait3A_997 = tpu.memref_squeeze %dma_wait3A_996 : memref<1x64x128xf32, #tpu.memory_space<vmem>> -> memref<64x128xf32, #tpu.memory_space<vmem>>
      %dma_wait3A_998 = arith.constant 0 : i32
      %dma_wait3A_999 = tpu.memref_slice %arg6[%dma_wait3A_993, %dma_wait3A_998] : memref<6x64xi32, #tpu.memory_space<vmem>> -> memref<1x64xi32, #tpu.memory_space<vmem>>
      %dma_wait3A_1000 = tpu.memref_squeeze %dma_wait3A_999 : memref<1x64xi32, #tpu.memory_space<vmem>> -> memref<64xi32, #tpu.memory_space<vmem>>
      %dma_wait3A_1001 = arith.constant 0 : i32
      %dma_wait3A_1002 = arith.constant 0 : i32
      %dma_wait3A_1003 = tpu.memref_slice %arg5[%dma_wait3A_1001, %dma_wait3A_1002] : memref<10000x128xf32, #tpu.memory_space<vmem_shared>> -> memref<10000x128xf32, #tpu.memory_space<vmem_shared>>
      tpu.wait_indirect_dma semaphore(%arg22 : memref<!tpu.dma_semaphore, #tpu.memory_space<semaphore_mem>>) src(%dma_wait3A_997 : memref<64x128xf32, #tpu.memory_space<vmem>>) dst(%dma_wait3A_1003 : memref<10000x128xf32, #tpu.memory_space<vmem_shared>>)
      %add3A_1004 = arith.constant 4 : i32
      %add3A_1005 = arith.addi %add3A_949, %add3A_1004 : i32
      %mul3A_1006 = arith.constant 64 : i32
      %mul3A_1007 = arith.muli %add3A_1005, %mul3A_1006 : i32
      %add3A_1008 = arith.addi %mul3A_2, %mul3A_1007 : i32
      %multiple_of3A_1009 = tpu.assume_multiple %add3A_1008, 16 : i32
      %dma_start3A_1010 = arith.constant 1 : i32
      %dma_start3A_1011 = arith.constant 0 : i32
      %dma_start3A_1012 = arith.constant 0 : i32
      %dma_start3A_1013 = tpu.memref_slice %arg8[%dma_start3A_1010, %dma_start3A_1011, %dma_start3A_1012] : memref<6x64x128xf32, #tpu.memory_space<vmem>> -> memref<1x64x128xf32, #tpu.memory_space<vmem>>
      %dma_start3A_1014 = tpu.memref_squeeze %dma_start3A_1013 : memref<1x64x128xf32, #tpu.memory_space<vmem>> -> memref<64x128xf32, #tpu.memory_space<vmem>>
      %dma_start3A_1015 = arith.constant 0 : i32
      %dma_start3A_1016 = tpu.memref_slice %arg2[%multiple_of3A_1009, %dma_start3A_1015] : memref<320000x128xf32, #tpu.memory_space<hbm>> -> memref<64x128xf32, #tpu.memory_space<hbm>>
      %dma_start3A_1017 = arith.constant 0 : i32
      %dma_start3A_1018 = arith.constant 0 : i32
      %dma_start3A_1019 = tpu.memref_slice %arg8[%dma_start3A_1010, %dma_start3A_1017, %dma_start3A_1018] : memref<6x64x128xf32, #tpu.memory_space<vmem>> -> memref<1x64x128xf32, #tpu.memory_space<vmem>>
      %dma_start3A_1020 = tpu.memref_squeeze %dma_start3A_1019 : memref<1x64x128xf32, #tpu.memory_space<vmem>> -> memref<64x128xf32, #tpu.memory_space<vmem>>
      %dma_start3A_1021 = arith.constant 0 : i32
      %dma_start3A_1022 = tpu.memref_slice %arg2[%multiple_of3A_1009, %dma_start3A_1021] : memref<320000x128xf32, #tpu.memory_space<hbm>> -> memref<64x128xf32, #tpu.memory_space<hbm>>
      tpu.enqueue_dma source(%dma_start3A_1022 : memref<64x128xf32, #tpu.memory_space<hbm>>) target(%dma_start3A_1020 : memref<64x128xf32, #tpu.memory_space<vmem>>) target_semaphore(%arg10 : memref<!tpu.dma_semaphore, #tpu.memory_space<semaphore_mem>>)
      %mul3A_1023 = arith.constant 64 : i32
      %mul3A_1024 = arith.muli %add3A_1005, %mul3A_1023 : i32
      %add3A_1025 = arith.addi %mul3A_2, %mul3A_1024 : i32
      %multiple_of3A_1026 = tpu.assume_multiple %add3A_1025, 16 : i32
      %dma_start3A_1027 = arith.constant 1 : i32
      %dma_start3A_1028 = arith.constant 0 : i32
      %dma_start3A_1029 = tpu.memref_slice %arg6[%dma_start3A_1027, %dma_start3A_1028] : memref<6x64xi32, #tpu.memory_space<vmem>> -> memref<1x64xi32, #tpu.memory_space<vmem>>
      %dma_start3A_1030 = tpu.memref_squeeze %dma_start3A_1029 : memref<1x64xi32, #tpu.memory_space<vmem>> -> memref<64xi32, #tpu.memory_space<vmem>>
      %dma_start3A_1031 = tpu.memref_slice %arg3[%multiple_of3A_1026] : memref<320000xi32, #tpu.memory_space<hbm>> -> memref<64xi32, #tpu.memory_space<hbm>>
      %dma_start3A_1032 = arith.constant 0 : i32
      %dma_start3A_1033 = tpu.memref_slice %arg6[%dma_start3A_1027, %dma_start3A_1032] : memref<6x64xi32, #tpu.memory_space<vmem>> -> memref<1x64xi32, #tpu.memory_space<vmem>>
      %dma_start3A_1034 = tpu.memref_squeeze %dma_start3A_1033 : memref<1x64xi32, #tpu.memory_space<vmem>> -> memref<64xi32, #tpu.memory_space<vmem>>
      %dma_start3A_1035 = tpu.memref_slice %arg3[%multiple_of3A_1026] : memref<320000xi32, #tpu.memory_space<hbm>> -> memref<64xi32, #tpu.memory_space<hbm>>
      tpu.enqueue_dma source(%dma_start3A_1035 : memref<64xi32, #tpu.memory_space<hbm>>) target(%dma_start3A_1034 : memref<64xi32, #tpu.memory_space<vmem>>) target_semaphore(%arg16 : memref<!tpu.dma_semaphore, #tpu.memory_space<semaphore_mem>>)
      %mul3A_1036 = arith.constant 6 : i32
      %mul3A_1037 = arith.muli %scan3A_851, %mul3A_1036 : i32
      %add3A_1038 = arith.constant 2 : i32
      %add3A_1039 = arith.addi %mul3A_1037, %add3A_1038 : i32
      %add3A_1040 = arith.constant 2 : i32
      %add3A_1041 = arith.addi %add3A_1039, %add3A_1040 : i32
      %mul3A_1042 = arith.constant 64 : i32
      %mul3A_1043 = arith.muli %add3A_1041, %mul3A_1042 : i32
      %add3A_1044 = arith.addi %mul3A_2, %mul3A_1043 : i32
      %multiple_of3A_1045 = tpu.assume_multiple %add3A_1044, 16 : i32
      %dma_wait3A_1046 = arith.constant 4 : i32
      %dma_wait3A_1047 = arith.constant 0 : i32
      %dma_wait3A_1048 = arith.constant 0 : i32
      %dma_wait3A_1049 = tpu.memref_slice %arg8[%dma_wait3A_1046, %dma_wait3A_1047, %dma_wait3A_1048] : memref<6x64x128xf32, #tpu.memory_space<vmem>> -> memref<1x64x128xf32, #tpu.memory_space<vmem>>
      %dma_wait3A_1050 = tpu.memref_squeeze %dma_wait3A_1049 : memref<1x64x128xf32, #tpu.memory_space<vmem>> -> memref<64x128xf32, #tpu.memory_space<vmem>>
      %dma_wait3A_1051 = arith.constant 0 : i32
      %dma_wait3A_1052 = tpu.memref_slice %arg2[%multiple_of3A_1045, %dma_wait3A_1051] : memref<320000x128xf32, #tpu.memory_space<hbm>> -> memref<64x128xf32, #tpu.memory_space<hbm>>
      %dma_wait3A_1053 = arith.constant 0 : i32
      %dma_wait3A_1054 = arith.constant 0 : i32
      %dma_wait3A_1055 = tpu.memref_slice %arg8[%dma_wait3A_1046, %dma_wait3A_1053, %dma_wait3A_1054] : memref<6x64x128xf32, #tpu.memory_space<vmem>> -> memref<1x64x128xf32, #tpu.memory_space<vmem>>
      %dma_wait3A_1056 = tpu.memref_squeeze %dma_wait3A_1055 : memref<1x64x128xf32, #tpu.memory_space<vmem>> -> memref<64x128xf32, #tpu.memory_space<vmem>>
      %dma_wait3A_1057 = arith.constant 0 : i32
      %dma_wait3A_1058 = tpu.memref_slice %arg2[%multiple_of3A_1045, %dma_wait3A_1057] : memref<320000x128xf32, #tpu.memory_space<hbm>> -> memref<64x128xf32, #tpu.memory_space<hbm>>
      tpu.wait_dma2 semaphore(%arg13 : memref<!tpu.dma_semaphore, #tpu.memory_space<semaphore_mem>>) src(%dma_wait3A_1058 : memref<64x128xf32, #tpu.memory_space<hbm>>) dst(%dma_wait3A_1056 : memref<64x128xf32, #tpu.memory_space<vmem>>)
      %mul3A_1059 = arith.constant 64 : i32
      %mul3A_1060 = arith.muli %add3A_1041, %mul3A_1059 : i32
      %add3A_1061 = arith.addi %mul3A_2, %mul3A_1060 : i32
      %multiple_of3A_1062 = tpu.assume_multiple %add3A_1061, 16 : i32
      %dma_wait3A_1063 = arith.constant 4 : i32
      %dma_wait3A_1064 = arith.constant 0 : i32
      %dma_wait3A_1065 = tpu.memref_slice %arg6[%dma_wait3A_1063, %dma_wait3A_1064] : memref<6x64xi32, #tpu.memory_space<vmem>> -> memref<1x64xi32, #tpu.memory_space<vmem>>
      %dma_wait3A_1066 = tpu.memref_squeeze %dma_wait3A_1065 : memref<1x64xi32, #tpu.memory_space<vmem>> -> memref<64xi32, #tpu.memory_space<vmem>>
      %dma_wait3A_1067 = tpu.memref_slice %arg3[%multiple_of3A_1062] : memref<320000xi32, #tpu.memory_space<hbm>> -> memref<64xi32, #tpu.memory_space<hbm>>
      %dma_wait3A_1068 = arith.constant 0 : i32
      %dma_wait3A_1069 = tpu.memref_slice %arg6[%dma_wait3A_1063, %dma_wait3A_1068] : memref<6x64xi32, #tpu.memory_space<vmem>> -> memref<1x64xi32, #tpu.memory_space<vmem>>
      %dma_wait3A_1070 = tpu.memref_squeeze %dma_wait3A_1069 : memref<1x64xi32, #tpu.memory_space<vmem>> -> memref<64xi32, #tpu.memory_space<vmem>>
      %dma_wait3A_1071 = tpu.memref_slice %arg3[%multiple_of3A_1062] : memref<320000xi32, #tpu.memory_space<hbm>> -> memref<64xi32, #tpu.memory_space<hbm>>
      tpu.wait_dma2 semaphore(%arg19 : memref<!tpu.dma_semaphore, #tpu.memory_space<semaphore_mem>>) src(%dma_wait3A_1071 : memref<64xi32, #tpu.memory_space<hbm>>) dst(%dma_wait3A_1070 : memref<64xi32, #tpu.memory_space<vmem>>)
      %dma_start3A_1072 = arith.constant 4 : i32
      %dma_start3A_1073 = arith.constant 4 : i32
      %dma_start3A_1074 = arith.constant 0 : i32
      %dma_start3A_1075 = arith.constant 0 : i32
      %dma_start3A_1076 = tpu.memref_slice %arg8[%dma_start3A_1072, %dma_start3A_1074, %dma_start3A_1075] : memref<6x64x128xf32, #tpu.memory_space<vmem>> -> memref<1x64x128xf32, #tpu.memory_space<vmem>>
      %dma_start3A_1077 = tpu.memref_squeeze %dma_start3A_1076 : memref<1x64x128xf32, #tpu.memory_space<vmem>> -> memref<64x128xf32, #tpu.memory_space<vmem>>
      %dma_start3A_1078 = arith.constant 0 : i32
      %dma_start3A_1079 = tpu.memref_slice %arg6[%dma_start3A_1073, %dma_start3A_1078] : memref<6x64xi32, #tpu.memory_space<vmem>> -> memref<1x64xi32, #tpu.memory_space<vmem>>
      %dma_start3A_1080 = tpu.memref_squeeze %dma_start3A_1079 : memref<1x64xi32, #tpu.memory_space<vmem>> -> memref<64xi32, #tpu.memory_space<vmem>>
      %dma_start3A_1081 = arith.constant 0 : i32
      %dma_start3A_1082 = arith.constant 0 : i32
      %dma_start3A_1083 = tpu.memref_slice %arg5[%dma_start3A_1081, %dma_start3A_1082] : memref<10000x128xf32, #tpu.memory_space<vmem_shared>> -> memref<10000x128xf32, #tpu.memory_space<vmem_shared>>
      tpu.enqueue_indirect_dma source(%dma_start3A_1077 : memref<64x128xf32, #tpu.memory_space<vmem>>) target(%dma_start3A_1083 : memref<10000x128xf32, #tpu.memory_space<vmem_shared>>) offsets(%dma_start3A_1080 : memref<64xi32, #tpu.memory_space<vmem>>) semaphore(%arg25 : memref<!tpu.dma_semaphore, #tpu.memory_space<semaphore_mem>>) {add = true}
      %dma_wait3A_1084 = arith.constant 2 : i32
      %dma_wait3A_1085 = arith.constant 2 : i32
      %dma_wait3A_1086 = arith.constant 0 : i32
      %dma_wait3A_1087 = arith.constant 0 : i32
      %dma_wait3A_1088 = tpu.memref_slice %arg8[%dma_wait3A_1084, %dma_wait3A_1086, %dma_wait3A_1087] : memref<6x64x128xf32, #tpu.memory_space<vmem>> -> memref<1x64x128xf32, #tpu.memory_space<vmem>>
      %dma_wait3A_1089 = tpu.memref_squeeze %dma_wait3A_1088 : memref<1x64x128xf32, #tpu.memory_space<vmem>> -> memref<64x128xf32, #tpu.memory_space<vmem>>
      %dma_wait3A_1090 = arith.constant 0 : i32
      %dma_wait3A_1091 = tpu.memref_slice %arg6[%dma_wait3A_1085, %dma_wait3A_1090] : memref<6x64xi32, #tpu.memory_space<vmem>> -> memref<1x64xi32, #tpu.memory_space<vmem>>
      %dma_wait3A_1092 = tpu.memref_squeeze %dma_wait3A_1091 : memref<1x64xi32, #tpu.memory_space<vmem>> -> memref<64xi32, #tpu.memory_space<vmem>>
      %dma_wait3A_1093 = arith.constant 0 : i32
      %dma_wait3A_1094 = arith.constant 0 : i32
      %dma_wait3A_1095 = tpu.memref_slice %arg5[%dma_wait3A_1093, %dma_wait3A_1094] : memref<10000x128xf32, #tpu.memory_space<vmem_shared>> -> memref<10000x128xf32, #tpu.memory_space<vmem_shared>>
      tpu.wait_indirect_dma semaphore(%arg23 : memref<!tpu.dma_semaphore, #tpu.memory_space<semaphore_mem>>) src(%dma_wait3A_1089 : memref<64x128xf32, #tpu.memory_space<vmem>>) dst(%dma_wait3A_1095 : memref<10000x128xf32, #tpu.memory_space<vmem_shared>>)
      %add3A_1096 = arith.constant 4 : i32
      %add3A_1097 = arith.addi %add3A_1041, %add3A_1096 : i32
      %mul3A_1098 = arith.constant 64 : i32
      %mul3A_1099 = arith.muli %add3A_1097, %mul3A_1098 : i32
      %add3A_1100 = arith.addi %mul3A_2, %mul3A_1099 : i32
      %multiple_of3A_1101 = tpu.assume_multiple %add3A_1100, 16 : i32
      %dma_start3A_1102 = arith.constant 2 : i32
      %dma_start3A_1103 = arith.constant 0 : i32
      %dma_start3A_1104 = arith.constant 0 : i32
      %dma_start3A_1105 = tpu.memref_slice %arg8[%dma_start3A_1102, %dma_start3A_1103, %dma_start3A_1104] : memref<6x64x128xf32, #tpu.memory_space<vmem>> -> memref<1x64x128xf32, #tpu.memory_space<vmem>>
      %dma_start3A_1106 = tpu.memref_squeeze %dma_start3A_1105 : memref<1x64x128xf32, #tpu.memory_space<vmem>> -> memref<64x128xf32, #tpu.memory_space<vmem>>
      %dma_start3A_1107 = arith.constant 0 : i32
      %dma_start3A_1108 = tpu.memref_slice %arg2[%multiple_of3A_1101, %dma_start3A_1107] : memref<320000x128xf32, #tpu.memory_space<hbm>> -> memref<64x128xf32, #tpu.memory_space<hbm>>
      %dma_start3A_1109 = arith.constant 0 : i32
      %dma_start3A_1110 = arith.constant 0 : i32
      %dma_start3A_1111 = tpu.memref_slice %arg8[%dma_start3A_1102, %dma_start3A_1109, %dma_start3A_1110] : memref<6x64x128xf32, #tpu.memory_space<vmem>> -> memref<1x64x128xf32, #tpu.memory_space<vmem>>
      %dma_start3A_1112 = tpu.memref_squeeze %dma_start3A_1111 : memref<1x64x128xf32, #tpu.memory_space<vmem>> -> memref<64x128xf32, #tpu.memory_space<vmem>>
      %dma_start3A_1113 = arith.constant 0 : i32
      %dma_start3A_1114 = tpu.memref_slice %arg2[%multiple_of3A_1101, %dma_start3A_1113] : memref<320000x128xf32, #tpu.memory_space<hbm>> -> memref<64x128xf32, #tpu.memory_space<hbm>>
      tpu.enqueue_dma source(%dma_start3A_1114 : memref<64x128xf32, #tpu.memory_space<hbm>>) target(%dma_start3A_1112 : memref<64x128xf32, #tpu.memory_space<vmem>>) target_semaphore(%arg11 : memref<!tpu.dma_semaphore, #tpu.memory_space<semaphore_mem>>)
      %mul3A_1115 = arith.constant 64 : i32
      %mul3A_1116 = arith.muli %add3A_1097, %mul3A_1115 : i32
      %add3A_1117 = arith.addi %mul3A_2, %mul3A_1116 : i32
      %multiple_of3A_1118 = tpu.assume_multiple %add3A_1117, 16 : i32
      %dma_start3A_1119 = arith.constant 2 : i32
      %dma_start3A_1120 = arith.constant 0 : i32
      %dma_start3A_1121 = tpu.memref_slice %arg6[%dma_start3A_1119, %dma_start3A_1120] : memref<6x64xi32, #tpu.memory_space<vmem>> -> memref<1x64xi32, #tpu.memory_space<vmem>>
      %dma_start3A_1122 = tpu.memref_squeeze %dma_start3A_1121 : memref<1x64xi32, #tpu.memory_space<vmem>> -> memref<64xi32, #tpu.memory_space<vmem>>
      %dma_start3A_1123 = tpu.memref_slice %arg3[%multiple_of3A_1118] : memref<320000xi32, #tpu.memory_space<hbm>> -> memref<64xi32, #tpu.memory_space<hbm>>
      %dma_start3A_1124 = arith.constant 0 : i32
      %dma_start3A_1125 = tpu.memref_slice %arg6[%dma_start3A_1119, %dma_start3A_1124] : memref<6x64xi32, #tpu.memory_space<vmem>> -> memref<1x64xi32, #tpu.memory_space<vmem>>
      %dma_start3A_1126 = tpu.memref_squeeze %dma_start3A_1125 : memref<1x64xi32, #tpu.memory_space<vmem>> -> memref<64xi32, #tpu.memory_space<vmem>>
      %dma_start3A_1127 = tpu.memref_slice %arg3[%multiple_of3A_1118] : memref<320000xi32, #tpu.memory_space<hbm>> -> memref<64xi32, #tpu.memory_space<hbm>>
      tpu.enqueue_dma source(%dma_start3A_1127 : memref<64xi32, #tpu.memory_space<hbm>>) target(%dma_start3A_1126 : memref<64xi32, #tpu.memory_space<vmem>>) target_semaphore(%arg17 : memref<!tpu.dma_semaphore, #tpu.memory_space<semaphore_mem>>)
      %mul3A_1128 = arith.constant 6 : i32
      %mul3A_1129 = arith.muli %scan3A_851, %mul3A_1128 : i32
      %add3A_1130 = arith.constant 3 : i32
      %add3A_1131 = arith.addi %mul3A_1129, %add3A_1130 : i32
      %add3A_1132 = arith.constant 2 : i32
      %add3A_1133 = arith.addi %add3A_1131, %add3A_1132 : i32
      %mul3A_1134 = arith.constant 64 : i32
      %mul3A_1135 = arith.muli %add3A_1133, %mul3A_1134 : i32
      %add3A_1136 = arith.addi %mul3A_2, %mul3A_1135 : i32
      %multiple_of3A_1137 = tpu.assume_multiple %add3A_1136, 16 : i32
      %dma_wait3A_1138 = arith.constant 5 : i32
      %dma_wait3A_1139 = arith.constant 0 : i32
      %dma_wait3A_1140 = arith.constant 0 : i32
      %dma_wait3A_1141 = tpu.memref_slice %arg8[%dma_wait3A_1138, %dma_wait3A_1139, %dma_wait3A_1140] : memref<6x64x128xf32, #tpu.memory_space<vmem>> -> memref<1x64x128xf32, #tpu.memory_space<vmem>>
      %dma_wait3A_1142 = tpu.memref_squeeze %dma_wait3A_1141 : memref<1x64x128xf32, #tpu.memory_space<vmem>> -> memref<64x128xf32, #tpu.memory_space<vmem>>
      %dma_wait3A_1143 = arith.constant 0 : i32
      %dma_wait3A_1144 = tpu.memref_slice %arg2[%multiple_of3A_1137, %dma_wait3A_1143] : memref<320000x128xf32, #tpu.memory_space<hbm>> -> memref<64x128xf32, #tpu.memory_space<hbm>>
      %dma_wait3A_1145 = arith.constant 0 : i32
      %dma_wait3A_1146 = arith.constant 0 : i32
      %dma_wait3A_1147 = tpu.memref_slice %arg8[%dma_wait3A_1138, %dma_wait3A_1145, %dma_wait3A_1146] : memref<6x64x128xf32, #tpu.memory_space<vmem>> -> memref<1x64x128xf32, #tpu.memory_space<vmem>>
      %dma_wait3A_1148 = tpu.memref_squeeze %dma_wait3A_1147 : memref<1x64x128xf32, #tpu.memory_space<vmem>> -> memref<64x128xf32, #tpu.memory_space<vmem>>
      %dma_wait3A_1149 = arith.constant 0 : i32
      %dma_wait3A_1150 = tpu.memref_slice %arg2[%multiple_of3A_1137, %dma_wait3A_1149] : memref<320000x128xf32, #tpu.memory_space<hbm>> -> memref<64x128xf32, #tpu.memory_space<hbm>>
      tpu.wait_dma2 semaphore(%arg14 : memref<!tpu.dma_semaphore, #tpu.memory_space<semaphore_mem>>) src(%dma_wait3A_1150 : memref<64x128xf32, #tpu.memory_space<hbm>>) dst(%dma_wait3A_1148 : memref<64x128xf32, #tpu.memory_space<vmem>>)
      %mul3A_1151 = arith.constant 64 : i32
      %mul3A_1152 = arith.muli %add3A_1133, %mul3A_1151 : i32
      %add3A_1153 = arith.addi %mul3A_2, %mul3A_1152 : i32
      %multiple_of3A_1154 = tpu.assume_multiple %add3A_1153, 16 : i32
      %dma_wait3A_1155 = arith.constant 5 : i32
      %dma_wait3A_1156 = arith.constant 0 : i32
      %dma_wait3A_1157 = tpu.memref_slice %arg6[%dma_wait3A_1155, %dma_wait3A_1156] : memref<6x64xi32, #tpu.memory_space<vmem>> -> memref<1x64xi32, #tpu.memory_space<vmem>>
      %dma_wait3A_1158 = tpu.memref_squeeze %dma_wait3A_1157 : memref<1x64xi32, #tpu.memory_space<vmem>> -> memref<64xi32, #tpu.memory_space<vmem>>
      %dma_wait3A_1159 = tpu.memref_slice %arg3[%multiple_of3A_1154] : memref<320000xi32, #tpu.memory_space<hbm>> -> memref<64xi32, #tpu.memory_space<hbm>>
      %dma_wait3A_1160 = arith.constant 0 : i32
      %dma_wait3A_1161 = tpu.memref_slice %arg6[%dma_wait3A_1155, %dma_wait3A_1160] : memref<6x64xi32, #tpu.memory_space<vmem>> -> memref<1x64xi32, #tpu.memory_space<vmem>>
      %dma_wait3A_1162 = tpu.memref_squeeze %dma_wait3A_1161 : memref<1x64xi32, #tpu.memory_space<vmem>> -> memref<64xi32, #tpu.memory_space<vmem>>
      %dma_wait3A_1163 = tpu.memref_slice %arg3[%multiple_of3A_1154] : memref<320000xi32, #tpu.memory_space<hbm>> -> memref<64xi32, #tpu.memory_space<hbm>>
      tpu.wait_dma2 semaphore(%arg20 : memref<!tpu.dma_semaphore, #tpu.memory_space<semaphore_mem>>) src(%dma_wait3A_1163 : memref<64xi32, #tpu.memory_space<hbm>>) dst(%dma_wait3A_1162 : memref<64xi32, #tpu.memory_space<vmem>>)
      %dma_start3A_1164 = arith.constant 5 : i32
      %dma_start3A_1165 = arith.constant 5 : i32
      %dma_start3A_1166 = arith.constant 0 : i32
      %dma_start3A_1167 = arith.constant 0 : i32
      %dma_start3A_1168 = tpu.memref_slice %arg8[%dma_start3A_1164, %dma_start3A_1166, %dma_start3A_1167] : memref<6x64x128xf32, #tpu.memory_space<vmem>> -> memref<1x64x128xf32, #tpu.memory_space<vmem>>
      %dma_start3A_1169 = tpu.memref_squeeze %dma_start3A_1168 : memref<1x64x128xf32, #tpu.memory_space<vmem>> -> memref<64x128xf32, #tpu.memory_space<vmem>>
      %dma_start3A_1170 = arith.constant 0 : i32
      %dma_start3A_1171 = tpu.memref_slice %arg6[%dma_start3A_1165, %dma_start3A_1170] : memref<6x64xi32, #tpu.memory_space<vmem>> -> memref<1x64xi32, #tpu.memory_space<vmem>>
      %dma_start3A_1172 = tpu.memref_squeeze %dma_start3A_1171 : memref<1x64xi32, #tpu.memory_space<vmem>> -> memref<64xi32, #tpu.memory_space<vmem>>
      %dma_start3A_1173 = arith.constant 0 : i32
      %dma_start3A_1174 = arith.constant 0 : i32
      %dma_start3A_1175 = tpu.memref_slice %arg5[%dma_start3A_1173, %dma_start3A_1174] : memref<10000x128xf32, #tpu.memory_space<vmem_shared>> -> memref<10000x128xf32, #tpu.memory_space<vmem_shared>>
      tpu.enqueue_indirect_dma source(%dma_start3A_1169 : memref<64x128xf32, #tpu.memory_space<vmem>>) target(%dma_start3A_1175 : memref<10000x128xf32, #tpu.memory_space<vmem_shared>>) offsets(%dma_start3A_1172 : memref<64xi32, #tpu.memory_space<vmem>>) semaphore(%arg26 : memref<!tpu.dma_semaphore, #tpu.memory_space<semaphore_mem>>) {add = true}
      %dma_wait3A_1176 = arith.constant 3 : i32
      %dma_wait3A_1177 = arith.constant 3 : i32
      %dma_wait3A_1178 = arith.constant 0 : i32
      %dma_wait3A_1179 = arith.constant 0 : i32
      %dma_wait3A_1180 = tpu.memref_slice %arg8[%dma_wait3A_1176, %dma_wait3A_1178, %dma_wait3A_1179] : memref<6x64x128xf32, #tpu.memory_space<vmem>> -> memref<1x64x128xf32, #tpu.memory_space<vmem>>
      %dma_wait3A_1181 = tpu.memref_squeeze %dma_wait3A_1180 : memref<1x64x128xf32, #tpu.memory_space<vmem>> -> memref<64x128xf32, #tpu.memory_space<vmem>>
      %dma_wait3A_1182 = arith.constant 0 : i32
      %dma_wait3A_1183 = tpu.memref_slice %arg6[%dma_wait3A_1177, %dma_wait3A_1182] : memref<6x64xi32, #tpu.memory_space<vmem>> -> memref<1x64xi32, #tpu.memory_space<vmem>>
      %dma_wait3A_1184 = tpu.memref_squeeze %dma_wait3A_1183 : memref<1x64xi32, #tpu.memory_space<vmem>> -> memref<64xi32, #tpu.memory_space<vmem>>
      %dma_wait3A_1185 = arith.constant 0 : i32
      %dma_wait3A_1186 = arith.constant 0 : i32
      %dma_wait3A_1187 = tpu.memref_slice %arg5[%dma_wait3A_1185, %dma_wait3A_1186] : memref<10000x128xf32, #tpu.memory_space<vmem_shared>> -> memref<10000x128xf32, #tpu.memory_space<vmem_shared>>
      tpu.wait_indirect_dma semaphore(%arg24 : memref<!tpu.dma_semaphore, #tpu.memory_space<semaphore_mem>>) src(%dma_wait3A_1181 : memref<64x128xf32, #tpu.memory_space<vmem>>) dst(%dma_wait3A_1187 : memref<10000x128xf32, #tpu.memory_space<vmem_shared>>)
      %add3A_1188 = arith.constant 4 : i32
      %add3A_1189 = arith.addi %add3A_1133, %add3A_1188 : i32
      %mul3A_1190 = arith.constant 64 : i32
      %mul3A_1191 = arith.muli %add3A_1189, %mul3A_1190 : i32
      %add3A_1192 = arith.addi %mul3A_2, %mul3A_1191 : i32
      %multiple_of3A_1193 = tpu.assume_multiple %add3A_1192, 16 : i32
      %dma_start3A_1194 = arith.constant 3 : i32
      %dma_start3A_1195 = arith.constant 0 : i32
      %dma_start3A_1196 = arith.constant 0 : i32
      %dma_start3A_1197 = tpu.memref_slice %arg8[%dma_start3A_1194, %dma_start3A_1195, %dma_start3A_1196] : memref<6x64x128xf32, #tpu.memory_space<vmem>> -> memref<1x64x128xf32, #tpu.memory_space<vmem>>
      %dma_start3A_1198 = tpu.memref_squeeze %dma_start3A_1197 : memref<1x64x128xf32, #tpu.memory_space<vmem>> -> memref<64x128xf32, #tpu.memory_space<vmem>>
      %dma_start3A_1199 = arith.constant 0 : i32
      %dma_start3A_1200 = tpu.memref_slice %arg2[%multiple_of3A_1193, %dma_start3A_1199] : memref<320000x128xf32, #tpu.memory_space<hbm>> -> memref<64x128xf32, #tpu.memory_space<hbm>>
      %dma_start3A_1201 = arith.constant 0 : i32
      %dma_start3A_1202 = arith.constant 0 : i32
      %dma_start3A_1203 = tpu.memref_slice %arg8[%dma_start3A_1194, %dma_start3A_1201, %dma_start3A_1202] : memref<6x64x128xf32, #tpu.memory_space<vmem>> -> memref<1x64x128xf32, #tpu.memory_space<vmem>>
      %dma_start3A_1204 = tpu.memref_squeeze %dma_start3A_1203 : memref<1x64x128xf32, #tpu.memory_space<vmem>> -> memref<64x128xf32, #tpu.memory_space<vmem>>
      %dma_start3A_1205 = arith.constant 0 : i32
      %dma_start3A_1206 = tpu.memref_slice %arg2[%multiple_of3A_1193, %dma_start3A_1205] : memref<320000x128xf32, #tpu.memory_space<hbm>> -> memref<64x128xf32, #tpu.memory_space<hbm>>
      tpu.enqueue_dma source(%dma_start3A_1206 : memref<64x128xf32, #tpu.memory_space<hbm>>) target(%dma_start3A_1204 : memref<64x128xf32, #tpu.memory_space<vmem>>) target_semaphore(%arg12 : memref<!tpu.dma_semaphore, #tpu.memory_space<semaphore_mem>>)
      %mul3A_1207 = arith.constant 64 : i32
      %mul3A_1208 = arith.muli %add3A_1189, %mul3A_1207 : i32
      %add3A_1209 = arith.addi %mul3A_2, %mul3A_1208 : i32
      %multiple_of3A_1210 = tpu.assume_multiple %add3A_1209, 16 : i32
      %dma_start3A_1211 = arith.constant 3 : i32
      %dma_start3A_1212 = arith.constant 0 : i32
      %dma_start3A_1213 = tpu.memref_slice %arg6[%dma_start3A_1211, %dma_start3A_1212] : memref<6x64xi32, #tpu.memory_space<vmem>> -> memref<1x64xi32, #tpu.memory_space<vmem>>
      %dma_start3A_1214 = tpu.memref_squeeze %dma_start3A_1213 : memref<1x64xi32, #tpu.memory_space<vmem>> -> memref<64xi32, #tpu.memory_space<vmem>>
      %dma_start3A_1215 = tpu.memref_slice %arg3[%multiple_of3A_1210] : memref<320000xi32, #tpu.memory_space<hbm>> -> memref<64xi32, #tpu.memory_space<hbm>>
      %dma_start3A_1216 = arith.constant 0 : i32
      %dma_start3A_1217 = tpu.memref_slice %arg6[%dma_start3A_1211, %dma_start3A_1216] : memref<6x64xi32, #tpu.memory_space<vmem>> -> memref<1x64xi32, #tpu.memory_space<vmem>>
      %dma_start3A_1218 = tpu.memref_squeeze %dma_start3A_1217 : memref<1x64xi32, #tpu.memory_space<vmem>> -> memref<64xi32, #tpu.memory_space<vmem>>
      %dma_start3A_1219 = tpu.memref_slice %arg3[%multiple_of3A_1210] : memref<320000xi32, #tpu.memory_space<hbm>> -> memref<64xi32, #tpu.memory_space<hbm>>
      tpu.enqueue_dma source(%dma_start3A_1219 : memref<64xi32, #tpu.memory_space<hbm>>) target(%dma_start3A_1218 : memref<64xi32, #tpu.memory_space<vmem>>) target_semaphore(%arg18 : memref<!tpu.dma_semaphore, #tpu.memory_space<semaphore_mem>>)
      %mul3A_1220 = arith.constant 6 : i32
      %mul3A_1221 = arith.muli %scan3A_851, %mul3A_1220 : i32
      %add3A_1222 = arith.constant 4 : i32
      %add3A_1223 = arith.addi %mul3A_1221, %add3A_1222 : i32
      %add3A_1224 = arith.constant 2 : i32
      %add3A_1225 = arith.addi %add3A_1223, %add3A_1224 : i32
      %mul3A_1226 = arith.constant 64 : i32
      %mul3A_1227 = arith.muli %add3A_1225, %mul3A_1226 : i32
      %add3A_1228 = arith.addi %mul3A_2, %mul3A_1227 : i32
      %multiple_of3A_1229 = tpu.assume_multiple %add3A_1228, 16 : i32
      %dma_wait3A_1230 = arith.constant 0 : i32
      %dma_wait3A_1231 = arith.constant 0 : i32
      %dma_wait3A_1232 = arith.constant 0 : i32
      %dma_wait3A_1233 = tpu.memref_slice %arg8[%dma_wait3A_1230, %dma_wait3A_1231, %dma_wait3A_1232] : memref<6x64x128xf32, #tpu.memory_space<vmem>> -> memref<1x64x128xf32, #tpu.memory_space<vmem>>
      %dma_wait3A_1234 = tpu.memref_squeeze %dma_wait3A_1233 : memref<1x64x128xf32, #tpu.memory_space<vmem>> -> memref<64x128xf32, #tpu.memory_space<vmem>>
      %dma_wait3A_1235 = arith.constant 0 : i32
      %dma_wait3A_1236 = tpu.memref_slice %arg2[%multiple_of3A_1229, %dma_wait3A_1235] : memref<320000x128xf32, #tpu.memory_space<hbm>> -> memref<64x128xf32, #tpu.memory_space<hbm>>
      %dma_wait3A_1237 = arith.constant 0 : i32
      %dma_wait3A_1238 = arith.constant 0 : i32
      %dma_wait3A_1239 = tpu.memref_slice %arg8[%dma_wait3A_1230, %dma_wait3A_1237, %dma_wait3A_1238] : memref<6x64x128xf32, #tpu.memory_space<vmem>> -> memref<1x64x128xf32, #tpu.memory_space<vmem>>
      %dma_wait3A_1240 = tpu.memref_squeeze %dma_wait3A_1239 : memref<1x64x128xf32, #tpu.memory_space<vmem>> -> memref<64x128xf32, #tpu.memory_space<vmem>>
      %dma_wait3A_1241 = arith.constant 0 : i32
      %dma_wait3A_1242 = tpu.memref_slice %arg2[%multiple_of3A_1229, %dma_wait3A_1241] : memref<320000x128xf32, #tpu.memory_space<hbm>> -> memref<64x128xf32, #tpu.memory_space<hbm>>
      tpu.wait_dma2 semaphore(%arg9 : memref<!tpu.dma_semaphore, #tpu.memory_space<semaphore_mem>>) src(%dma_wait3A_1242 : memref<64x128xf32, #tpu.memory_space<hbm>>) dst(%dma_wait3A_1240 : memref<64x128xf32, #tpu.memory_space<vmem>>)
      %mul3A_1243 = arith.constant 64 : i32
      %mul3A_1244 = arith.muli %add3A_1225, %mul3A_1243 : i32
      %add3A_1245 = arith.addi %mul3A_2, %mul3A_1244 : i32
      %multiple_of3A_1246 = tpu.assume_multiple %add3A_1245, 16 : i32
      %dma_wait3A_1247 = arith.constant 0 : i32
      %dma_wait3A_1248 = arith.constant 0 : i32
      %dma_wait3A_1249 = tpu.memref_slice %arg6[%dma_wait3A_1247, %dma_wait3A_1248] : memref<6x64xi32, #tpu.memory_space<vmem>> -> memref<1x64xi32, #tpu.memory_space<vmem>>
      %dma_wait3A_1250 = tpu.memref_squeeze %dma_wait3A_1249 : memref<1x64xi32, #tpu.memory_space<vmem>> -> memref<64xi32, #tpu.memory_space<vmem>>
      %dma_wait3A_1251 = tpu.memref_slice %arg3[%multiple_of3A_1246] : memref<320000xi32, #tpu.memory_space<hbm>> -> memref<64xi32, #tpu.memory_space<hbm>>
      %dma_wait3A_1252 = arith.constant 0 : i32
      %dma_wait3A_1253 = tpu.memref_slice %arg6[%dma_wait3A_1247, %dma_wait3A_1252] : memref<6x64xi32, #tpu.memory_space<vmem>> -> memref<1x64xi32, #tpu.memory_space<vmem>>
      %dma_wait3A_1254 = tpu.memref_squeeze %dma_wait3A_1253 : memref<1x64xi32, #tpu.memory_space<vmem>> -> memref<64xi32, #tpu.memory_space<vmem>>
      %dma_wait3A_1255 = tpu.memref_slice %arg3[%multiple_of3A_1246] : memref<320000xi32, #tpu.memory_space<hbm>> -> memref<64xi32, #tpu.memory_space<hbm>>
      tpu.wait_dma2 semaphore(%arg15 : memref<!tpu.dma_semaphore, #tpu.memory_space<semaphore_mem>>) src(%dma_wait3A_1255 : memref<64xi32, #tpu.memory_space<hbm>>) dst(%dma_wait3A_1254 : memref<64xi32, #tpu.memory_space<vmem>>)
      %dma_start3A_1256 = arith.constant 0 : i32
      %dma_start3A_1257 = arith.constant 0 : i32
      %dma_start3A_1258 = arith.constant 0 : i32
      %dma_start3A_1259 = arith.constant 0 : i32
      %dma_start3A_1260 = tpu.memref_slice %arg8[%dma_start3A_1256, %dma_start3A_1258, %dma_start3A_1259] : memref<6x64x128xf32, #tpu.memory_space<vmem>> -> memref<1x64x128xf32, #tpu.memory_space<vmem>>
      %dma_start3A_1261 = tpu.memref_squeeze %dma_start3A_1260 : memref<1x64x128xf32, #tpu.memory_space<vmem>> -> memref<64x128xf32, #tpu.memory_space<vmem>>
      %dma_start3A_1262 = arith.constant 0 : i32
      %dma_start3A_1263 = tpu.memref_slice %arg6[%dma_start3A_1257, %dma_start3A_1262] : memref<6x64xi32, #tpu.memory_space<vmem>> -> memref<1x64xi32, #tpu.memory_space<vmem>>
      %dma_start3A_1264 = tpu.memref_squeeze %dma_start3A_1263 : memref<1x64xi32, #tpu.memory_space<vmem>> -> memref<64xi32, #tpu.memory_space<vmem>>
      %dma_start3A_1265 = arith.constant 0 : i32
      %dma_start3A_1266 = arith.constant 0 : i32
      %dma_start3A_1267 = tpu.memref_slice %arg5[%dma_start3A_1265, %dma_start3A_1266] : memref<10000x128xf32, #tpu.memory_space<vmem_shared>> -> memref<10000x128xf32, #tpu.memory_space<vmem_shared>>
      tpu.enqueue_indirect_dma source(%dma_start3A_1261 : memref<64x128xf32, #tpu.memory_space<vmem>>) target(%dma_start3A_1267 : memref<10000x128xf32, #tpu.memory_space<vmem_shared>>) offsets(%dma_start3A_1264 : memref<64xi32, #tpu.memory_space<vmem>>) semaphore(%arg21 : memref<!tpu.dma_semaphore, #tpu.memory_space<semaphore_mem>>) {add = true}
      %dma_wait3A_1268 = arith.constant 4 : i32
      %dma_wait3A_1269 = arith.constant 4 : i32
      %dma_wait3A_1270 = arith.constant 0 : i32
      %dma_wait3A_1271 = arith.constant 0 : i32
      %dma_wait3A_1272 = tpu.memref_slice %arg8[%dma_wait3A_1268, %dma_wait3A_1270, %dma_wait3A_1271] : memref<6x64x128xf32, #tpu.memory_space<vmem>> -> memref<1x64x128xf32, #tpu.memory_space<vmem>>
      %dma_wait3A_1273 = tpu.memref_squeeze %dma_wait3A_1272 : memref<1x64x128xf32, #tpu.memory_space<vmem>> -> memref<64x128xf32, #tpu.memory_space<vmem>>
      %dma_wait3A_1274 = arith.constant 0 : i32
      %dma_wait3A_1275 = tpu.memref_slice %arg6[%dma_wait3A_1269, %dma_wait3A_1274] : memref<6x64xi32, #tpu.memory_space<vmem>> -> memref<1x64xi32, #tpu.memory_space<vmem>>
      %dma_wait3A_1276 = tpu.memref_squeeze %dma_wait3A_1275 : memref<1x64xi32, #tpu.memory_space<vmem>> -> memref<64xi32, #tpu.memory_space<vmem>>
      %dma_wait3A_1277 = arith.constant 0 : i32
      %dma_wait3A_1278 = arith.constant 0 : i32
      %dma_wait3A_1279 = tpu.memref_slice %arg5[%dma_wait3A_1277, %dma_wait3A_1278] : memref<10000x128xf32, #tpu.memory_space<vmem_shared>> -> memref<10000x128xf32, #tpu.memory_space<vmem_shared>>
      tpu.wait_indirect_dma semaphore(%arg25 : memref<!tpu.dma_semaphore, #tpu.memory_space<semaphore_mem>>) src(%dma_wait3A_1273 : memref<64x128xf32, #tpu.memory_space<vmem>>) dst(%dma_wait3A_1279 : memref<10000x128xf32, #tpu.memory_space<vmem_shared>>)
      %add3A_1280 = arith.constant 4 : i32
      %add3A_1281 = arith.addi %add3A_1225, %add3A_1280 : i32
      %mul3A_1282 = arith.constant 64 : i32
      %mul3A_1283 = arith.muli %add3A_1281, %mul3A_1282 : i32
      %add3A_1284 = arith.addi %mul3A_2, %mul3A_1283 : i32
      %multiple_of3A_1285 = tpu.assume_multiple %add3A_1284, 16 : i32
      %dma_start3A_1286 = arith.constant 4 : i32
      %dma_start3A_1287 = arith.constant 0 : i32
      %dma_start3A_1288 = arith.constant 0 : i32
      %dma_start3A_1289 = tpu.memref_slice %arg8[%dma_start3A_1286, %dma_start3A_1287, %dma_start3A_1288] : memref<6x64x128xf32, #tpu.memory_space<vmem>> -> memref<1x64x128xf32, #tpu.memory_space<vmem>>
      %dma_start3A_1290 = tpu.memref_squeeze %dma_start3A_1289 : memref<1x64x128xf32, #tpu.memory_space<vmem>> -> memref<64x128xf32, #tpu.memory_space<vmem>>
      %dma_start3A_1291 = arith.constant 0 : i32
      %dma_start3A_1292 = tpu.memref_slice %arg2[%multiple_of3A_1285, %dma_start3A_1291] : memref<320000x128xf32, #tpu.memory_space<hbm>> -> memref<64x128xf32, #tpu.memory_space<hbm>>
      %dma_start3A_1293 = arith.constant 0 : i32
      %dma_start3A_1294 = arith.constant 0 : i32
      %dma_start3A_1295 = tpu.memref_slice %arg8[%dma_start3A_1286, %dma_start3A_1293, %dma_start3A_1294] : memref<6x64x128xf32, #tpu.memory_space<vmem>> -> memref<1x64x128xf32, #tpu.memory_space<vmem>>
      %dma_start3A_1296 = tpu.memref_squeeze %dma_start3A_1295 : memref<1x64x128xf32, #tpu.memory_space<vmem>> -> memref<64x128xf32, #tpu.memory_space<vmem>>
      %dma_start3A_1297 = arith.constant 0 : i32
      %dma_start3A_1298 = tpu.memref_slice %arg2[%multiple_of3A_1285, %dma_start3A_1297] : memref<320000x128xf32, #tpu.memory_space<hbm>> -> memref<64x128xf32, #tpu.memory_space<hbm>>
      tpu.enqueue_dma source(%dma_start3A_1298 : memref<64x128xf32, #tpu.memory_space<hbm>>) target(%dma_start3A_1296 : memref<64x128xf32, #tpu.memory_space<vmem>>) target_semaphore(%arg13 : memref<!tpu.dma_semaphore, #tpu.memory_space<semaphore_mem>>)
      %mul3A_1299 = arith.constant 64 : i32
      %mul3A_1300 = arith.muli %add3A_1281, %mul3A_1299 : i32
      %add3A_1301 = arith.addi %mul3A_2, %mul3A_1300 : i32
      %multiple_of3A_1302 = tpu.assume_multiple %add3A_1301, 16 : i32
      %dma_start3A_1303 = arith.constant 4 : i32
      %dma_start3A_1304 = arith.constant 0 : i32
      %dma_start3A_1305 = tpu.memref_slice %arg6[%dma_start3A_1303, %dma_start3A_1304] : memref<6x64xi32, #tpu.memory_space<vmem>> -> memref<1x64xi32, #tpu.memory_space<vmem>>
      %dma_start3A_1306 = tpu.memref_squeeze %dma_start3A_1305 : memref<1x64xi32, #tpu.memory_space<vmem>> -> memref<64xi32, #tpu.memory_space<vmem>>
      %dma_start3A_1307 = tpu.memref_slice %arg3[%multiple_of3A_1302] : memref<320000xi32, #tpu.memory_space<hbm>> -> memref<64xi32, #tpu.memory_space<hbm>>
      %dma_start3A_1308 = arith.constant 0 : i32
      %dma_start3A_1309 = tpu.memref_slice %arg6[%dma_start3A_1303, %dma_start3A_1308] : memref<6x64xi32, #tpu.memory_space<vmem>> -> memref<1x64xi32, #tpu.memory_space<vmem>>
      %dma_start3A_1310 = tpu.memref_squeeze %dma_start3A_1309 : memref<1x64xi32, #tpu.memory_space<vmem>> -> memref<64xi32, #tpu.memory_space<vmem>>
      %dma_start3A_1311 = tpu.memref_slice %arg3[%multiple_of3A_1302] : memref<320000xi32, #tpu.memory_space<hbm>> -> memref<64xi32, #tpu.memory_space<hbm>>
      tpu.enqueue_dma source(%dma_start3A_1311 : memref<64xi32, #tpu.memory_space<hbm>>) target(%dma_start3A_1310 : memref<64xi32, #tpu.memory_space<vmem>>) target_semaphore(%arg19 : memref<!tpu.dma_semaphore, #tpu.memory_space<semaphore_mem>>)
      %mul3A_1312 = arith.constant 6 : i32
      %mul3A_1313 = arith.muli %scan3A_851, %mul3A_1312 : i32
      %add3A_1314 = arith.constant 5 : i32
      %add3A_1315 = arith.addi %mul3A_1313, %add3A_1314 : i32
      %add3A_1316 = arith.constant 2 : i32
      %add3A_1317 = arith.addi %add3A_1315, %add3A_1316 : i32
      %mul3A_1318 = arith.constant 64 : i32
      %mul3A_1319 = arith.muli %add3A_1317, %mul3A_1318 : i32
      %add3A_1320 = arith.addi %mul3A_2, %mul3A_1319 : i32
      %multiple_of3A_1321 = tpu.assume_multiple %add3A_1320, 16 : i32
      %dma_wait3A_1322 = arith.constant 1 : i32
      %dma_wait3A_1323 = arith.constant 0 : i32
      %dma_wait3A_1324 = arith.constant 0 : i32
      %dma_wait3A_1325 = tpu.memref_slice %arg8[%dma_wait3A_1322, %dma_wait3A_1323, %dma_wait3A_1324] : memref<6x64x128xf32, #tpu.memory_space<vmem>> -> memref<1x64x128xf32, #tpu.memory_space<vmem>>
      %dma_wait3A_1326 = tpu.memref_squeeze %dma_wait3A_1325 : memref<1x64x128xf32, #tpu.memory_space<vmem>> -> memref<64x128xf32, #tpu.memory_space<vmem>>
      %dma_wait3A_1327 = arith.constant 0 : i32
      %dma_wait3A_1328 = tpu.memref_slice %arg2[%multiple_of3A_1321, %dma_wait3A_1327] : memref<320000x128xf32, #tpu.memory_space<hbm>> -> memref<64x128xf32, #tpu.memory_space<hbm>>
      %dma_wait3A_1329 = arith.constant 0 : i32
      %dma_wait3A_1330 = arith.constant 0 : i32
      %dma_wait3A_1331 = tpu.memref_slice %arg8[%dma_wait3A_1322, %dma_wait3A_1329, %dma_wait3A_1330] : memref<6x64x128xf32, #tpu.memory_space<vmem>> -> memref<1x64x128xf32, #tpu.memory_space<vmem>>
      %dma_wait3A_1332 = tpu.memref_squeeze %dma_wait3A_1331 : memref<1x64x128xf32, #tpu.memory_space<vmem>> -> memref<64x128xf32, #tpu.memory_space<vmem>>
      %dma_wait3A_1333 = arith.constant 0 : i32
      %dma_wait3A_1334 = tpu.memref_slice %arg2[%multiple_of3A_1321, %dma_wait3A_1333] : memref<320000x128xf32, #tpu.memory_space<hbm>> -> memref<64x128xf32, #tpu.memory_space<hbm>>
      tpu.wait_dma2 semaphore(%arg10 : memref<!tpu.dma_semaphore, #tpu.memory_space<semaphore_mem>>) src(%dma_wait3A_1334 : memref<64x128xf32, #tpu.memory_space<hbm>>) dst(%dma_wait3A_1332 : memref<64x128xf32, #tpu.memory_space<vmem>>)
      %mul3A_1335 = arith.constant 64 : i32
      %mul3A_1336 = arith.muli %add3A_1317, %mul3A_1335 : i32
      %add3A_1337 = arith.addi %mul3A_2, %mul3A_1336 : i32
      %multiple_of3A_1338 = tpu.assume_multiple %add3A_1337, 16 : i32
      %dma_wait3A_1339 = arith.constant 1 : i32
      %dma_wait3A_1340 = arith.constant 0 : i32
      %dma_wait3A_1341 = tpu.memref_slice %arg6[%dma_wait3A_1339, %dma_wait3A_1340] : memref<6x64xi32, #tpu.memory_space<vmem>> -> memref<1x64xi32, #tpu.memory_space<vmem>>
      %dma_wait3A_1342 = tpu.memref_squeeze %dma_wait3A_1341 : memref<1x64xi32, #tpu.memory_space<vmem>> -> memref<64xi32, #tpu.memory_space<vmem>>
      %dma_wait3A_1343 = tpu.memref_slice %arg3[%multiple_of3A_1338] : memref<320000xi32, #tpu.memory_space<hbm>> -> memref<64xi32, #tpu.memory_space<hbm>>
      %dma_wait3A_1344 = arith.constant 0 : i32
      %dma_wait3A_1345 = tpu.memref_slice %arg6[%dma_wait3A_1339, %dma_wait3A_1344] : memref<6x64xi32, #tpu.memory_space<vmem>> -> memref<1x64xi32, #tpu.memory_space<vmem>>
      %dma_wait3A_1346 = tpu.memref_squeeze %dma_wait3A_1345 : memref<1x64xi32, #tpu.memory_space<vmem>> -> memref<64xi32, #tpu.memory_space<vmem>>
      %dma_wait3A_1347 = tpu.memref_slice %arg3[%multiple_of3A_1338] : memref<320000xi32, #tpu.memory_space<hbm>> -> memref<64xi32, #tpu.memory_space<hbm>>
      tpu.wait_dma2 semaphore(%arg16 : memref<!tpu.dma_semaphore, #tpu.memory_space<semaphore_mem>>) src(%dma_wait3A_1347 : memref<64xi32, #tpu.memory_space<hbm>>) dst(%dma_wait3A_1346 : memref<64xi32, #tpu.memory_space<vmem>>)
      %dma_start3A_1348 = arith.constant 1 : i32
      %dma_start3A_1349 = arith.constant 1 : i32
      %dma_start3A_1350 = arith.constant 0 : i32
      %dma_start3A_1351 = arith.constant 0 : i32
      %dma_start3A_1352 = tpu.memref_slice %arg8[%dma_start3A_1348, %dma_start3A_1350, %dma_start3A_1351] : memref<6x64x128xf32, #tpu.memory_space<vmem>> -> memref<1x64x128xf32, #tpu.memory_space<vmem>>
      %dma_start3A_1353 = tpu.memref_squeeze %dma_start3A_1352 : memref<1x64x128xf32, #tpu.memory_space<vmem>> -> memref<64x128xf32, #tpu.memory_space<vmem>>
      %dma_start3A_1354 = arith.constant 0 : i32
      %dma_start3A_1355 = tpu.memref_slice %arg6[%dma_start3A_1349, %dma_start3A_1354] : memref<6x64xi32, #tpu.memory_space<vmem>> -> memref<1x64xi32, #tpu.memory_space<vmem>>
      %dma_start3A_1356 = tpu.memref_squeeze %dma_start3A_1355 : memref<1x64xi32, #tpu.memory_space<vmem>> -> memref<64xi32, #tpu.memory_space<vmem>>
      %dma_start3A_1357 = arith.constant 0 : i32
      %dma_start3A_1358 = arith.constant 0 : i32
      %dma_start3A_1359 = tpu.memref_slice %arg5[%dma_start3A_1357, %dma_start3A_1358] : memref<10000x128xf32, #tpu.memory_space<vmem_shared>> -> memref<10000x128xf32, #tpu.memory_space<vmem_shared>>
      tpu.enqueue_indirect_dma source(%dma_start3A_1353 : memref<64x128xf32, #tpu.memory_space<vmem>>) target(%dma_start3A_1359 : memref<10000x128xf32, #tpu.memory_space<vmem_shared>>) offsets(%dma_start3A_1356 : memref<64xi32, #tpu.memory_space<vmem>>) semaphore(%arg22 : memref<!tpu.dma_semaphore, #tpu.memory_space<semaphore_mem>>) {add = true}
      %dma_wait3A_1360 = arith.constant 5 : i32
      %dma_wait3A_1361 = arith.constant 5 : i32
      %dma_wait3A_1362 = arith.constant 0 : i32
      %dma_wait3A_1363 = arith.constant 0 : i32
      %dma_wait3A_1364 = tpu.memref_slice %arg8[%dma_wait3A_1360, %dma_wait3A_1362, %dma_wait3A_1363] : memref<6x64x128xf32, #tpu.memory_space<vmem>> -> memref<1x64x128xf32, #tpu.memory_space<vmem>>
      %dma_wait3A_1365 = tpu.memref_squeeze %dma_wait3A_1364 : memref<1x64x128xf32, #tpu.memory_space<vmem>> -> memref<64x128xf32, #tpu.memory_space<vmem>>
      %dma_wait3A_1366 = arith.constant 0 : i32
      %dma_wait3A_1367 = tpu.memref_slice %arg6[%dma_wait3A_1361, %dma_wait3A_1366] : memref<6x64xi32, #tpu.memory_space<vmem>> -> memref<1x64xi32, #tpu.memory_space<vmem>>
      %dma_wait3A_1368 = tpu.memref_squeeze %dma_wait3A_1367 : memref<1x64xi32, #tpu.memory_space<vmem>> -> memref<64xi32, #tpu.memory_space<vmem>>
      %dma_wait3A_1369 = arith.constant 0 : i32
      %dma_wait3A_1370 = arith.constant 0 : i32
      %dma_wait3A_1371 = tpu.memref_slice %arg5[%dma_wait3A_1369, %dma_wait3A_1370] : memref<10000x128xf32, #tpu.memory_space<vmem_shared>> -> memref<10000x128xf32, #tpu.memory_space<vmem_shared>>
      tpu.wait_indirect_dma semaphore(%arg26 : memref<!tpu.dma_semaphore, #tpu.memory_space<semaphore_mem>>) src(%dma_wait3A_1365 : memref<64x128xf32, #tpu.memory_space<vmem>>) dst(%dma_wait3A_1371 : memref<10000x128xf32, #tpu.memory_space<vmem_shared>>)
      %add3A_1372 = arith.constant 4 : i32
      %add3A_1373 = arith.addi %add3A_1317, %add3A_1372 : i32
      %mul3A_1374 = arith.constant 64 : i32
      %mul3A_1375 = arith.muli %add3A_1373, %mul3A_1374 : i32
      %add3A_1376 = arith.addi %mul3A_2, %mul3A_1375 : i32
      %multiple_of3A_1377 = tpu.assume_multiple %add3A_1376, 16 : i32
      %dma_start3A_1378 = arith.constant 5 : i32
      %dma_start3A_1379 = arith.constant 0 : i32
      %dma_start3A_1380 = arith.constant 0 : i32
      %dma_start3A_1381 = tpu.memref_slice %arg8[%dma_start3A_1378, %dma_start3A_1379, %dma_start3A_1380] : memref<6x64x128xf32, #tpu.memory_space<vmem>> -> memref<1x64x128xf32, #tpu.memory_space<vmem>>
      %dma_start3A_1382 = tpu.memref_squeeze %dma_start3A_1381 : memref<1x64x128xf32, #tpu.memory_space<vmem>> -> memref<64x128xf32, #tpu.memory_space<vmem>>
      %dma_start3A_1383 = arith.constant 0 : i32
      %dma_start3A_1384 = tpu.memref_slice %arg2[%multiple_of3A_1377, %dma_start3A_1383] : memref<320000x128xf32, #tpu.memory_space<hbm>> -> memref<64x128xf32, #tpu.memory_space<hbm>>
      %dma_start3A_1385 = arith.constant 0 : i32
      %dma_start3A_1386 = arith.constant 0 : i32
      %dma_start3A_1387 = tpu.memref_slice %arg8[%dma_start3A_1378, %dma_start3A_1385, %dma_start3A_1386] : memref<6x64x128xf32, #tpu.memory_space<vmem>> -> memref<1x64x128xf32, #tpu.memory_space<vmem>>
      %dma_start3A_1388 = tpu.memref_squeeze %dma_start3A_1387 : memref<1x64x128xf32, #tpu.memory_space<vmem>> -> memref<64x128xf32, #tpu.memory_space<vmem>>
      %dma_start3A_1389 = arith.constant 0 : i32
      %dma_start3A_1390 = tpu.memref_slice %arg2[%multiple_of3A_1377, %dma_start3A_1389] : memref<320000x128xf32, #tpu.memory_space<hbm>> -> memref<64x128xf32, #tpu.memory_space<hbm>>
      tpu.enqueue_dma source(%dma_start3A_1390 : memref<64x128xf32, #tpu.memory_space<hbm>>) target(%dma_start3A_1388 : memref<64x128xf32, #tpu.memory_space<vmem>>) target_semaphore(%arg14 : memref<!tpu.dma_semaphore, #tpu.memory_space<semaphore_mem>>)
      %mul3A_1391 = arith.constant 64 : i32
      %mul3A_1392 = arith.muli %add3A_1373, %mul3A_1391 : i32
      %add3A_1393 = arith.addi %mul3A_2, %mul3A_1392 : i32
      %multiple_of3A_1394 = tpu.assume_multiple %add3A_1393, 16 : i32
      %dma_start3A_1395 = arith.constant 5 : i32
      %dma_start3A_1396 = arith.constant 0 : i32
      %dma_start3A_1397 = tpu.memref_slice %arg6[%dma_start3A_1395, %dma_start3A_1396] : memref<6x64xi32, #tpu.memory_space<vmem>> -> memref<1x64xi32, #tpu.memory_space<vmem>>
      %dma_start3A_1398 = tpu.memref_squeeze %dma_start3A_1397 : memref<1x64xi32, #tpu.memory_space<vmem>> -> memref<64xi32, #tpu.memory_space<vmem>>
      %dma_start3A_1399 = tpu.memref_slice %arg3[%multiple_of3A_1394] : memref<320000xi32, #tpu.memory_space<hbm>> -> memref<64xi32, #tpu.memory_space<hbm>>
      %dma_start3A_1400 = arith.constant 0 : i32
      %dma_start3A_1401 = tpu.memref_slice %arg6[%dma_start3A_1395, %dma_start3A_1400] : memref<6x64xi32, #tpu.memory_space<vmem>> -> memref<1x64xi32, #tpu.memory_space<vmem>>
      %dma_start3A_1402 = tpu.memref_squeeze %dma_start3A_1401 : memref<1x64xi32, #tpu.memory_space<vmem>> -> memref<64xi32, #tpu.memory_space<vmem>>
      %dma_start3A_1403 = tpu.memref_slice %arg3[%multiple_of3A_1394] : memref<320000xi32, #tpu.memory_space<hbm>> -> memref<64xi32, #tpu.memory_space<hbm>>
      tpu.enqueue_dma source(%dma_start3A_1403 : memref<64xi32, #tpu.memory_space<hbm>>) target(%dma_start3A_1402 : memref<64xi32, #tpu.memory_space<vmem>>) target_semaphore(%arg20 : memref<!tpu.dma_semaphore, #tpu.memory_space<semaphore_mem>>)
    }
    %scan3A_562 = arith.constant 25 : i32
    %add3A_563 = arith.constant 9728 : i32
    %add3A_564 = arith.addi %mul3A_2, %add3A_563 : i32
    %multiple_of3A_565 = tpu.assume_multiple %add3A_564, 16 : i32
    %dma_wait3A_566 = arith.constant 2 : i32
    %dma_wait3A_567 = arith.constant 0 : i32
    %dma_wait3A_568 = arith.constant 0 : i32
    %dma_wait3A_569 = tpu.memref_slice %arg8[%dma_wait3A_566, %dma_wait3A_567, %dma_wait3A_568] : memref<6x64x128xf32, #tpu.memory_space<vmem>> -> memref<1x64x128xf32, #tpu.memory_space<vmem>>
    %dma_wait3A_570 = tpu.memref_squeeze %dma_wait3A_569 : memref<1x64x128xf32, #tpu.memory_space<vmem>> -> memref<64x128xf32, #tpu.memory_space<vmem>>
    %dma_wait3A_571 = arith.constant 0 : i32
    %dma_wait3A_572 = tpu.memref_slice %arg2[%multiple_of3A_565, %dma_wait3A_571] : memref<320000x128xf32, #tpu.memory_space<hbm>> -> memref<64x128xf32, #tpu.memory_space<hbm>>
    %dma_wait3A_573 = arith.constant 0 : i32
    %dma_wait3A_574 = arith.constant 0 : i32
    %dma_wait3A_575 = tpu.memref_slice %arg8[%dma_wait3A_566, %dma_wait3A_573, %dma_wait3A_574] : memref<6x64x128xf32, #tpu.memory_space<vmem>> -> memref<1x64x128xf32, #tpu.memory_space<vmem>>
    %dma_wait3A_576 = tpu.memref_squeeze %dma_wait3A_575 : memref<1x64x128xf32, #tpu.memory_space<vmem>> -> memref<64x128xf32, #tpu.memory_space<vmem>>
    %dma_wait3A_577 = arith.constant 0 : i32
    %dma_wait3A_578 = tpu.memref_slice %arg2[%multiple_of3A_565, %dma_wait3A_577] : memref<320000x128xf32, #tpu.memory_space<hbm>> -> memref<64x128xf32, #tpu.memory_space<hbm>>
    tpu.wait_dma2 semaphore(%arg11 : memref<!tpu.dma_semaphore, #tpu.memory_space<semaphore_mem>>) src(%dma_wait3A_578 : memref<64x128xf32, #tpu.memory_space<hbm>>) dst(%dma_wait3A_576 : memref<64x128xf32, #tpu.memory_space<vmem>>)
    %add3A_579 = arith.constant 9728 : i32
    %add3A_580 = arith.addi %mul3A_2, %add3A_579 : i32
    %multiple_of3A_581 = tpu.assume_multiple %add3A_580, 16 : i32
    %dma_wait3A_582 = arith.constant 2 : i32
    %dma_wait3A_583 = arith.constant 0 : i32
    %dma_wait3A_584 = tpu.memref_slice %arg6[%dma_wait3A_582, %dma_wait3A_583] : memref<6x64xi32, #tpu.memory_space<vmem>> -> memref<1x64xi32, #tpu.memory_space<vmem>>
    %dma_wait3A_585 = tpu.memref_squeeze %dma_wait3A_584 : memref<1x64xi32, #tpu.memory_space<vmem>> -> memref<64xi32, #tpu.memory_space<vmem>>
    %dma_wait3A_586 = tpu.memref_slice %arg3[%multiple_of3A_581] : memref<320000xi32, #tpu.memory_space<hbm>> -> memref<64xi32, #tpu.memory_space<hbm>>
    %dma_wait3A_587 = arith.constant 0 : i32
    %dma_wait3A_588 = tpu.memref_slice %arg6[%dma_wait3A_582, %dma_wait3A_587] : memref<6x64xi32, #tpu.memory_space<vmem>> -> memref<1x64xi32, #tpu.memory_space<vmem>>
    %dma_wait3A_589 = tpu.memref_squeeze %dma_wait3A_588 : memref<1x64xi32, #tpu.memory_space<vmem>> -> memref<64xi32, #tpu.memory_space<vmem>>
    %dma_wait3A_590 = tpu.memref_slice %arg3[%multiple_of3A_581] : memref<320000xi32, #tpu.memory_space<hbm>> -> memref<64xi32, #tpu.memory_space<hbm>>
    tpu.wait_dma2 semaphore(%arg17 : memref<!tpu.dma_semaphore, #tpu.memory_space<semaphore_mem>>) src(%dma_wait3A_590 : memref<64xi32, #tpu.memory_space<hbm>>) dst(%dma_wait3A_589 : memref<64xi32, #tpu.memory_space<vmem>>)
    %dma_start3A_591 = arith.constant 2 : i32
    %dma_start3A_592 = arith.constant 2 : i32
    %dma_start3A_593 = arith.constant 0 : i32
    %dma_start3A_594 = arith.constant 0 : i32
    %dma_start3A_595 = tpu.memref_slice %arg8[%dma_start3A_591, %dma_start3A_593, %dma_start3A_594] : memref<6x64x128xf32, #tpu.memory_space<vmem>> -> memref<1x64x128xf32, #tpu.memory_space<vmem>>
    %dma_start3A_596 = tpu.memref_squeeze %dma_start3A_595 : memref<1x64x128xf32, #tpu.memory_space<vmem>> -> memref<64x128xf32, #tpu.memory_space<vmem>>
    %dma_start3A_597 = arith.constant 0 : i32
    %dma_start3A_598 = tpu.memref_slice %arg6[%dma_start3A_592, %dma_start3A_597] : memref<6x64xi32, #tpu.memory_space<vmem>> -> memref<1x64xi32, #tpu.memory_space<vmem>>
    %dma_start3A_599 = tpu.memref_squeeze %dma_start3A_598 : memref<1x64xi32, #tpu.memory_space<vmem>> -> memref<64xi32, #tpu.memory_space<vmem>>
    %dma_start3A_600 = arith.constant 0 : i32
    %dma_start3A_601 = arith.constant 0 : i32
    %dma_start3A_602 = tpu.memref_slice %arg5[%dma_start3A_600, %dma_start3A_601] : memref<10000x128xf32, #tpu.memory_space<vmem_shared>> -> memref<10000x128xf32, #tpu.memory_space<vmem_shared>>
    tpu.enqueue_indirect_dma source(%dma_start3A_596 : memref<64x128xf32, #tpu.memory_space<vmem>>) target(%dma_start3A_602 : memref<10000x128xf32, #tpu.memory_space<vmem_shared>>) offsets(%dma_start3A_599 : memref<64xi32, #tpu.memory_space<vmem>>) semaphore(%arg23 : memref<!tpu.dma_semaphore, #tpu.memory_space<semaphore_mem>>) {add = true}
    %dma_wait3A_603 = arith.constant 0 : i32
    %dma_wait3A_604 = arith.constant 0 : i32
    %dma_wait3A_605 = arith.constant 0 : i32
    %dma_wait3A_606 = arith.constant 0 : i32
    %dma_wait3A_607 = tpu.memref_slice %arg8[%dma_wait3A_603, %dma_wait3A_605, %dma_wait3A_606] : memref<6x64x128xf32, #tpu.memory_space<vmem>> -> memref<1x64x128xf32, #tpu.memory_space<vmem>>
    %dma_wait3A_608 = tpu.memref_squeeze %dma_wait3A_607 : memref<1x64x128xf32, #tpu.memory_space<vmem>> -> memref<64x128xf32, #tpu.memory_space<vmem>>
    %dma_wait3A_609 = arith.constant 0 : i32
    %dma_wait3A_610 = tpu.memref_slice %arg6[%dma_wait3A_604, %dma_wait3A_609] : memref<6x64xi32, #tpu.memory_space<vmem>> -> memref<1x64xi32, #tpu.memory_space<vmem>>
    %dma_wait3A_611 = tpu.memref_squeeze %dma_wait3A_610 : memref<1x64xi32, #tpu.memory_space<vmem>> -> memref<64xi32, #tpu.memory_space<vmem>>
    %dma_wait3A_612 = arith.constant 0 : i32
    %dma_wait3A_613 = arith.constant 0 : i32
    %dma_wait3A_614 = tpu.memref_slice %arg5[%dma_wait3A_612, %dma_wait3A_613] : memref<10000x128xf32, #tpu.memory_space<vmem_shared>> -> memref<10000x128xf32, #tpu.memory_space<vmem_shared>>
    tpu.wait_indirect_dma semaphore(%arg21 : memref<!tpu.dma_semaphore, #tpu.memory_space<semaphore_mem>>) src(%dma_wait3A_608 : memref<64x128xf32, #tpu.memory_space<vmem>>) dst(%dma_wait3A_614 : memref<10000x128xf32, #tpu.memory_space<vmem_shared>>)
    %add3A_615 = arith.constant 9792 : i32
    %add3A_616 = arith.addi %mul3A_2, %add3A_615 : i32
    %multiple_of3A_617 = tpu.assume_multiple %add3A_616, 16 : i32
    %dma_wait3A_618 = arith.constant 3 : i32
    %dma_wait3A_619 = arith.constant 0 : i32
    %dma_wait3A_620 = arith.constant 0 : i32
    %dma_wait3A_621 = tpu.memref_slice %arg8[%dma_wait3A_618, %dma_wait3A_619, %dma_wait3A_620] : memref<6x64x128xf32, #tpu.memory_space<vmem>> -> memref<1x64x128xf32, #tpu.memory_space<vmem>>
    %dma_wait3A_622 = tpu.memref_squeeze %dma_wait3A_621 : memref<1x64x128xf32, #tpu.memory_space<vmem>> -> memref<64x128xf32, #tpu.memory_space<vmem>>
    %dma_wait3A_623 = arith.constant 0 : i32
    %dma_wait3A_624 = tpu.memref_slice %arg2[%multiple_of3A_617, %dma_wait3A_623] : memref<320000x128xf32, #tpu.memory_space<hbm>> -> memref<64x128xf32, #tpu.memory_space<hbm>>
    %dma_wait3A_625 = arith.constant 0 : i32
    %dma_wait3A_626 = arith.constant 0 : i32
    %dma_wait3A_627 = tpu.memref_slice %arg8[%dma_wait3A_618, %dma_wait3A_625, %dma_wait3A_626] : memref<6x64x128xf32, #tpu.memory_space<vmem>> -> memref<1x64x128xf32, #tpu.memory_space<vmem>>
    %dma_wait3A_628 = tpu.memref_squeeze %dma_wait3A_627 : memref<1x64x128xf32, #tpu.memory_space<vmem>> -> memref<64x128xf32, #tpu.memory_space<vmem>>
    %dma_wait3A_629 = arith.constant 0 : i32
    %dma_wait3A_630 = tpu.memref_slice %arg2[%multiple_of3A_617, %dma_wait3A_629] : memref<320000x128xf32, #tpu.memory_space<hbm>> -> memref<64x128xf32, #tpu.memory_space<hbm>>
    tpu.wait_dma2 semaphore(%arg12 : memref<!tpu.dma_semaphore, #tpu.memory_space<semaphore_mem>>) src(%dma_wait3A_630 : memref<64x128xf32, #tpu.memory_space<hbm>>) dst(%dma_wait3A_628 : memref<64x128xf32, #tpu.memory_space<vmem>>)
    %add3A_631 = arith.constant 9792 : i32
    %add3A_632 = arith.addi %mul3A_2, %add3A_631 : i32
    %multiple_of3A_633 = tpu.assume_multiple %add3A_632, 16 : i32
    %dma_wait3A_634 = arith.constant 3 : i32
    %dma_wait3A_635 = arith.constant 0 : i32
    %dma_wait3A_636 = tpu.memref_slice %arg6[%dma_wait3A_634, %dma_wait3A_635] : memref<6x64xi32, #tpu.memory_space<vmem>> -> memref<1x64xi32, #tpu.memory_space<vmem>>
    %dma_wait3A_637 = tpu.memref_squeeze %dma_wait3A_636 : memref<1x64xi32, #tpu.memory_space<vmem>> -> memref<64xi32, #tpu.memory_space<vmem>>
    %dma_wait3A_638 = tpu.memref_slice %arg3[%multiple_of3A_633] : memref<320000xi32, #tpu.memory_space<hbm>> -> memref<64xi32, #tpu.memory_space<hbm>>
    %dma_wait3A_639 = arith.constant 0 : i32
    %dma_wait3A_640 = tpu.memref_slice %arg6[%dma_wait3A_634, %dma_wait3A_639] : memref<6x64xi32, #tpu.memory_space<vmem>> -> memref<1x64xi32, #tpu.memory_space<vmem>>
    %dma_wait3A_641 = tpu.memref_squeeze %dma_wait3A_640 : memref<1x64xi32, #tpu.memory_space<vmem>> -> memref<64xi32, #tpu.memory_space<vmem>>
    %dma_wait3A_642 = tpu.memref_slice %arg3[%multiple_of3A_633] : memref<320000xi32, #tpu.memory_space<hbm>> -> memref<64xi32, #tpu.memory_space<hbm>>
    tpu.wait_dma2 semaphore(%arg18 : memref<!tpu.dma_semaphore, #tpu.memory_space<semaphore_mem>>) src(%dma_wait3A_642 : memref<64xi32, #tpu.memory_space<hbm>>) dst(%dma_wait3A_641 : memref<64xi32, #tpu.memory_space<vmem>>)
    %dma_start3A_643 = arith.constant 3 : i32
    %dma_start3A_644 = arith.constant 3 : i32
    %dma_start3A_645 = arith.constant 0 : i32
    %dma_start3A_646 = arith.constant 0 : i32
    %dma_start3A_647 = tpu.memref_slice %arg8[%dma_start3A_643, %dma_start3A_645, %dma_start3A_646] : memref<6x64x128xf32, #tpu.memory_space<vmem>> -> memref<1x64x128xf32, #tpu.memory_space<vmem>>
    %dma_start3A_648 = tpu.memref_squeeze %dma_start3A_647 : memref<1x64x128xf32, #tpu.memory_space<vmem>> -> memref<64x128xf32, #tpu.memory_space<vmem>>
    %dma_start3A_649 = arith.constant 0 : i32
    %dma_start3A_650 = tpu.memref_slice %arg6[%dma_start3A_644, %dma_start3A_649] : memref<6x64xi32, #tpu.memory_space<vmem>> -> memref<1x64xi32, #tpu.memory_space<vmem>>
    %dma_start3A_651 = tpu.memref_squeeze %dma_start3A_650 : memref<1x64xi32, #tpu.memory_space<vmem>> -> memref<64xi32, #tpu.memory_space<vmem>>
    %dma_start3A_652 = arith.constant 0 : i32
    %dma_start3A_653 = arith.constant 0 : i32
    %dma_start3A_654 = tpu.memref_slice %arg5[%dma_start3A_652, %dma_start3A_653] : memref<10000x128xf32, #tpu.memory_space<vmem_shared>> -> memref<10000x128xf32, #tpu.memory_space<vmem_shared>>
    tpu.enqueue_indirect_dma source(%dma_start3A_648 : memref<64x128xf32, #tpu.memory_space<vmem>>) target(%dma_start3A_654 : memref<10000x128xf32, #tpu.memory_space<vmem_shared>>) offsets(%dma_start3A_651 : memref<64xi32, #tpu.memory_space<vmem>>) semaphore(%arg24 : memref<!tpu.dma_semaphore, #tpu.memory_space<semaphore_mem>>) {add = true}
    %dma_wait3A_655 = arith.constant 1 : i32
    %dma_wait3A_656 = arith.constant 1 : i32
    %dma_wait3A_657 = arith.constant 0 : i32
    %dma_wait3A_658 = arith.constant 0 : i32
    %dma_wait3A_659 = tpu.memref_slice %arg8[%dma_wait3A_655, %dma_wait3A_657, %dma_wait3A_658] : memref<6x64x128xf32, #tpu.memory_space<vmem>> -> memref<1x64x128xf32, #tpu.memory_space<vmem>>
    %dma_wait3A_660 = tpu.memref_squeeze %dma_wait3A_659 : memref<1x64x128xf32, #tpu.memory_space<vmem>> -> memref<64x128xf32, #tpu.memory_space<vmem>>
    %dma_wait3A_661 = arith.constant 0 : i32
    %dma_wait3A_662 = tpu.memref_slice %arg6[%dma_wait3A_656, %dma_wait3A_661] : memref<6x64xi32, #tpu.memory_space<vmem>> -> memref<1x64xi32, #tpu.memory_space<vmem>>
    %dma_wait3A_663 = tpu.memref_squeeze %dma_wait3A_662 : memref<1x64xi32, #tpu.memory_space<vmem>> -> memref<64xi32, #tpu.memory_space<vmem>>
    %dma_wait3A_664 = arith.constant 0 : i32
    %dma_wait3A_665 = arith.constant 0 : i32
    %dma_wait3A_666 = tpu.memref_slice %arg5[%dma_wait3A_664, %dma_wait3A_665] : memref<10000x128xf32, #tpu.memory_space<vmem_shared>> -> memref<10000x128xf32, #tpu.memory_space<vmem_shared>>
    tpu.wait_indirect_dma semaphore(%arg22 : memref<!tpu.dma_semaphore, #tpu.memory_space<semaphore_mem>>) src(%dma_wait3A_660 : memref<64x128xf32, #tpu.memory_space<vmem>>) dst(%dma_wait3A_666 : memref<10000x128xf32, #tpu.memory_space<vmem_shared>>)
    %add3A_667 = arith.constant 9856 : i32
    %add3A_668 = arith.addi %mul3A_2, %add3A_667 : i32
    %multiple_of3A_669 = tpu.assume_multiple %add3A_668, 16 : i32
    %dma_wait3A_670 = arith.constant 4 : i32
    %dma_wait3A_671 = arith.constant 0 : i32
    %dma_wait3A_672 = arith.constant 0 : i32
    %dma_wait3A_673 = tpu.memref_slice %arg8[%dma_wait3A_670, %dma_wait3A_671, %dma_wait3A_672] : memref<6x64x128xf32, #tpu.memory_space<vmem>> -> memref<1x64x128xf32, #tpu.memory_space<vmem>>
    %dma_wait3A_674 = tpu.memref_squeeze %dma_wait3A_673 : memref<1x64x128xf32, #tpu.memory_space<vmem>> -> memref<64x128xf32, #tpu.memory_space<vmem>>
    %dma_wait3A_675 = arith.constant 0 : i32
    %dma_wait3A_676 = tpu.memref_slice %arg2[%multiple_of3A_669, %dma_wait3A_675] : memref<320000x128xf32, #tpu.memory_space<hbm>> -> memref<64x128xf32, #tpu.memory_space<hbm>>
    %dma_wait3A_677 = arith.constant 0 : i32
    %dma_wait3A_678 = arith.constant 0 : i32
    %dma_wait3A_679 = tpu.memref_slice %arg8[%dma_wait3A_670, %dma_wait3A_677, %dma_wait3A_678] : memref<6x64x128xf32, #tpu.memory_space<vmem>> -> memref<1x64x128xf32, #tpu.memory_space<vmem>>
    %dma_wait3A_680 = tpu.memref_squeeze %dma_wait3A_679 : memref<1x64x128xf32, #tpu.memory_space<vmem>> -> memref<64x128xf32, #tpu.memory_space<vmem>>
    %dma_wait3A_681 = arith.constant 0 : i32
    %dma_wait3A_682 = tpu.memref_slice %arg2[%multiple_of3A_669, %dma_wait3A_681] : memref<320000x128xf32, #tpu.memory_space<hbm>> -> memref<64x128xf32, #tpu.memory_space<hbm>>
    tpu.wait_dma2 semaphore(%arg13 : memref<!tpu.dma_semaphore, #tpu.memory_space<semaphore_mem>>) src(%dma_wait3A_682 : memref<64x128xf32, #tpu.memory_space<hbm>>) dst(%dma_wait3A_680 : memref<64x128xf32, #tpu.memory_space<vmem>>)
    %add3A_683 = arith.constant 9856 : i32
    %add3A_684 = arith.addi %mul3A_2, %add3A_683 : i32
    %multiple_of3A_685 = tpu.assume_multiple %add3A_684, 16 : i32
    %dma_wait3A_686 = arith.constant 4 : i32
    %dma_wait3A_687 = arith.constant 0 : i32
    %dma_wait3A_688 = tpu.memref_slice %arg6[%dma_wait3A_686, %dma_wait3A_687] : memref<6x64xi32, #tpu.memory_space<vmem>> -> memref<1x64xi32, #tpu.memory_space<vmem>>
    %dma_wait3A_689 = tpu.memref_squeeze %dma_wait3A_688 : memref<1x64xi32, #tpu.memory_space<vmem>> -> memref<64xi32, #tpu.memory_space<vmem>>
    %dma_wait3A_690 = tpu.memref_slice %arg3[%multiple_of3A_685] : memref<320000xi32, #tpu.memory_space<hbm>> -> memref<64xi32, #tpu.memory_space<hbm>>
    %dma_wait3A_691 = arith.constant 0 : i32
    %dma_wait3A_692 = tpu.memref_slice %arg6[%dma_wait3A_686, %dma_wait3A_691] : memref<6x64xi32, #tpu.memory_space<vmem>> -> memref<1x64xi32, #tpu.memory_space<vmem>>
    %dma_wait3A_693 = tpu.memref_squeeze %dma_wait3A_692 : memref<1x64xi32, #tpu.memory_space<vmem>> -> memref<64xi32, #tpu.memory_space<vmem>>
    %dma_wait3A_694 = tpu.memref_slice %arg3[%multiple_of3A_685] : memref<320000xi32, #tpu.memory_space<hbm>> -> memref<64xi32, #tpu.memory_space<hbm>>
    tpu.wait_dma2 semaphore(%arg19 : memref<!tpu.dma_semaphore, #tpu.memory_space<semaphore_mem>>) src(%dma_wait3A_694 : memref<64xi32, #tpu.memory_space<hbm>>) dst(%dma_wait3A_693 : memref<64xi32, #tpu.memory_space<vmem>>)
    %dma_start3A_695 = arith.constant 4 : i32
    %dma_start3A_696 = arith.constant 4 : i32
    %dma_start3A_697 = arith.constant 0 : i32
    %dma_start3A_698 = arith.constant 0 : i32
    %dma_start3A_699 = tpu.memref_slice %arg8[%dma_start3A_695, %dma_start3A_697, %dma_start3A_698] : memref<6x64x128xf32, #tpu.memory_space<vmem>> -> memref<1x64x128xf32, #tpu.memory_space<vmem>>
    %dma_start3A_700 = tpu.memref_squeeze %dma_start3A_699 : memref<1x64x128xf32, #tpu.memory_space<vmem>> -> memref<64x128xf32, #tpu.memory_space<vmem>>
    %dma_start3A_701 = arith.constant 0 : i32
    %dma_start3A_702 = tpu.memref_slice %arg6[%dma_start3A_696, %dma_start3A_701] : memref<6x64xi32, #tpu.memory_space<vmem>> -> memref<1x64xi32, #tpu.memory_space<vmem>>
    %dma_start3A_703 = tpu.memref_squeeze %dma_start3A_702 : memref<1x64xi32, #tpu.memory_space<vmem>> -> memref<64xi32, #tpu.memory_space<vmem>>
    %dma_start3A_704 = arith.constant 0 : i32
    %dma_start3A_705 = arith.constant 0 : i32
    %dma_start3A_706 = tpu.memref_slice %arg5[%dma_start3A_704, %dma_start3A_705] : memref<10000x128xf32, #tpu.memory_space<vmem_shared>> -> memref<10000x128xf32, #tpu.memory_space<vmem_shared>>
    tpu.enqueue_indirect_dma source(%dma_start3A_700 : memref<64x128xf32, #tpu.memory_space<vmem>>) target(%dma_start3A_706 : memref<10000x128xf32, #tpu.memory_space<vmem_shared>>) offsets(%dma_start3A_703 : memref<64xi32, #tpu.memory_space<vmem>>) semaphore(%arg25 : memref<!tpu.dma_semaphore, #tpu.memory_space<semaphore_mem>>) {add = true}
    %dma_wait3A_707 = arith.constant 2 : i32
    %dma_wait3A_708 = arith.constant 2 : i32
    %dma_wait3A_709 = arith.constant 0 : i32
    %dma_wait3A_710 = arith.constant 0 : i32
    %dma_wait3A_711 = tpu.memref_slice %arg8[%dma_wait3A_707, %dma_wait3A_709, %dma_wait3A_710] : memref<6x64x128xf32, #tpu.memory_space<vmem>> -> memref<1x64x128xf32, #tpu.memory_space<vmem>>
    %dma_wait3A_712 = tpu.memref_squeeze %dma_wait3A_711 : memref<1x64x128xf32, #tpu.memory_space<vmem>> -> memref<64x128xf32, #tpu.memory_space<vmem>>
    %dma_wait3A_713 = arith.constant 0 : i32
    %dma_wait3A_714 = tpu.memref_slice %arg6[%dma_wait3A_708, %dma_wait3A_713] : memref<6x64xi32, #tpu.memory_space<vmem>> -> memref<1x64xi32, #tpu.memory_space<vmem>>
    %dma_wait3A_715 = tpu.memref_squeeze %dma_wait3A_714 : memref<1x64xi32, #tpu.memory_space<vmem>> -> memref<64xi32, #tpu.memory_space<vmem>>
    %dma_wait3A_716 = arith.constant 0 : i32
    %dma_wait3A_717 = arith.constant 0 : i32
    %dma_wait3A_718 = tpu.memref_slice %arg5[%dma_wait3A_716, %dma_wait3A_717] : memref<10000x128xf32, #tpu.memory_space<vmem_shared>> -> memref<10000x128xf32, #tpu.memory_space<vmem_shared>>
    tpu.wait_indirect_dma semaphore(%arg23 : memref<!tpu.dma_semaphore, #tpu.memory_space<semaphore_mem>>) src(%dma_wait3A_712 : memref<64x128xf32, #tpu.memory_space<vmem>>) dst(%dma_wait3A_718 : memref<10000x128xf32, #tpu.memory_space<vmem_shared>>)
    %add3A_719 = arith.constant 9920 : i32
    %add3A_720 = arith.addi %mul3A_2, %add3A_719 : i32
    %multiple_of3A_721 = tpu.assume_multiple %add3A_720, 16 : i32
    %dma_wait3A_722 = arith.constant 5 : i32
    %dma_wait3A_723 = arith.constant 0 : i32
    %dma_wait3A_724 = arith.constant 0 : i32
    %dma_wait3A_725 = tpu.memref_slice %arg8[%dma_wait3A_722, %dma_wait3A_723, %dma_wait3A_724] : memref<6x64x128xf32, #tpu.memory_space<vmem>> -> memref<1x64x128xf32, #tpu.memory_space<vmem>>
    %dma_wait3A_726 = tpu.memref_squeeze %dma_wait3A_725 : memref<1x64x128xf32, #tpu.memory_space<vmem>> -> memref<64x128xf32, #tpu.memory_space<vmem>>
    %dma_wait3A_727 = arith.constant 0 : i32
    %dma_wait3A_728 = tpu.memref_slice %arg2[%multiple_of3A_721, %dma_wait3A_727] : memref<320000x128xf32, #tpu.memory_space<hbm>> -> memref<64x128xf32, #tpu.memory_space<hbm>>
    %dma_wait3A_729 = arith.constant 0 : i32
    %dma_wait3A_730 = arith.constant 0 : i32
    %dma_wait3A_731 = tpu.memref_slice %arg8[%dma_wait3A_722, %dma_wait3A_729, %dma_wait3A_730] : memref<6x64x128xf32, #tpu.memory_space<vmem>> -> memref<1x64x128xf32, #tpu.memory_space<vmem>>
    %dma_wait3A_732 = tpu.memref_squeeze %dma_wait3A_731 : memref<1x64x128xf32, #tpu.memory_space<vmem>> -> memref<64x128xf32, #tpu.memory_space<vmem>>
    %dma_wait3A_733 = arith.constant 0 : i32
    %dma_wait3A_734 = tpu.memref_slice %arg2[%multiple_of3A_721, %dma_wait3A_733] : memref<320000x128xf32, #tpu.memory_space<hbm>> -> memref<64x128xf32, #tpu.memory_space<hbm>>
    tpu.wait_dma2 semaphore(%arg14 : memref<!tpu.dma_semaphore, #tpu.memory_space<semaphore_mem>>) src(%dma_wait3A_734 : memref<64x128xf32, #tpu.memory_space<hbm>>) dst(%dma_wait3A_732 : memref<64x128xf32, #tpu.memory_space<vmem>>)
    %add3A_735 = arith.constant 9920 : i32
    %add3A_736 = arith.addi %mul3A_2, %add3A_735 : i32
    %multiple_of3A_737 = tpu.assume_multiple %add3A_736, 16 : i32
    %dma_wait3A_738 = arith.constant 5 : i32
    %dma_wait3A_739 = arith.constant 0 : i32
    %dma_wait3A_740 = tpu.memref_slice %arg6[%dma_wait3A_738, %dma_wait3A_739] : memref<6x64xi32, #tpu.memory_space<vmem>> -> memref<1x64xi32, #tpu.memory_space<vmem>>
    %dma_wait3A_741 = tpu.memref_squeeze %dma_wait3A_740 : memref<1x64xi32, #tpu.memory_space<vmem>> -> memref<64xi32, #tpu.memory_space<vmem>>
    %dma_wait3A_742 = tpu.memref_slice %arg3[%multiple_of3A_737] : memref<320000xi32, #tpu.memory_space<hbm>> -> memref<64xi32, #tpu.memory_space<hbm>>
    %dma_wait3A_743 = arith.constant 0 : i32
    %dma_wait3A_744 = tpu.memref_slice %arg6[%dma_wait3A_738, %dma_wait3A_743] : memref<6x64xi32, #tpu.memory_space<vmem>> -> memref<1x64xi32, #tpu.memory_space<vmem>>
    %dma_wait3A_745 = tpu.memref_squeeze %dma_wait3A_744 : memref<1x64xi32, #tpu.memory_space<vmem>> -> memref<64xi32, #tpu.memory_space<vmem>>
    %dma_wait3A_746 = tpu.memref_slice %arg3[%multiple_of3A_737] : memref<320000xi32, #tpu.memory_space<hbm>> -> memref<64xi32, #tpu.memory_space<hbm>>
    tpu.wait_dma2 semaphore(%arg20 : memref<!tpu.dma_semaphore, #tpu.memory_space<semaphore_mem>>) src(%dma_wait3A_746 : memref<64xi32, #tpu.memory_space<hbm>>) dst(%dma_wait3A_745 : memref<64xi32, #tpu.memory_space<vmem>>)
    %dma_start3A_747 = arith.constant 5 : i32
    %dma_start3A_748 = arith.constant 5 : i32
    %dma_start3A_749 = arith.constant 0 : i32
    %dma_start3A_750 = arith.constant 0 : i32
    %dma_start3A_751 = tpu.memref_slice %arg8[%dma_start3A_747, %dma_start3A_749, %dma_start3A_750] : memref<6x64x128xf32, #tpu.memory_space<vmem>> -> memref<1x64x128xf32, #tpu.memory_space<vmem>>
    %dma_start3A_752 = tpu.memref_squeeze %dma_start3A_751 : memref<1x64x128xf32, #tpu.memory_space<vmem>> -> memref<64x128xf32, #tpu.memory_space<vmem>>
    %dma_start3A_753 = arith.constant 0 : i32
    %dma_start3A_754 = tpu.memref_slice %arg6[%dma_start3A_748, %dma_start3A_753] : memref<6x64xi32, #tpu.memory_space<vmem>> -> memref<1x64xi32, #tpu.memory_space<vmem>>
    %dma_start3A_755 = tpu.memref_squeeze %dma_start3A_754 : memref<1x64xi32, #tpu.memory_space<vmem>> -> memref<64xi32, #tpu.memory_space<vmem>>
    %dma_start3A_756 = arith.constant 0 : i32
    %dma_start3A_757 = arith.constant 0 : i32
    %dma_start3A_758 = tpu.memref_slice %arg5[%dma_start3A_756, %dma_start3A_757] : memref<10000x128xf32, #tpu.memory_space<vmem_shared>> -> memref<10000x128xf32, #tpu.memory_space<vmem_shared>>
    tpu.enqueue_indirect_dma source(%dma_start3A_752 : memref<64x128xf32, #tpu.memory_space<vmem>>) target(%dma_start3A_758 : memref<10000x128xf32, #tpu.memory_space<vmem_shared>>) offsets(%dma_start3A_755 : memref<64xi32, #tpu.memory_space<vmem>>) semaphore(%arg26 : memref<!tpu.dma_semaphore, #tpu.memory_space<semaphore_mem>>) {add = true}
    %dma_wait3A_759 = arith.constant 3 : i32
    %dma_wait3A_760 = arith.constant 3 : i32
    %dma_wait3A_761 = arith.constant 0 : i32
    %dma_wait3A_762 = arith.constant 0 : i32
    %dma_wait3A_763 = tpu.memref_slice %arg8[%dma_wait3A_759, %dma_wait3A_761, %dma_wait3A_762] : memref<6x64x128xf32, #tpu.memory_space<vmem>> -> memref<1x64x128xf32, #tpu.memory_space<vmem>>
    %dma_wait3A_764 = tpu.memref_squeeze %dma_wait3A_763 : memref<1x64x128xf32, #tpu.memory_space<vmem>> -> memref<64x128xf32, #tpu.memory_space<vmem>>
    %dma_wait3A_765 = arith.constant 0 : i32
    %dma_wait3A_766 = tpu.memref_slice %arg6[%dma_wait3A_760, %dma_wait3A_765] : memref<6x64xi32, #tpu.memory_space<vmem>> -> memref<1x64xi32, #tpu.memory_space<vmem>>
    %dma_wait3A_767 = tpu.memref_squeeze %dma_wait3A_766 : memref<1x64xi32, #tpu.memory_space<vmem>> -> memref<64xi32, #tpu.memory_space<vmem>>
    %dma_wait3A_768 = arith.constant 0 : i32
    %dma_wait3A_769 = arith.constant 0 : i32
    %dma_wait3A_770 = tpu.memref_slice %arg5[%dma_wait3A_768, %dma_wait3A_769] : memref<10000x128xf32, #tpu.memory_space<vmem_shared>> -> memref<10000x128xf32, #tpu.memory_space<vmem_shared>>
    tpu.wait_indirect_dma semaphore(%arg24 : memref<!tpu.dma_semaphore, #tpu.memory_space<semaphore_mem>>) src(%dma_wait3A_764 : memref<64x128xf32, #tpu.memory_space<vmem>>) dst(%dma_wait3A_770 : memref<10000x128xf32, #tpu.memory_space<vmem_shared>>)
    %dma_wait3A_771 = arith.constant 4 : i32
    %dma_wait3A_772 = arith.constant 4 : i32
    %dma_wait3A_773 = arith.constant 0 : i32
    %dma_wait3A_774 = arith.constant 0 : i32
    %dma_wait3A_775 = tpu.memref_slice %arg8[%dma_wait3A_771, %dma_wait3A_773, %dma_wait3A_774] : memref<6x64x128xf32, #tpu.memory_space<vmem>> -> memref<1x64x128xf32, #tpu.memory_space<vmem>>
    %dma_wait3A_776 = tpu.memref_squeeze %dma_wait3A_775 : memref<1x64x128xf32, #tpu.memory_space<vmem>> -> memref<64x128xf32, #tpu.memory_space<vmem>>
    %dma_wait3A_777 = arith.constant 0 : i32
    %dma_wait3A_778 = tpu.memref_slice %arg6[%dma_wait3A_772, %dma_wait3A_777] : memref<6x64xi32, #tpu.memory_space<vmem>> -> memref<1x64xi32, #tpu.memory_space<vmem>>
    %dma_wait3A_779 = tpu.memref_squeeze %dma_wait3A_778 : memref<1x64xi32, #tpu.memory_space<vmem>> -> memref<64xi32, #tpu.memory_space<vmem>>
    %dma_wait3A_780 = arith.constant 0 : i32
    %dma_wait3A_781 = arith.constant 0 : i32
    %dma_wait3A_782 = tpu.memref_slice %arg5[%dma_wait3A_780, %dma_wait3A_781] : memref<10000x128xf32, #tpu.memory_space<vmem_shared>> -> memref<10000x128xf32, #tpu.memory_space<vmem_shared>>
    tpu.wait_indirect_dma semaphore(%arg25 : memref<!tpu.dma_semaphore, #tpu.memory_space<semaphore_mem>>) src(%dma_wait3A_776 : memref<64x128xf32, #tpu.memory_space<vmem>>) dst(%dma_wait3A_782 : memref<10000x128xf32, #tpu.memory_space<vmem_shared>>)
    %dma_wait3A_783 = arith.constant 5 : i32
    %dma_wait3A_784 = arith.constant 5 : i32
    %dma_wait3A_785 = arith.constant 0 : i32
    %dma_wait3A_786 = arith.constant 0 : i32
    %dma_wait3A_787 = tpu.memref_slice %arg8[%dma_wait3A_783, %dma_wait3A_785, %dma_wait3A_786] : memref<6x64x128xf32, #tpu.memory_space<vmem>> -> memref<1x64x128xf32, #tpu.memory_space<vmem>>
    %dma_wait3A_788 = tpu.memref_squeeze %dma_wait3A_787 : memref<1x64x128xf32, #tpu.memory_space<vmem>> -> memref<64x128xf32, #tpu.memory_space<vmem>>
    %dma_wait3A_789 = arith.constant 0 : i32
    %dma_wait3A_790 = tpu.memref_slice %arg6[%dma_wait3A_784, %dma_wait3A_789] : memref<6x64xi32, #tpu.memory_space<vmem>> -> memref<1x64xi32, #tpu.memory_space<vmem>>
    %dma_wait3A_791 = tpu.memref_squeeze %dma_wait3A_790 : memref<1x64xi32, #tpu.memory_space<vmem>> -> memref<64xi32, #tpu.memory_space<vmem>>
    %dma_wait3A_792 = arith.constant 0 : i32
    %dma_wait3A_793 = arith.constant 0 : i32
    %dma_wait3A_794 = tpu.memref_slice %arg5[%dma_wait3A_792, %dma_wait3A_793] : memref<10000x128xf32, #tpu.memory_space<vmem_shared>> -> memref<10000x128xf32, #tpu.memory_space<vmem_shared>>
    tpu.wait_indirect_dma semaphore(%arg26 : memref<!tpu.dma_semaphore, #tpu.memory_space<semaphore_mem>>) src(%dma_wait3A_788 : memref<64x128xf32, #tpu.memory_space<vmem>>) dst(%dma_wait3A_794 : memref<10000x128xf32, #tpu.memory_space<vmem_shared>>)
    %add3A_795 = arith.constant 9984 : i32
    %add3A_796 = arith.addi %mul3A_2, %add3A_795 : i32
    %multiple_of3A_797 = tpu.assume_multiple %add3A_796, 16 : i32
    "tpu.region"() ({
      %run_scoped3A_851 = tpu.sem_alloc : memref<!tpu.dma_semaphore, #tpu.memory_space<semaphore_mem>>
      %dma_start3A_852 = tpu.memref_slice %arg3[%multiple_of3A_797] : memref<320000xi32, #tpu.memory_space<hbm>> -> memref<16xi32, #tpu.memory_space<hbm>>
      %dma_start3A_853 = tpu.memref_slice %arg3[%multiple_of3A_797] : memref<320000xi32, #tpu.memory_space<hbm>> -> memref<16xi32, #tpu.memory_space<hbm>>
      tpu.enqueue_dma source(%dma_start3A_853 : memref<16xi32, #tpu.memory_space<hbm>>) target(%arg7 : memref<16xi32, #tpu.memory_space<vmem>>) target_semaphore(%run_scoped3A_851 : memref<!tpu.dma_semaphore, #tpu.memory_space<semaphore_mem>>)
      %dma_wait3A_854 = tpu.memref_slice %arg3[%multiple_of3A_797] : memref<320000xi32, #tpu.memory_space<hbm>> -> memref<16xi32, #tpu.memory_space<hbm>>
      %dma_wait3A_855 = tpu.memref_slice %arg3[%multiple_of3A_797] : memref<320000xi32, #tpu.memory_space<hbm>> -> memref<16xi32, #tpu.memory_space<hbm>>
      tpu.wait_dma2 semaphore(%run_scoped3A_851 : memref<!tpu.dma_semaphore, #tpu.memory_space<semaphore_mem>>) src(%dma_wait3A_855 : memref<16xi32, #tpu.memory_space<hbm>>) dst(%arg7 : memref<16xi32, #tpu.memory_space<vmem>>)
      tpu.yield
    }) : () -> ()
    %dma_start3A_798 = arith.constant 0 : i32
    %dma_start3A_799 = arith.constant 0 : i32
    %dma_start3A_800 = arith.constant 0 : i32
    %dma_start3A_801 = tpu.memref_slice %arg8[%dma_start3A_798, %dma_start3A_799, %dma_start3A_800] : memref<6x64x128xf32, #tpu.memory_space<vmem>> -> memref<1x16x128xf32, #tpu.memory_space<vmem>>
    %dma_start3A_802 = tpu.memref_squeeze %dma_start3A_801 : memref<1x16x128xf32, #tpu.memory_space<vmem>> -> memref<16x128xf32, #tpu.memory_space<vmem>>
    %dma_start3A_803 = arith.constant 0 : i32
    %dma_start3A_804 = tpu.memref_slice %arg2[%multiple_of3A_797, %dma_start3A_803] : memref<320000x128xf32, #tpu.memory_space<hbm>> -> memref<16x128xf32, #tpu.memory_space<hbm>>
    %dma_start3A_805 = arith.constant 0 : i32
    %dma_start3A_806 = arith.constant 0 : i32
    %dma_start3A_807 = tpu.memref_slice %arg8[%dma_start3A_798, %dma_start3A_805, %dma_start3A_806] : memref<6x64x128xf32, #tpu.memory_space<vmem>> -> memref<1x16x128xf32, #tpu.memory_space<vmem>>
    %dma_start3A_808 = tpu.memref_squeeze %dma_start3A_807 : memref<1x16x128xf32, #tpu.memory_space<vmem>> -> memref<16x128xf32, #tpu.memory_space<vmem>>
    %dma_start3A_809 = arith.constant 0 : i32
    %dma_start3A_810 = tpu.memref_slice %arg2[%multiple_of3A_797, %dma_start3A_809] : memref<320000x128xf32, #tpu.memory_space<hbm>> -> memref<16x128xf32, #tpu.memory_space<hbm>>
    tpu.enqueue_dma source(%dma_start3A_810 : memref<16x128xf32, #tpu.memory_space<hbm>>) target(%dma_start3A_808 : memref<16x128xf32, #tpu.memory_space<vmem>>) target_semaphore(%arg27 : memref<!tpu.dma_semaphore, #tpu.memory_space<semaphore_mem>>)
    %dma_wait3A_811 = arith.constant 0 : i32
    %dma_wait3A_812 = arith.constant 0 : i32
    %dma_wait3A_813 = arith.constant 0 : i32
    %dma_wait3A_814 = tpu.memref_slice %arg8[%dma_wait3A_811, %dma_wait3A_812, %dma_wait3A_813] : memref<6x64x128xf32, #tpu.memory_space<vmem>> -> memref<1x16x128xf32, #tpu.memory_space<vmem>>
    %dma_wait3A_815 = tpu.memref_squeeze %dma_wait3A_814 : memref<1x16x128xf32, #tpu.memory_space<vmem>> -> memref<16x128xf32, #tpu.memory_space<vmem>>
    %dma_wait3A_816 = arith.constant 0 : i32
    %dma_wait3A_817 = tpu.memref_slice %arg2[%multiple_of3A_797, %dma_wait3A_816] : memref<320000x128xf32, #tpu.memory_space<hbm>> -> memref<16x128xf32, #tpu.memory_space<hbm>>
    %dma_wait3A_818 = arith.constant 0 : i32
    %dma_wait3A_819 = arith.constant 0 : i32
    %dma_wait3A_820 = tpu.memref_slice %arg8[%dma_wait3A_811, %dma_wait3A_818, %dma_wait3A_819] : memref<6x64x128xf32, #tpu.memory_space<vmem>> -> memref<1x16x128xf32, #tpu.memory_space<vmem>>
    %dma_wait3A_821 = tpu.memref_squeeze %dma_wait3A_820 : memref<1x16x128xf32, #tpu.memory_space<vmem>> -> memref<16x128xf32, #tpu.memory_space<vmem>>
    %dma_wait3A_822 = arith.constant 0 : i32
    %dma_wait3A_823 = tpu.memref_slice %arg2[%multiple_of3A_797, %dma_wait3A_822] : memref<320000x128xf32, #tpu.memory_space<hbm>> -> memref<16x128xf32, #tpu.memory_space<hbm>>
    tpu.wait_dma2 semaphore(%arg27 : memref<!tpu.dma_semaphore, #tpu.memory_space<semaphore_mem>>) src(%dma_wait3A_823 : memref<16x128xf32, #tpu.memory_space<hbm>>) dst(%dma_wait3A_821 : memref<16x128xf32, #tpu.memory_space<vmem>>)
    %run_scoped3A = arith.constant 0 : i32
    "tpu.region"() ({
      %run_scoped3A_851 = tpu.sem_alloc : memref<!tpu.dma_semaphore, #tpu.memory_space<semaphore_mem>>
      %dma_start3A_852 = arith.constant 0 : i32
      %dma_start3A_853 = arith.constant 0 : i32
      %dma_start3A_854 = tpu.memref_slice %arg8[%run_scoped3A, %dma_start3A_852, %dma_start3A_853] : memref<6x64x128xf32, #tpu.memory_space<vmem>> -> memref<1x16x128xf32, #tpu.memory_space<vmem>>
      %dma_start3A_855 = tpu.memref_squeeze %dma_start3A_854 : memref<1x16x128xf32, #tpu.memory_space<vmem>> -> memref<16x128xf32, #tpu.memory_space<vmem>>
      %dma_start3A_856 = arith.constant 0 : i32
      %dma_start3A_857 = arith.constant 0 : i32
      %dma_start3A_858 = tpu.memref_slice %arg5[%dma_start3A_856, %dma_start3A_857] : memref<10000x128xf32, #tpu.memory_space<vmem_shared>> -> memref<10000x128xf32, #tpu.memory_space<vmem_shared>>
      tpu.enqueue_indirect_dma source(%dma_start3A_855 : memref<16x128xf32, #tpu.memory_space<vmem>>) target(%dma_start3A_858 : memref<10000x128xf32, #tpu.memory_space<vmem_shared>>) offsets(%arg7 : memref<16xi32, #tpu.memory_space<vmem>>) semaphore(%run_scoped3A_851 : memref<!tpu.dma_semaphore, #tpu.memory_space<semaphore_mem>>) {add = true}
      %dma_wait3A_859 = arith.constant 0 : i32
      %dma_wait3A_860 = arith.constant 0 : i32
      %dma_wait3A_861 = tpu.memref_slice %arg8[%run_scoped3A, %dma_wait3A_859, %dma_wait3A_860] : memref<6x64x128xf32, #tpu.memory_space<vmem>> -> memref<1x16x128xf32, #tpu.memory_space<vmem>>
      %dma_wait3A_862 = tpu.memref_squeeze %dma_wait3A_861 : memref<1x16x128xf32, #tpu.memory_space<vmem>> -> memref<16x128xf32, #tpu.memory_space<vmem>>
      %dma_wait3A_863 = arith.constant 0 : i32
      %dma_wait3A_864 = arith.constant 0 : i32
      %dma_wait3A_865 = tpu.memref_slice %arg5[%dma_wait3A_863, %dma_wait3A_864] : memref<10000x128xf32, #tpu.memory_space<vmem_shared>> -> memref<10000x128xf32, #tpu.memory_space<vmem_shared>>
      tpu.wait_indirect_dma semaphore(%run_scoped3A_851 : memref<!tpu.dma_semaphore, #tpu.memory_space<semaphore_mem>>) src(%dma_wait3A_862 : memref<16x128xf32, #tpu.memory_space<vmem>>) dst(%dma_wait3A_865 : memref<10000x128xf32, #tpu.memory_space<vmem_shared>>)
      tpu.yield
    }) : () -> ()
    %barrier3A_824 = arith.constant 0 : index
    tpu.barrier barrier_id(%barrier3A_824)
    %scan3A_825 = arith.constant 0 : i32
    %scan3A_826 = arith.constant 9 : i32
    %scan3A_827 = arith.addi %scan3A_825, %scan3A_826 : i32
    %scan3A_828 = arith.constant 1 : i32
    scf.for %scan3A_851 = %scan3A_825 to %scan3A_827 step %scan3A_828  : i32 {
      %mul3A_852 = arith.constant 16 : i32
      %mul3A_853 = arith.muli %scan3A_851, %mul3A_852 : i32
      %add3A_854 = arith.addi %mul3A_853, %arg1 : i32
      %mul3A_855 = arith.constant 64 : i32
      %mul3A_856 = arith.muli %add3A_854, %mul3A_855 : i32
      %multiple_of3A_857 = tpu.assume_multiple %mul3A_856, 64 : i32
      %dma_start3A_858 = arith.constant 0 : i32
      %dma_start3A_859 = tpu.memref_slice %arg4[%arg0, %multiple_of3A_857, %dma_start3A_858] : memref<2x10000x128xf32, #tpu.memory_space<hbm>> -> memref<1x64x128xf32, #tpu.memory_space<hbm>>
      %dma_start3A_860 = tpu.memref_squeeze %dma_start3A_859 : memref<1x64x128xf32, #tpu.memory_space<hbm>> -> memref<64x128xf32, #tpu.memory_space<hbm>>
      %dma_start3A_861 = arith.constant 0 : i32
      %dma_start3A_862 = tpu.memref_slice %arg5[%multiple_of3A_857, %dma_start3A_861] : memref<10000x128xf32, #tpu.memory_space<vmem_shared>> -> memref<64x128xf32, #tpu.memory_space<vmem_shared>>
      tpu.enqueue_dma source(%dma_start3A_862 : memref<64x128xf32, #tpu.memory_space<vmem_shared>>) target(%dma_start3A_860 : memref<64x128xf32, #tpu.memory_space<hbm>>) target_semaphore(%arg27 : memref<!tpu.dma_semaphore, #tpu.memory_space<semaphore_mem>>)
    }
    %scan3A_829 = arith.constant 9 : i32
    %lt3A = arith.constant 12 : i32
    %lt3A_830 = arith.cmpi slt, %arg1, %lt3A : i32
    %convert_element_type3A = arith.extui %lt3A_830 : i1 to i32
    %cond3A = arith.constant 0 : i32
    %cond3A_831 = arith.cmpi ne, %convert_element_type3A, %cond3A : i32
    scf.if %cond3A_831 {
      %add3A_851 = arith.constant 144 : i32
      %add3A_852 = arith.addi %add3A_851, %arg1 : i32
      %mul3A_853 = arith.constant 64 : i32
      %mul3A_854 = arith.muli %add3A_852, %mul3A_853 : i32
      %multiple_of3A_855 = tpu.assume_multiple %mul3A_854, 64 : i32
      %dma_start3A_856 = arith.constant 0 : i32
      %dma_start3A_857 = tpu.memref_slice %arg4[%arg0, %multiple_of3A_855, %dma_start3A_856] : memref<2x10000x128xf32, #tpu.memory_space<hbm>> -> memref<1x64x128xf32, #tpu.memory_space<hbm>>
      %dma_start3A_858 = tpu.memref_squeeze %dma_start3A_857 : memref<1x64x128xf32, #tpu.memory_space<hbm>> -> memref<64x128xf32, #tpu.memory_space<hbm>>
      %dma_start3A_859 = arith.constant 0 : i32
      %dma_start3A_860 = tpu.memref_slice %arg5[%multiple_of3A_855, %dma_start3A_859] : memref<10000x128xf32, #tpu.memory_space<vmem_shared>> -> memref<64x128xf32, #tpu.memory_space<vmem_shared>>
      tpu.enqueue_dma source(%dma_start3A_860 : memref<64x128xf32, #tpu.memory_space<vmem_shared>>) target(%dma_start3A_858 : memref<64x128xf32, #tpu.memory_space<hbm>>) target_semaphore(%arg27 : memref<!tpu.dma_semaphore, #tpu.memory_space<semaphore_mem>>)
    } else {
    }
    %eq3A = arith.constant 12 : i32
    %eq3A_832 = arith.cmpi eq, %arg1, %eq3A : i32
    %convert_element_type3A_833 = arith.extui %eq3A_832 : i1 to i32
    %cond3A_834 = arith.constant 0 : i32
    %cond3A_835 = arith.cmpi ne, %convert_element_type3A_833, %cond3A_834 : i32
    scf.if %cond3A_835 {
      %dma_start3A_851 = arith.constant 9984 : i32
      %dma_start3A_852 = arith.constant 0 : i32
      %dma_start3A_853 = tpu.memref_slice %arg4[%arg0, %dma_start3A_851, %dma_start3A_852] : memref<2x10000x128xf32, #tpu.memory_space<hbm>> -> memref<1x16x128xf32, #tpu.memory_space<hbm>>
      %dma_start3A_854 = tpu.memref_squeeze %dma_start3A_853 : memref<1x16x128xf32, #tpu.memory_space<hbm>> -> memref<16x128xf32, #tpu.memory_space<hbm>>
      %dma_start3A_855 = arith.constant 9984 : i32
      %dma_start3A_856 = arith.constant 0 : i32
      %dma_start3A_857 = tpu.memref_slice %arg5[%dma_start3A_855, %dma_start3A_856] : memref<10000x128xf32, #tpu.memory_space<vmem_shared>> -> memref<16x128xf32, #tpu.memory_space<vmem_shared>>
      tpu.enqueue_dma source(%dma_start3A_857 : memref<16x128xf32, #tpu.memory_space<vmem_shared>>) target(%dma_start3A_854 : memref<16x128xf32, #tpu.memory_space<hbm>>) target_semaphore(%arg27 : memref<!tpu.dma_semaphore, #tpu.memory_space<semaphore_mem>>)
    } else {
    }
    %scan3A_836 = arith.constant 0 : i32
    %scan3A_837 = arith.constant 9 : i32
    %scan3A_838 = arith.addi %scan3A_836, %scan3A_837 : i32
    %scan3A_839 = arith.constant 1 : i32
    scf.for %scan3A_851 = %scan3A_836 to %scan3A_838 step %scan3A_839  : i32 {
      %mul3A_852 = arith.constant 16 : i32
      %mul3A_853 = arith.muli %scan3A_851, %mul3A_852 : i32
      %add3A_854 = arith.addi %mul3A_853, %arg1 : i32
      %mul3A_855 = arith.constant 64 : i32
      %mul3A_856 = arith.muli %add3A_854, %mul3A_855 : i32
      %multiple_of3A_857 = tpu.assume_multiple %mul3A_856, 64 : i32
      %dma_wait3A_858 = arith.constant 0 : i32
      %dma_wait3A_859 = tpu.memref_slice %arg4[%arg0, %multiple_of3A_857, %dma_wait3A_858] : memref<2x10000x128xf32, #tpu.memory_space<hbm>> -> memref<1x64x128xf32, #tpu.memory_space<hbm>>
      %dma_wait3A_860 = tpu.memref_squeeze %dma_wait3A_859 : memref<1x64x128xf32, #tpu.memory_space<hbm>> -> memref<64x128xf32, #tpu.memory_space<hbm>>
      %dma_wait3A_861 = arith.constant 0 : i32
      %dma_wait3A_862 = tpu.memref_slice %arg5[%multiple_of3A_857, %dma_wait3A_861] : memref<10000x128xf32, #tpu.memory_space<vmem_shared>> -> memref<64x128xf32, #tpu.memory_space<vmem_shared>>
      tpu.wait_dma2 semaphore(%arg27 : memref<!tpu.dma_semaphore, #tpu.memory_space<semaphore_mem>>) src(%dma_wait3A_862 : memref<64x128xf32, #tpu.memory_space<vmem_shared>>) dst(%dma_wait3A_860 : memref<64x128xf32, #tpu.memory_space<hbm>>)
    }
    %scan3A_840 = arith.constant 9 : i32
    %lt3A_841 = arith.constant 12 : i32
    %lt3A_842 = arith.cmpi slt, %arg1, %lt3A_841 : i32
    %convert_element_type3A_843 = arith.extui %lt3A_842 : i1 to i32
    %cond3A_844 = arith.constant 0 : i32
    %cond3A_845 = arith.cmpi ne, %convert_element_type3A_843, %cond3A_844 : i32
    scf.if %cond3A_845 {
      %add3A_851 = arith.constant 144 : i32
      %add3A_852 = arith.addi %add3A_851, %arg1 : i32
      %mul3A_853 = arith.constant 64 : i32
      %mul3A_854 = arith.muli %add3A_852, %mul3A_853 : i32
      %multiple_of3A_855 = tpu.assume_multiple %mul3A_854, 64 : i32
      %dma_wait3A_856 = arith.constant 0 : i32
      %dma_wait3A_857 = tpu.memref_slice %arg4[%arg0, %multiple_of3A_855, %dma_wait3A_856] : memref<2x10000x128xf32, #tpu.memory_space<hbm>> -> memref<1x64x128xf32, #tpu.memory_space<hbm>>
      %dma_wait3A_858 = tpu.memref_squeeze %dma_wait3A_857 : memref<1x64x128xf32, #tpu.memory_space<hbm>> -> memref<64x128xf32, #tpu.memory_space<hbm>>
      %dma_wait3A_859 = arith.constant 0 : i32
      %dma_wait3A_860 = tpu.memref_slice %arg5[%multiple_of3A_855, %dma_wait3A_859] : memref<10000x128xf32, #tpu.memory_space<vmem_shared>> -> memref<64x128xf32, #tpu.memory_space<vmem_shared>>
      tpu.wait_dma2 semaphore(%arg27 : memref<!tpu.dma_semaphore, #tpu.memory_space<semaphore_mem>>) src(%dma_wait3A_860 : memref<64x128xf32, #tpu.memory_space<vmem_shared>>) dst(%dma_wait3A_858 : memref<64x128xf32, #tpu.memory_space<hbm>>)
    } else {
    }
    %eq3A_846 = arith.constant 12 : i32
    %eq3A_847 = arith.cmpi eq, %arg1, %eq3A_846 : i32
    %convert_element_type3A_848 = arith.extui %eq3A_847 : i1 to i32
    %cond3A_849 = arith.constant 0 : i32
    %cond3A_850 = arith.cmpi ne, %convert_element_type3A_848, %cond3A_849 : i32
    scf.if %cond3A_850 {
      %dma_wait3A_851 = arith.constant 9984 : i32
      %dma_wait3A_852 = arith.constant 0 : i32
      %dma_wait3A_853 = tpu.memref_slice %arg4[%arg0, %dma_wait3A_851, %dma_wait3A_852] : memref<2x10000x128xf32, #tpu.memory_space<hbm>> -> memref<1x16x128xf32, #tpu.memory_space<hbm>>
      %dma_wait3A_854 = tpu.memref_squeeze %dma_wait3A_853 : memref<1x16x128xf32, #tpu.memory_space<hbm>> -> memref<16x128xf32, #tpu.memory_space<hbm>>
      %dma_wait3A_855 = arith.constant 9984 : i32
      %dma_wait3A_856 = arith.constant 0 : i32
      %dma_wait3A_857 = tpu.memref_slice %arg5[%dma_wait3A_855, %dma_wait3A_856] : memref<10000x128xf32, #tpu.memory_space<vmem_shared>> -> memref<16x128xf32, #tpu.memory_space<vmem_shared>>
      tpu.wait_dma2 semaphore(%arg27 : memref<!tpu.dma_semaphore, #tpu.memory_space<semaphore_mem>>) src(%dma_wait3A_857 : memref<16x128xf32, #tpu.memory_space<vmem_shared>>) dst(%dma_wait3A_854 : memref<16x128xf32, #tpu.memory_space<hbm>>)
    } else {
    }
    return
  }
}

module attributes {stable_mosaic.version = 14 : i64} {
  func.func @_tc_add(%arg0: i32, %arg1: memref<1x2000x128xf32, #tpu.memory_space<vmem>>, %arg2: memref<1x2000x128xf32, #tpu.memory_space<vmem>>, %arg3: memref<2000x128xf32, #tpu.memory_space<vmem>>) attributes {dimension_semantics = [#tpu.dimension_semantics<arbitrary>], iteration_bounds = array<i64: 5>, scalar_prefetch = 0 : i64, scratch_operands = 0 : i64, tpu.core_type = #tpu.core_type<tc>, window_params = [{transform_indices = @transform_0, window_bounds = array<i64: 1, 2000, 128>}, {transform_indices = @transform_1, window_bounds = array<i64: 1, 2000, 128>}, {transform_indices = @transform_2, window_bounds = array<i64: 2000, 128>}]} {
    %get3A = arith.constant 0 : index
    %get3A_0 = arith.constant 0 : index
    %get3A_1 = arith.constant 0 : index
    %get3A_2 = vector.load %arg1[%get3A, %get3A_0, %get3A_1] : memref<1x2000x128xf32, #tpu.memory_space<vmem>>, vector<1x2000x128xf32>
    %get3A_3 = vector.shape_cast %get3A_2 : vector<1x2000x128xf32> to vector<2000x128xf32>
    %get3A_4 = arith.constant 0 : index
    %get3A_5 = arith.constant 0 : index
    %get3A_6 = arith.constant 0 : index
    %get3A_7 = vector.load %arg2[%get3A_4, %get3A_5, %get3A_6] : memref<1x2000x128xf32, #tpu.memory_space<vmem>>, vector<1x2000x128xf32>
    %get3A_8 = vector.shape_cast %get3A_7 : vector<1x2000x128xf32> to vector<2000x128xf32>
    %add3A = arith.addf %get3A_3, %get3A_8 : vector<2000x128xf32>
    %swap3A = arith.constant 0 : index
    %swap3A_9 = arith.constant 0 : index
    %swap3A_10 = vector.load %arg3[%swap3A, %swap3A_9] : memref<2000x128xf32, #tpu.memory_space<vmem>>, vector<2000x128xf32>
    tpu.vector_store %arg3[%swap3A, %swap3A_9], %add3A {strides = array<i32>} : memref<2000x128xf32, #tpu.memory_space<vmem>>, vector<2000x128xf32>,
    return
  }
  func.func @transform_0(%arg0: i32) -> (i32, i32, i32) {
    %c0_i32 = arith.constant 0 : i32
    %c0_i32_0 = arith.constant 0 : i32
    %c0_i32_1 = arith.constant 0 : i32
    return %c0_i32, %arg0, %c0_i32_0 : i32, i32, i32
  }
  func.func @transform_1(%arg0: i32) -> (i32, i32, i32) {
    %c1_i32 = arith.constant 1 : i32
    %c0_i32 = arith.constant 0 : i32
    %c0_i32_0 = arith.constant 0 : i32
    return %c1_i32, %arg0, %c0_i32 : i32, i32, i32
  }
  func.func @transform_2(%arg0: i32) -> (i32, i32) {
    %c0_i32 = arith.constant 0 : i32
    %c0_i32_0 = arith.constant 0 : i32
    return %arg0, %c0_i32 : i32, i32
  }
}

</mosaic_0001>

<sc_bundles>
// kernel: kernel.4.cloned.1.call-start
scs
__scs_entry_jumppad:
0x0: {  	(pc) =	sbr.rel $0x88, $3  }
0x1: {  	(tag) =	ssettag $0x0;
	lr =	simm.s32 $0x1  }
0x2: {  	[smem:$0x3F9F] =	sst lr;
	_ =	strace $0xD0000000  }
0x3: {  	_ = 	snop  }
0x4: {  	_ = 	snop  }
0x5: {  	_ = 	snop  }
0x6: {  	_ = 	snop  }
0x7: {  	_ = 	snop  }
__scs_overlays_trampoline_lowered:
0x8: {  	[smem:$0x3FAE] =	sst s0  }
0x9: {  	[smem:$0x3FAF] =	sst s1  }
0xa: {  	[smem:$0x3FB0] =	sst s2  }
0xb: {  	[smem:$0x3FB1] =	sst s3  }
0xc: {  	[smem:$0x3FB2] =	sst s4  }
0xd: {  	[smem:$0x3FB3] =	sst s5  }
0xe: {  	[smem:$0x3FB4] =	sst s6  }
0xf: {  	[smem:$0x3FB5] =	sst s7  }
0x10: {  	[smem:$0x3FB6] =	sst s8  }
0x11: {  	[smem:$0x3FB7] =	sst s9;
	s0 =	simm.s32 @!p0 $0x0  }
0x12: {  	s1 =	sld [smem:$0x3F9D];
	s0 =	simm.s32 @p0 $0x1  }
0x13: {  	[smem:$0x3FB8] =	sst s0;
	s0 =	simm.s32 @!p1 $0x0  }
0x14: {  	s2 =	sld [smem:$0x3F9C];
	s0 =	simm.s32 @p1 $0x1  }
0x15: {  	[smem:$0x3FB9] =	sst s0;
	s0 =	simm.s32 @!p2 $0x0  }
0x16: {  	s3 =	sld [smem:$0x3FDB];
	s0 =	simm.s32 @p2 $0x1  }
0x17: {  	s4 =	simm.s32 $0x1BF5;
	[smem:$0x3FBB] =	sst s0  }
0x18: {  	s0 =	sld [smem:$0x3F9E];
	_ =	swait.ge [sflag:s4], $0x0  }
0x19: {  	s7 =	sld [smem:$0x3F9F]  }
0x1a: {  	s8 =	sadd.s32 $0xFFFFE003, lr  }
0x1b: {  	s9 =	sadd.s32 $0xFFFFFEF7, lr;
	s5 =	simm.s32 $0xFFFFFFFF;
	p2 =	slt.u32 s8, $0xFFFFF086  }
0x1c: {  	p1 =	slt.u32 s9, $0xF7A;
	s5 =	simm.s32 @!p2 $0x0  }
0x1d: {  	s5 =	simm.s32 @p1 $0x1;
	p0 =	seq.s32 s7, s2  }
0x1e: {  	s7 =	smul.u32 @!p0 $0xF7A, s2;
	p2 =	seq.s32 @!p0 s5, $0x0  }
0x1f: {  	s9 =	smul.u32 $0xF7A, s1;
	s8 =	simm.s32 @!p0 $0x1BF5;
	p2 =	por !p2, p0  }
0x20: {  	[sflag:s8] =	ssyncset.s32 @!p0 $0xFFFFF086;
	s6 =	sadd.s32 @!p0 s3, s7;
	s7 =	simm.s32 @!p0 $0x108  }
0x21: {  	s3 =	sadd.s32 s3, s9;
	s6 =	sadd.s32 @!p0 $0x88, s6;
	s7 =	simm.s32 @p2 $0x1082  }
0x22: {  	[simem:s7], [sflag:s8] =	dma.local @!p0 [hbm:s6], $0xF7A  }
0x23: {  	s9 =	sor.u32 $0xD0000000, s2;
	s6 =	simm.s32 $0x108;
	_ =	swait.ge @!p0 [sflag:s8], $0x0  }
0x24: {  	s3 =	sadd.s32 $0x88, s3;
	s6 =	simm.s32 @!p1 $0x1082;
	[sflag:s4] =	ssyncset.s32 $0xFFFFF086  }
0x25: {  	[simem:s6], [sflag:s4] =	dma.local [hbm:s3], $0xF7A  }
0x26: {  	[smem:$0x3F9F] =	sst s1;
	(tag) =	ssettag s2;
	_ =	strace s9  }
0x27: {  	s1 =	sld [smem:$0x3FAF]  }
0x28: {  	s2 =	sld [smem:$0x3FB0]  }
0x29: {  	s4 =	sld [smem:$0x3FB2]  }
0x2a: {  	p0 =	seq.s32 s5, $0x0;
	s5 =	sld [smem:$0x3FB3]  }
0x2b: {  	s6 =	sld [smem:$0x3FB4]  }
0x2c: {  	s7 =	sld [smem:$0x3FB5]  }
0x2d: {  	s3 =	simm.s32 $0x108;
	s8 =	sld [smem:$0x3FB6]  }
0x2e: {  	s3 =	simm.s32 @!p0 $0x1082;
	s9 =	sld [smem:$0x3FB7]  }
0x2f: {  	lr =	sadd.s32 s0, s3;
	s0 =	sld [smem:$0x3FAE]  }
0x30: {  	s3 =	sld [smem:$0x3FB1]  }
0x31: {  	[smem:$0x3FBA] =	sst s10  }
0x32: {  	s10 =	sld [smem:$0x3FB8];
	_ =	sdelay $0x3  }
0x33: {  	p0 =	seq.s32 s10, $0x1;
	s10 =	sld [smem:$0x3FBA];
	_ =	sdelay $0x3  }
0x34: {  	[smem:$0x3FBA] =	sst s10  }
0x35: {  	s10 =	sld [smem:$0x3FB9];
	_ =	sdelay $0x3  }
0x36: {  	p1 =	seq.s32 s10, $0x1;
	s10 =	sld [smem:$0x3FBA];
	_ =	sdelay $0x3  }
0x37: {  	[smem:$0x3FBA] =	sst s10  }
0x38: {  	s10 =	sld [smem:$0x3FBB]  }
0x39: {  	_ = 	snop;
	(pc) =	sbr.ind lr, $3  }
0x3a: {  	_ = 	snop  }
0x3b: {  	_ = 	snop  }
0x3c: {  	p2 =	seq.s32 s10, $0x1;
	s10 =	sld [smem:$0x3FBA]  }
0x3d: {  	_ =	shalt  }
0x3e: {  	_ =	shalt  }
0x3f: {  	_ =	shalt  }
0x40: {  	_ =	shalt  }
0x41: {  	_ =	shalt  }
0x42: {  	_ =	shalt  }
0x43: {  	_ =	shalt  }
0x44: {  	_ =	shalt  }
0x45: {  	_ =	shalt  }
0x46: {  	_ =	shalt  }
0x47: {  	_ =	shalt  }
0x48: {  	_ =	shalt  }
0x49: {  	_ =	shalt  }
0x4a: {  	_ =	shalt  }
0x4b: {  	_ =	shalt  }
0x4c: {  	_ =	shalt  }
0x4d: {  	_ =	shalt  }
0x4e: {  	_ =	shalt  }
0x4f: {  	_ =	shalt  }
0x50: {  	_ =	shalt  }
0x51: {  	_ =	shalt  }
0x52: {  	_ =	shalt  }
0x53: {  	_ =	shalt  }
0x54: {  	_ =	shalt  }
0x55: {  	_ =	shalt  }
0x56: {  	_ =	shalt  }
0x57: {  	_ =	shalt  }
0x58: {  	_ =	shalt  }
0x59: {  	_ =	shalt  }
0x5a: {  	_ =	shalt  }
0x5b: {  	_ =	shalt  }
0x5c: {  	_ =	shalt  }
0x5d: {  	_ =	shalt  }
0x5e: {  	_ =	shalt  }
0x5f: {  	_ =	shalt  }
0x60: {  	_ =	shalt  }
0x61: {  	_ =	shalt  }
0x62: {  	_ =	shalt  }
0x63: {  	_ =	shalt  }
0x64: {  	_ =	shalt  }
0x65: {  	_ =	shalt  }
0x66: {  	_ =	shalt  }
0x67: {  	_ =	shalt  }
0x68: {  	_ =	shalt  }
0x69: {  	_ =	shalt  }
0x6a: {  	_ =	shalt  }
0x6b: {  	_ =	shalt  }
0x6c: {  	_ =	shalt  }
0x6d: {  	_ =	shalt  }
0x6e: {  	_ =	shalt  }
0x6f: {  	_ =	shalt  }
0x70: {  	_ =	shalt  }
0x71: {  	_ =	shalt  }
0x72: {  	_ =	shalt  }
0x73: {  	_ =	shalt  }
0x74: {  	_ =	shalt  }
0x75: {  	_ =	shalt  }
0x76: {  	_ =	shalt  }
0x77: {  	_ =	shalt  }
0x78: {  	_ =	shalt  }
0x79: {  	_ =	shalt  }
0x7a: {  	_ =	shalt  }
0x7b: {  	_ =	shalt  }
0x7c: {  	_ =	shalt  }
0x7d: {  	_ =	shalt  }
0x7e: {  	_ =	shalt  }
0x7f: {  	_ =	shalt  }
0x80: {  	_ =	shalt  }
0x81: {  	_ =	shalt  }
0x82: {  	_ =	shalt  }
0x83: {  	_ =	shalt  }
0x84: {  	_ =	shalt  }
0x85: {  	_ =	shalt  }
0x86: {  	_ =	shalt  }
0x87: {  	_ =	shalt  }
.Lfunc_end0:
.L_simem_size_0:
called_computation_lowered:
.L_overlay_start_0:
0x88: {  	s2 =	sld [smem:$0x3FD9]  }
0x89: {  	s3 =	sld [smem:$0x3FFE];
	_ =	sdelay $0x1  }
0x8a: {  	s1 =	srdreg.scid  }
0x8b: {  	s0 =	sand.u32 $0x1, s1  }
0x8c: {  	s17 =	sshll.u32 s0, $0xA;
	s2 =	sadd.s32 s3, s2  }
0x8d: {  	s2 =	sadd.s32 s2, s17  }
0x8e: {  	[smem:$0x3FC6] =	sst s2  }
0x8f: {  	_ = 	snop  }
0x90: {  	s2 =	sld [smem:$0x3FC9]  }
0x91: {  	s18 =	sld [smem:$0x3FC8];
	(tm) =	ssettm $0x1  }
0x92: {  	s4 =	sld [smem:$0x3FFB];
	_ =	sdelay $0x3  }
0x93: {  	_ =	strace s4  }
0x94: {  	s4 =	sld [smem:$0x3FFC];
	_ =	sdelay $0x3  }
0x95: {  	_ =	strace s4  }
0x96: {  	s4 =	sld [smem:$0x3FFD];
	_ =	sdelay $0x3  }
0x97: {  	_ =	strace s4  }
0x98: {  	_ =	strace $0x8FFFFFFF  }
0x99: {  	s19 =	sld [smem:$0x3FDB];
	_ =	sdelay $0x1  }
0x9a: {  	s5 =	simm.s32 $_scs_section_size  }
0x9b: {  	s6 =	simm.s32 $_size__tile_overlayer_lowered;
	s7 =	simm.s32 $_tile_overlayer_lowered  }
0x9c: {  	s22 =	simm.s32 $0x1BFF;
	s21 =	sshll.u32 s7, $0x1;
	s4 =	sadd.s32 s5, s19  }
0x9d: {  	s8 =	simm.s32 $0x0;
	s20 =	sshll.u32 s6, $0x1;
	s6 =	sadd.s32 s21, s4  }
0x9e: {  	[timem:s8], [sflag:s22] =	dma.local [hbm:s6], s20  }
0x9f: {  	_ =	swait.ge [sflag:s22], s20  }
0xa0: {  	s5 =	ssub.s32 $0x0, s20;
	[sflag:s22] =	ssyncset.done $0x0  }
0xa1: {  	[sflag:s22] =	ssyncadd.s32 s5;
	_ =	sdelay $0x1  }
0xa2: {  	s23 =	simm.s32 $0x1B8B  }
0xa3: {  	_ =	swait.ge [sflag:s23], $0x1  }
0xa4: {  	[sflag:s23] =	ssyncset.done $0x0  }
0xa5: {  	s25 =	simm.s32 $0x1B8E;
	s24 =	sld [smem:$0x3FFE];
	[sflag:s23] =	ssyncadd.s32 $0xFFFFFFFF  }
0xa6: {  	s26 =	simm.s32 $execute0_lowered;
	[smem:$0x3FD2] =	sst s25  }
0xa7: {  	s6 =	sshll.u32 s26, $0x1;
	_ =	strace $0x80000046;
	[dreg:$0x1] =	wrdreg $0xFFFFFFFF  }
0xa8: {  	s28 =	simm.s32 $_size_execute0_lowered;
	s4 =	sadd.s32 s4, s6;
	[dreg:$0x0] =	wrdreg $0x0  }
0xa9: {  	s6 =	sshll.u32 s28, $0x1;
	[dreg:$0x2] =	wrdreg s4  }
0xaa: {  	[dreg:$0x3] =	wrdreg s6  }
0xab: {  	[dreg:$0x4] =	wrdreg $0xC0  }
0xac: {  	_ =	task [dreg:s8], $0x5FFFF  }
0xad: {  	[dreg:$0x1] =	wrdreg $0xFFFFFFFF  }
0xae: {  	[dreg:$0x0] =	wrdreg $0x60  }
0xaf: {  	[dreg:$0x2] =	wrdreg s2  }
0xb0: {  	[dreg:$0x3] =	wrdreg s18  }
0xb1: {  	[dreg:$0x4] =	wrdreg s24  }
0xb2: {  	[dreg:$0x5] =	wrdreg $0x0  }
0xb3: {  	[dreg:$0x6] =	wrdreg $0x9  }
0xb4: {  	_ =	task.clear_ibuf [dreg:s8], $0x7FFFF;
	_ =	strace $0x90000046  }
0xb5: {  	s29 =	simm.s32 $0x9;
	_ =	strace $0x80000048  }
0xb6: {  	_ =	swait.ge [sflag:s29], $0x1  }
0xb7: {  	[sflag:s29] =	ssyncadd.s32 $0xFFFFFFFF  }
0xb8: {  	_ =	strace $0x90000048  }
0xb9: {  	_ =	sfence  }
0xba: {  	s30 =	sld [smem:$0x0];
	_ =	sdelay $0x2  }
0xbb: {  	s31 =	sshll.u32 s1, $0xD;
	s1 =	sshrl.u32 s1, $0x2  }
0xbc: {  	s3 =	sand.u32 $0x4000, s31;
	s1 =	sadd.s32 s1, s30  }
0xbd: {  	s0 =	sor.u32 s3, s0;
	s1 =	sshll.u32 s1, $0x11  }
0xbe: {  	s0 =	sor.u32 s1, s0  }
0xbf: {  	s0 =	sadd.s32 $0x8F2B, s0  }
0xc0: {  	[sflag:s0] =	ssyncadd.remote.s32 $0x1  }
0xc1: {  	_ =	sfence.sel $0xFFFF  }
0xc2: {  	[dreg:$0x0] =	wrdreg $0xFFFFFFFF;
	(pc) =	sbr.abs _section_cstart, $3  }
0xc3: {  	[dreg:$0x1] =	wrdreg $0xFFFFFFFF  }
0xc4: {  	_ =	task.clear_ibuf [dreg:s8], $0x2FFFF;
	_ =	strace $0x9FFFFFFF  }
0xc5: {  	(tm) =	ssettm $0x7FFFFFFF  }
tec
execute0_lowered:
.L_overlay_start_1:
0x0: {  	(tag) =	ssettag $0x1  }
0x1: {  	s11 =	rddreg [dreg:$0x0]  }
0x2: {  	s28 =	rddreg [dreg:$0x1]  }
0x3: {  	s0 =	srdreg.scid;
	s13 =	rddreg [dreg:$0x2]  }
0x4: {  	s26 =	stileid.u32;
	s3 =	rddreg [dreg:$0x3]  }
0x5: {  	s4 =	simm.s32 $0x0;
	s29 =	simm.s32 $0xE;
	s30 =	simm.s32 $0x5  }
0x6: {  	s31 =	simm.s32 $0xB;
	s1 =	sand.u32 $0x1, s0;
	[smem:$0x7FF] =	sst s4  }
0x7: {  	s19 =	smul.u32 $0x27100, s26;
	s13 =	sadd.s32 $0x600, s13;
	s0 =	sshll.u32 s1, $0x4  }
0x8: {  	p0 =	sgt.u32 s26, $0xB;
	s6 =	ssub.s32 $0x2, s1;
	s0 =	sor.u32 s26, s0  }
0x9: {  	p2 =	sne.s32 @p0 s26, $0xC;
	s12 =	sshrl.u32 s6, $0x1;
	s2 =	smul.u32 $0x2710, s0  }
0xa: {  	p1 =	por p2, !p0;
	s7 =	smul.u32 $0x27100, s0;
	s0 =	ssub.s32 s6, s12  }
0xb: {  	p2 =	por !p2, !p0;
	s0 =	smax.u32 s0, $0x1;
	s5 =	sadd.s32 $0x40, s2  }
0xc: {  	s14 =	sadd.s32 s11, s7;
	s7 =	sadd.s32 $0x80, s2;
	s8 =	sadd.s32 $0x100, s2  }
0xd: {  	[dreg:$0x6] =	wrdreg s14;
	s15 =	sshll.u32 s5, $0x4;
	s9 =	sshll.u32 s7, $0x4  }
0xe: {  	s17 =	sshll.u32 s8, $0x4;
	s5 =	sshrl.u32 s5, $0x3;
	s6 =	sadd.s32 s11, s15  }
0xf: {  	s9 =	sadd.s32 s11, s9;
	s15 =	smul.u32 $0x271000, s1;
	[dreg:$0x7] =	wrdreg s6  }
0x10: {  	s6 =	sadd.s32 $0xC0, s2;
	[dreg:$0x8] =	wrdreg s9;
	s9 =	sadd.s32 s11, s17  }
0x11: {  	s10 =	sshll.u32 s6, $0x4;
	[dreg:$0xa] =	wrdreg s9;
	s9 =	sadd.s32 $0x140, s2  }
0x12: {  	s15 =	sadd.s32 s15, s11;
	s16 =	sadd.s32 s11, s10;
	s10 =	sadd.s32 $0x2700, s2  }
0x13: {  	s12 =	sshll.u32 s9, $0x4;
	s15 =	sadd.s32 s19, s15;
	s2 =	sshrl.u32 s2, $0x3  }
0x14: {  	[dreg:$0x9] =	wrdreg s16;
	s14 =	sshll.u32 s10, $0x4;
	s12 =	sadd.s32 s11, s12  }
0x15: {  	s2 =	sadd.s32 s28, s2;
	s18 =	sadd.s32 s11, s14;
	s14 =	smul.u32 $0x138800, s1  }
0x16: {  	[dreg:$0xb] =	wrdreg s12;
	s11 =	sshll.u32 s26, $0xD;
	s1 =	smul.u32 $0x27100, s1  }
0x17: {  	[dreg:$0xc] =	wrdreg s18;
	s12 =	sor.u32 $0x120000, s11;
	s19 =	sor.u32 $0x40000, s11  }
0x18: {  	_ =	strace $0x80000047;
	s16 =	sshrl.u32 s14, $0x3;
	[dreg:$0x5] =	wrdreg s15  }
0x19: {  	s17 =	sadd.s32 s14, s12;
	s18 =	sadd.s32 s14, s11;
	[dreg:$0x17] =	wrdreg s2  }
0x1a: {  	s2 =	sadd.s32 s28, s5;
	s15 =	sshrl.u32 s6, $0x3;
	[smem:$0x7E3] =	sst s0  }
0x1b: {  	s0 =	sadd.s32 s11, s3;
	s16 =	sadd.s32 s13, s16;
	s17 =	sshrl.u32 s17, $0x3  }
0x1c: {  	s20 =	sshrl.u32 s18, $0x3;
	s18 =	sor.u32 $0x20000, s11;
	[dreg:$0x18] =	wrdreg s2  }
0x1d: {  	s0 =	sshrl.u32 s0, $0x3;
	s17 =	sadd.s32 s13, s17;
	s21 =	sadd.s32 s14, s18  }
0x1e: {  	s5 =	sadd.s32 s18, s3;
	[smem:$0x7EA] =	sst s0;
	s0 =	sadd.s32 $0x138000, s3  }
0x1f: {  	[dreg:$0xd] =	wrdreg s17;
	s17 =	sadd.s32 s13, s20;
	s20 =	sadd.s32 s14, s19  }
0x20: {  	s5 =	sshrl.u32 s5, $0x3;
	s0 =	sshrl.u32 @!p1 s0, $0x3;
	[dreg:$0xe] =	wrdreg s17  }
0x21: {  	s17 =	sshrl.u32 s21, $0x3;
	s21 =	sor.u32 $0x60000, s11;
	s22 =	sshrl.u32 s20, $0x3  }
0x22: {  	s20 =	sor.u32 $0x80000, s11;
	[smem:$0x7EB] =	sst s5;
	s17 =	sadd.s32 s13, s17  }
0x23: {  	s23 =	sadd.s32 s14, s21;
	s25 =	sadd.s32 s14, s20;
	[dreg:$0xf] =	wrdreg s17  }
0x24: {  	s17 =	sadd.s32 s13, s22;
	s24 =	sshrl.u32 s23, $0x3;
	s22 =	sor.u32 $0xA0000, s11  }
0x25: {  	[dreg:$0x10] =	wrdreg s17;
	s17 =	sadd.s32 s13, s24;
	s23 =	sadd.s32 s14, s22  }
0x26: {  	s24 =	sor.u32 $0xC0000, s11;
	[dreg:$0x11] =	wrdreg s17;
	s17 =	sshrl.u32 s25, $0x3  }
0x27: {  	s23 =	sshrl.u32 s23, $0x3;
	s25 =	sadd.s32 s14, s24;
	s17 =	sadd.s32 s13, s17  }
0x28: {  	s25 =	sshrl.u32 s25, $0x3;
	[dreg:$0x12] =	wrdreg s17;
	s17 =	sadd.s32 s13, s23  }
0x29: {  	s23 =	sor.u32 $0xE0000, s11;
	[dreg:$0x13] =	wrdreg s17;
	s17 =	sadd.s32 s13, s25  }
0x2a: {  	s25 =	sor.u32 $0x100000, s11;
	[dreg:$0x14] =	wrdreg s17;
	s17 =	sadd.s32 s14, s23  }
0x2b: {  	[smem:$0x7F3] =	sst s0;
	s14 =	sadd.s32 s14, s25;
	s17 =	sshrl.u32 s17, $0x3  }
0x2c: {  	s11 =	sadd.s32 s23, s3;
	s14 =	sshrl.u32 s14, $0x3;
	s17 =	sadd.s32 s13, s17  }
0x2d: {  	s13 =	sadd.s32 s13, s14;
	s14 =	smul.u32 $0x4E200, s26;
	[dreg:$0x15] =	wrdreg s17  }
0x2e: {  	s17 =	smul.u32 $0x2710, s26;
	[dreg:$0x16] =	wrdreg s13;
	s13 =	sshrl.u32 s7, $0x3  }
0x2f: {  	s2 =	sadd.s32 s28, s13;
	s7 =	sshrl.u32 s14, $0x2;
	s13 =	sadd.s32 $0x27000, s16  }
0x30: {  	s16 =	sadd.s32 s25, s3;
	s1 =	sadd.s32 s17, s1;
	[dreg:$0x19] =	wrdreg s2  }
0x31: {  	s17 =	sshrl.u32 s8, $0x3;
	s2 =	sadd.s32 s28, s15;
	[dreg:$0x1f] =	wrdreg s13  }
0x32: {  	s8 =	sshrl.u32 s9, $0x3;
	s9 =	sshrl.u32 s10, $0x3;
	[dreg:$0x1a] =	wrdreg s2  }
0x33: {  	s6 =	sadd.s32 s28, s17;
	s17 =	sadd.s32 s7, s3;
	s2 =	sadd.s32 s28, s8  }
0x34: {  	s10 =	sadd.s32 s28, s9;
	s7 =	sadd.s32 s21, s3;
	s8 =	sadd.s32 s20, s3  }
0x35: {  	s9 =	sadd.s32 s22, s3;
	s22 =	smov.u32 s28;
	[dreg:$0x1b] =	wrdreg s6  }
0x36: {  	s14 =	sadd.s32 $0x2C0, s1;
	s15 =	sadd.s32 $0x280, s1;
	[dreg:$0x1d] =	wrdreg s2  }
0x37: {  	s20 =	sadd.s32 $0x200, s1;
	s21 =	sadd.s32 $0x1C0, s1;
	[dreg:$0x1e] =	wrdreg s10  }
0x38: {  	s2 =	sadd.s32 s12, s3;
	s6 =	sadd.s32 s19, s3;
	s10 =	sadd.s32 s24, s3  }
0x39: {  	s12 =	sshrl.u32 s14, $0x3;
	s13 =	sshrl.u32 s15, $0x3;
	s19 =	sadd.s32 $0x240, s1  }
0x3a: {  	s23 =	sshrl.u32 s20, $0x3;
	s1 =	sadd.s32 $0x180, s1;
	[dreg:$0x1c] =	wrdreg s17  }
0x3b: {  	s24 =	sshrl.u32 s21, $0x3;
	s7 =	sshrl.u32 s7, $0x3;
	[smem:$0x7E9] =	sst s1  }
0x3c: {  	s8 =	sshrl.u32 s8, $0x3;
	s9 =	sshrl.u32 s9, $0x3;
	[smem:$0x7ED] =	sst s7  }
0x3d: {  	s15 =	sshrl.u32 s16, $0x3;
	s16 =	sadd.s32 $0x2000, s17;
	[smem:$0x7EE] =	sst s8  }
0x3e: {  	s20 =	sadd.s32 $0x8000, s17;
	s21 =	sadd.s32 $0xA000, s17;
	[smem:$0x7EF] =	sst s9  }
0x3f: {  	s26 =	sadd.s32 $0x12000, s17;
	s14 =	simm.s32 $0x17D00;
	[smem:$0x7F2] =	sst s15  }
0x40: {  	s12 =	sadd.s32 s12, s28;
	s18 =	sadd.s32 s13, s28;
	[smem:$0x7F5] =	sst s16  }
0x41: {  	s25 =	sadd.s32 s24, s28;
	s6 =	sshrl.u32 s6, $0x3;
	[smem:$0x7F8] =	sst s20  }
0x42: {  	s13 =	sshrl.u32 s11, $0x3;
	s0 =	sshrl.u32 @!p0 s2, $0x3;
	[smem:$0x7F9] =	sst s21  }
0x43: {  	s24 =	sadd.s32 $0xE000, s17;
	[smem:$0x7FD] =	sst s26;
	s16 =	simm.s32 $0x13D00  }
0x44: {  	s21 =	simm.s32 $0x19D00;
	s8 =	simm.s32 $0x13A00;
	[smem:$0x7E4] =	sst s12  }
0x45: {  	s7 =	simm.s32 $0x1DD00;
	s15 =	simm.s32 $0x13;
	[smem:$0x7E5] =	sst s18  }
0x46: {  	s9 =	simm.s32 $0x1;
	s20 =	simm.s32 $0x7;
	[smem:$0x7E8] =	sst s25  }
0x47: {  	s1 =	simm.s32 $0x8;
	s2 =	simm.s32 $0x3;
	[smem:$0x7EC] =	sst s6  }
0x48: {  	s26 =	simm.s32 $0x0;
	s12 =	sshrl.u32 s19, $0x3;
	[smem:$0x7F1] =	sst s13  }
0x49: {  	[smem:$0x7F4] =	sst s0;
	s18 =	sadd.s32 $0x4000, s17;
	s19 =	sadd.s32 $0x6000, s17  }
0x4a: {  	[smem:$0x7FB] =	sst s24;
	s25 =	sadd.s32 $0x10000, s17;
	s0 =	simm.s32 $0x1BD00  }
0x4b: {  	s24 =	simm.s32 $0x13A80;
	s6 =	simm.s32 $0x2;
	[smem:$0x7F6] =	sst s18  }
0x4c: {  	s13 =	simm.s32 $0xD;
	s12 =	sadd.s32 s12, s28;
	[smem:$0x7F7] =	sst s19  }
0x4d: {  	[smem:$0x7FC] =	sst s25;
	s18 =	simm.s32 $0x15D00;
	s19 =	simm.s32 $0x13900  }
0x4e: {  	s25 =	simm.s32 $0x4;
	[smem:$0x7E6] =	sst s12;
	s12 =	sadd.s32 s23, s28  }
0x4f: {  	s23 =	sadd.s32 $0xC000, s17;
	s17 =	simm.s32 $0x13980;
	[smem:$0x7E7] =	sst s12  }
0x50: {  	s28 =	simm.s32 $0xA;
	s12 =	sshrl.u32 s10, $0x3;
	[smem:$0x7FA] =	sst s23  }
0x51: {  	v0 =	vimm.f32 $0.0e+00;
	s23 =	simm.s32 $0x13880;
	s10 =	simm.s32 $0x9;
	[smem:$0x7F0] =	sst s12  }
.LBB2_1:
0x52: {  	[smem:$0x7E2] =	sst s26  }
0x53: {  	s11 =	rddreg [dreg:$0x6]  }
0x54: {  	[tilespmem:s16], [sflag:$0x1] =	stream.linear.gather [hbm4b:s11+s4], $0x2000, $0x38;
	[tilespmem:$0x1FD00] =	vst v63  }
0x55: {  	s5 =	rddreg [dreg:$0x17]  }
0x56: {  	[tilespmem:s23], [sflag:$0x7] =	stream.linear.gather [hbm4b:s5+s4], $0x40, $0x38;
	[tilespmem:$0x1FD00] =	vst v63  }
0x57: {  	s12 =	rddreg [dreg:$0x7]  }
0x58: {  	[tilespmem:s18], [sflag:$0x2] =	stream.linear.gather [hbm4b:s12+s4], $0x2000, $0x38;
	[tilespmem:$0x1FD00] =	vst v63  }
0x59: {  	s26 =	rddreg [dreg:$0x18]  }
0x5a: {  	[tilespmem:s19], [sflag:$0x8] =	stream.linear.gather [hbm4b:s26+s4], $0x40, $0x38;
	[tilespmem:$0x1FD00] =	vst v63  }
0x5b: {  	s5 =	rddreg [dreg:$0x8]  }
0x5c: {  	[tilespmem:s14], [sflag:$0x3] =	stream.linear.gather [hbm4b:s5+s4], $0x2000, $0x38;
	[tilespmem:$0x1FD00] =	vst v63  }
0x5d: {  	s12 =	rddreg [dreg:$0x19]  }
0x5e: {  	[tilespmem:s17], [sflag:$0x9] =	stream.linear.gather [hbm4b:s12+s4], $0x40, $0x38;
	[tilespmem:$0x1FD00] =	vst v63  }
0x5f: {  	s26 =	rddreg [dreg:$0x9]  }
0x60: {  	[tilespmem:s21], [sflag:$0x4] =	stream.linear.gather [hbm4b:s26+s4], $0x2000, $0x38;
	[tilespmem:$0x1FD00] =	vst v63  }
0x61: {  	s5 =	rddreg [dreg:$0x1a]  }
0x62: {  	[tilespmem:s8], [sflag:$0xA] =	stream.linear.gather [hbm4b:s5+s4], $0x40, $0x38;
	[tilespmem:$0x1FD00] =	vst v63  }
0x63: {  	s12 =	rddreg [dreg:$0xa]  }
0x64: {  	[tilespmem:s0], [sflag:$0x5] =	stream.linear.gather [hbm4b:s12+s4], $0x2000, $0x38;
	[tilespmem:$0x1FD00] =	vst v63  }
0x65: {  	s11 =	simm.s32 $0x0;
	s26 =	rddreg [dreg:$0x1b];
	s12 =	simm.s32 $0x200  }
0x66: {  	[tilespmem:s24], [sflag:$0xB] =	stream.linear.gather [hbm4b:s26+s4], $0x40, $0x38;
	[tilespmem:$0x1FD00] =	vst v63  }
.LBB2_2:
0x67: {  	p3 =	sne.s32 s12, $0x7E00;
	[tilespmem:s11+$0x1DD70] =	vst v0  }
0x68: {  	[tilespmem:s11+$0x1DD00] =	vst v0  }
0x69: {  	[tilespmem:s11+$0x1DD10] =	vst v0  }
.Ltmp0:
0x6a: {  	[tilespmem:s11+$0x1DD20] =	vst v0;
	(pc) =	sbr.rel @p3 .LBB2_2-.Ltmp0, $4  }
0x6b: {  	[tilespmem:s11+$0x1DD30] =	vst v0  }
0x6c: {  	[tilespmem:s11+$0x1DD40] =	vst v0  }
0x6d: {  	[tilespmem:s11+$0x1DD50] =	vst v0  }
0x6e: {  	[tilespmem:s11+$0x1DD60] =	vst v0;
	s11 =	sshra.s32 s12, $0x2;
	s12 =	sadd.s32 $0x200, s12  }
0x6f: {  	[tilespmem:s11+$0x1DD70] =	vst v0  }
0x70: {  	[tilespmem:s11+$0x1DD00] =	vst v0  }
0x71: {  	[tilespmem:s11+$0x1DD10] =	vst v0  }
0x72: {  	[tilespmem:s11+$0x1DD20] =	vst v0  }
0x73: {  	[tilespmem:s11+$0x1DD30] =	vst v0  }
0x74: {  	[tilespmem:s11+$0x1DD40] =	vst v0  }
0x75: {  	[tilespmem:s11+$0x1DD50] =	vst v0;
	s12 =	rddreg [dreg:$0x1c]  }
0x76: {  	[tilespmem:s11+$0x1DD60] =	vst v0;
	s26 =	sld [smem:$0x7F5]  }
0x77: {  	[spmem:s12] =	stream.linear.scatter [tilespmem:s7], [sflag:$0x13], $0x2000, $0x38;
	[tilespmem:$0x1FD00] =	vst v63  }
0x78: {  	s5 =	sld [smem:$0x7F6]  }
0x79: {  	[spmem:s26] =	stream.linear.scatter [tilespmem:s7], [sflag:$0x13], $0x2000, $0x38;
	[tilespmem:$0x1FD00] =	vst v63  }
0x7a: {  	s12 =	sld [smem:$0x7F7]  }
0x7b: {  	[spmem:s5] =	stream.linear.scatter [tilespmem:s7], [sflag:$0x13], $0x2000, $0x38;
	[tilespmem:$0x1FD00] =	vst v63  }
0x7c: {  	s26 =	sld [smem:$0x7F8]  }
0x7d: {  	[spmem:s12] =	stream.linear.scatter [tilespmem:s7], [sflag:$0x13], $0x2000, $0x38;
	[tilespmem:$0x1FD00] =	vst v63  }
0x7e: {  	s5 =	sld [smem:$0x7F9]  }
0x7f: {  	[spmem:s26] =	stream.linear.scatter [tilespmem:s7], [sflag:$0x13], $0x2000, $0x38;
	[tilespmem:$0x1FD00] =	vst v63  }
0x80: {  	s12 =	sld [smem:$0x7FA]  }
0x81: {  	[spmem:s5] =	stream.linear.scatter [tilespmem:s7], [sflag:$0x13], $0x2000, $0x38;
	[tilespmem:$0x1FD00] =	vst v63  }
0x82: {  	s26 =	sld [smem:$0x7FB]  }
0x83: {  	[spmem:s12] =	stream.linear.scatter [tilespmem:s7], [sflag:$0x13], $0x2000, $0x38;
	[tilespmem:$0x1FD00] =	vst v63  }
0x84: {  	s5 =	sld [smem:$0x7FC]  }
0x85: {  	[spmem:s26] =	stream.linear.scatter [tilespmem:s7], [sflag:$0x13], $0x2000, $0x38;
	[tilespmem:$0x1FD00] =	vst v63  }
0x86: {  	s12 =	sld [smem:$0x7FD]  }
0x87: {  	[spmem:s5] =	stream.linear.scatter [tilespmem:s7], [sflag:$0x13], $0x2000, $0x38;
	[tilespmem:$0x1FD00] =	vst v63  }
0x88: {  	_ = 	snop  }
0x89: {  	[spmem:s12] =	stream.linear.scatter [tilespmem:s7], [sflag:$0x13], $0x1880, $0x38;
	[tilespmem:$0x1FD00] =	vst v63  }
0x8a: {  	_ =	swait.ge [sflag:s15], $0x2000  }
0x8b: {  	[sflag:s15] =	ssyncset.done $0x0  }
0x8c: {  	[sflag:s15] =	ssyncadd.s32 $0xFFFFE000  }
0x8d: {  	_ =	swait.ge [sflag:s15], $0x2000  }
0x8e: {  	[sflag:s15] =	ssyncset.done $0x0  }
0x8f: {  	[sflag:s15] =	ssyncadd.s32 $0xFFFFE000  }
0x90: {  	_ =	swait.ge [sflag:s15], $0x2000  }
0x91: {  	[sflag:s15] =	ssyncset.done $0x0  }
0x92: {  	[sflag:s15] =	ssyncadd.s32 $0xFFFFE000  }
0x93: {  	_ =	swait.ge [sflag:s15], $0x2000  }
0x94: {  	[sflag:s15] =	ssyncset.done $0x0  }
0x95: {  	[sflag:s15] =	ssyncadd.s32 $0xFFFFE000  }
0x96: {  	_ =	swait.ge [sflag:s15], $0x2000  }
0x97: {  	[sflag:s15] =	ssyncset.done $0x0  }
0x98: {  	[sflag:s15] =	ssyncadd.s32 $0xFFFFE000  }
0x99: {  	_ =	swait.ge [sflag:s15], $0x2000  }
0x9a: {  	[sflag:s15] =	ssyncset.done $0x0  }
0x9b: {  	[sflag:s15] =	ssyncadd.s32 $0xFFFFE000  }
0x9c: {  	_ =	swait.ge [sflag:s15], $0x2000  }
0x9d: {  	[sflag:s15] =	ssyncset.done $0x0  }
0x9e: {  	[sflag:s15] =	ssyncadd.s32 $0xFFFFE000  }
0x9f: {  	_ =	swait.ge [sflag:s15], $0x2000  }
0xa0: {  	[sflag:s15] =	ssyncset.done $0x0  }
0xa1: {  	[sflag:s15] =	ssyncadd.s32 $0xFFFFE000  }
0xa2: {  	_ =	swait.ge [sflag:s15], $0x2000  }
0xa3: {  	[sflag:s15] =	ssyncset.done $0x0  }
0xa4: {  	[sflag:s15] =	ssyncadd.s32 $0xFFFFE000  }
0xa5: {  	_ =	swait.ge [sflag:s15], $0x1880  }
0xa6: {  	[sflag:s15] =	ssyncset.done $0x0  }
0xa7: {  	s12 =	rddreg [dreg:$0xb];
	[sflag:s15] =	ssyncadd.s32 $0xFFFFE780;
	s15 =	simm.s32 $0x0  }
0xa8: {  	[tilespmem:s7], [sflag:$0x6] =	stream.linear.gather [hbm4b:s12+s15], $0x2000, $0x38;
	[tilespmem:$0x1FD00] =	vst v63  }
0xa9: {  	s5 =	simm.s32 $0x13B00;
	s26 =	rddreg [dreg:$0x1d]  }
0xaa: {  	[tilespmem:s5], [sflag:$0xC] =	stream.linear.gather [hbm4b:s26+s15], $0x40, $0x38;
	[tilespmem:$0x1FD00] =	vst v63  }
0xab: {  	[bflag:$0x0] =	sbarrier.arrive $0xFFFF  }
0xac: {  	_ =	swait.ge [sflag:s9], $0x2000  }
0xad: {  	[sflag:s9] =	ssyncset.done $0x0  }
0xae: {  	[sflag:s9] =	ssyncadd.s32 $0xFFFFE000  }
0xaf: {  	_ =	swait.ge [sflag:s20], $0x40  }
0xb0: {  	[sflag:s20] =	ssyncset.done $0x0  }
0xb1: {  	s26 =	simm.s32 $0x40;
	[sflag:s20] =	ssyncadd.s32 $0xFFFFFFC0  }
0xb2: {  	[spmem:s3] =	stream.indirect.scatter.add.f32 [tilespmem:s16], [sflag:$0xD], $0x80, s23, s26, $0xb8;
	[tilespmem:$0x1FD00] =	vst v63  }
0xb3: {  	_ =	swait.ge [sflag:s6], $0x2000  }
0xb4: {  	[sflag:s6] =	ssyncset.done $0x0  }
0xb5: {  	[sflag:s6] =	ssyncadd.s32 $0xFFFFE000  }
0xb6: {  	_ =	swait.ge [sflag:s1], $0x40  }
0xb7: {  	[sflag:s1] =	ssyncset.done $0x0  }
0xb8: {  	[sflag:s1] =	ssyncadd.s32 $0xFFFFFFC0  }
0xb9: {  	[spmem:s3] =	stream.indirect.scatter.add.f32 [tilespmem:s18], [sflag:$0xE], $0x80, s19, s26, $0xb8;
	[tilespmem:$0x1FD00] =	vst v63  }
0xba: {  	_ =	swait.ge [sflag:s2], $0x2000  }
0xbb: {  	[sflag:s2] =	ssyncset.done $0x0  }
0xbc: {  	[sflag:s2] =	ssyncadd.s32 $0xFFFFE000  }
0xbd: {  	_ =	swait.ge [sflag:s10], $0x40  }
0xbe: {  	[sflag:s10] =	ssyncset.done $0x0  }
0xbf: {  	[sflag:s10] =	ssyncadd.s32 $0xFFFFFFC0  }
0xc0: {  	[spmem:s3] =	stream.indirect.scatter.add.f32 [tilespmem:s14], [sflag:$0xF], $0x80, s17, s26, $0xb8;
	[tilespmem:$0x1FD00] =	vst v63  }
0xc1: {  	_ =	swait.ge [sflag:s13], $0x2000  }
0xc2: {  	s15 =	sld [smem:$0x7E9]  }
0xc3: {  	s5 =	rddreg [dreg:$0x5]  }
0xc4: {  	[sflag:s13] =	ssyncset.done $0x0;
	s12 =	sadd.s32 $0x0, s5  }
0xc5: {  	[sflag:s13] =	ssyncadd.s32 $0xFFFFE000;
	s11 =	sadd.s32 $0x1800, s12;
	s10 =	sshrl.u32 s15, $0x3  }
0xc6: {  	[tilespmem:s16], [sflag:$0x1] =	stream.linear.gather [hbm4b:s11+s4], $0x2000, $0x38;
	[tilespmem:$0x1FD00] =	vst v63  }
0xc7: {  	s13 =	sadd.s32 s22, s10  }
0xc8: {  	[tilespmem:s23], [sflag:$0x7] =	stream.linear.gather [hbm4b:s13+s4], $0x40, $0x38;
	[tilespmem:$0x1FD00] =	vst v63  }
0xc9: {  	_ =	swait.ge [sflag:s25], $0x2000  }
0xca: {  	[sflag:s25] =	ssyncset.done $0x0  }
0xcb: {  	[sflag:s25] =	ssyncadd.s32 $0xFFFFE000  }
0xcc: {  	_ =	swait.ge [sflag:s28], $0x40  }
0xcd: {  	[sflag:s28] =	ssyncset.done $0x0  }
0xce: {  	[sflag:s28] =	ssyncadd.s32 $0xFFFFFFC0  }
0xcf: {  	[spmem:s3] =	stream.indirect.scatter.add.f32 [tilespmem:s21], [sflag:$0x10], $0x80, s8, s26, $0xb8;
	[tilespmem:$0x1FD00] =	vst v63  }
0xd0: {  	_ =	swait.ge [sflag:s29], $0x2000  }
0xd1: {  	[sflag:s29] =	ssyncset.done $0x0  }
0xd2: {  	s13 =	sld [smem:$0x7E8];
	[sflag:s29] =	ssyncadd.s32 $0xFFFFE000;
	s29 =	sadd.s32 $0x1C00, s12  }
0xd3: {  	[tilespmem:s18], [sflag:$0x2] =	stream.linear.gather [hbm4b:s29+s4], $0x2000, $0x38;
	[tilespmem:$0x1FD00] =	vst v63  }
0xd4: {  	_ = 	snop  }
0xd5: {  	[tilespmem:s19], [sflag:$0x8] =	stream.linear.gather [hbm4b:s13+s4], $0x40, $0x38;
	[tilespmem:$0x1FD00] =	vst v63  }
0xd6: {  	_ =	swait.ge [sflag:s30], $0x2000  }
0xd7: {  	[sflag:s30] =	ssyncset.done $0x0  }
0xd8: {  	[sflag:s30] =	ssyncadd.s32 $0xFFFFE000  }
0xd9: {  	_ =	swait.ge [sflag:s31], $0x40  }
0xda: {  	[sflag:s31] =	ssyncset.done $0x0  }
0xdb: {  	[sflag:s31] =	ssyncadd.s32 $0xFFFFFFC0;
	s31 =	simm.s32 $0xF  }
0xdc: {  	[spmem:s3] =	stream.indirect.scatter.add.f32 [tilespmem:s0], [sflag:$0x11], $0x80, s24, s26, $0xb8;
	[tilespmem:$0x1FD00] =	vst v63  }
0xdd: {  	_ =	swait.ge [sflag:s31], $0x2000  }
0xde: {  	[sflag:s31] =	ssyncset.done $0x0  }
0xdf: {  	s10 =	sadd.s32 $0x2000, s12;
	s25 =	sld [smem:$0x7E7];
	[sflag:s31] =	ssyncadd.s32 $0xFFFFE000  }
0xe0: {  	[tilespmem:s14], [sflag:$0x3] =	stream.linear.gather [hbm4b:s10+s4], $0x2000, $0x38;
	[tilespmem:$0x1FD00] =	vst v63  }
0xe1: {  	s30 =	simm.s32 $0x6  }
0xe2: {  	[tilespmem:s17], [sflag:$0x9] =	stream.linear.gather [hbm4b:s25+s4], $0x40, $0x38;
	[tilespmem:$0x1FD00] =	vst v63  }
0xe3: {  	_ =	swait.ge [sflag:s30], $0x2000  }
0xe4: {  	[sflag:s30] =	ssyncset.done $0x0  }
0xe5: {  	s31 =	simm.s32 $0xC;
	[sflag:s30] =	ssyncadd.s32 $0xFFFFE000  }
0xe6: {  	_ =	swait.ge [sflag:s31], $0x40  }
0xe7: {  	[sflag:s31] =	ssyncset.done $0x0  }
0xe8: {  	s11 =	simm.s32 $0x10;
	s10 =	simm.s32 $0x13B00;
	[sflag:s31] =	ssyncadd.s32 $0xFFFFFFC0  }
0xe9: {  	[spmem:s3] =	stream.indirect.scatter.add.f32 [tilespmem:s7], [sflag:$0x12], $0x80, s10, s26, $0xb8;
	[tilespmem:$0x1FD00] =	vst v63  }
0xea: {  	_ =	swait.ge [sflag:s11], $0x2000  }
0xeb: {  	[sflag:s11] =	ssyncset.done $0x0  }
0xec: {  	s17 =	sadd.s32 $0x2400, s12;
	[sflag:s11] =	ssyncadd.s32 $0xFFFFE000  }
0xed: {  	[tilespmem:s21], [sflag:$0x4] =	stream.linear.gather [hbm4b:s17+s4], $0x2000, $0x38;
	[tilespmem:$0x1FD00] =	vst v63  }
0xee: {  	s21 =	sld [smem:$0x7E6];
	_ =	sdelay $0x2  }
0xef: {  	[tilespmem:s8], [sflag:$0xA] =	stream.linear.gather [hbm4b:s21+s4], $0x40, $0x38;
	[tilespmem:$0x1FD00] =	vst v63  }
0xf0: {  	_ =	swait.ge [sflag:s9], $0x2000  }
0xf1: {  	[sflag:s9] =	ssyncset.done $0x0  }
0xf2: {  	[sflag:s9] =	ssyncadd.s32 $0xFFFFE000  }
0xf3: {  	_ =	swait.ge [sflag:s20], $0x40  }
0xf4: {  	[sflag:s20] =	ssyncset.done $0x0  }
0xf5: {  	s28 =	simm.s32 $0x11;
	[sflag:s20] =	ssyncadd.s32 $0xFFFFFFC0  }
0xf6: {  	[spmem:s3] =	stream.indirect.scatter.add.f32 [tilespmem:s16], [sflag:$0xD], $0x80, s23, s26, $0xb8;
	[tilespmem:$0x1FD00] =	vst v63  }
0xf7: {  	_ =	swait.ge [sflag:s28], $0x2000  }
0xf8: {  	[sflag:s28] =	ssyncset.done $0x0  }
0xf9: {  	s29 =	sadd.s32 $0x2800, s12;
	s30 =	sld [smem:$0x7E5];
	[sflag:s28] =	ssyncadd.s32 $0xFFFFE000  }
0xfa: {  	[tilespmem:s0], [sflag:$0x5] =	stream.linear.gather [hbm4b:s29+s4], $0x2000, $0x38;
	[tilespmem:$0x1FD00] =	vst v63  }
0xfb: {  	_ = 	snop  }
0xfc: {  	[tilespmem:s24], [sflag:$0xB] =	stream.linear.gather [hbm4b:s30+s4], $0x40, $0x38;
	[tilespmem:$0x1FD00] =	vst v63  }
0xfd: {  	_ =	swait.ge [sflag:s6], $0x2000  }
0xfe: {  	[sflag:s6] =	ssyncset.done $0x0  }
0xff: {  	[sflag:s6] =	ssyncadd.s32 $0xFFFFE000  }
0x100: {  	s2 =	simm.s32 $0x8;
	s5 =	smov.u32 s3;
	_ =	swait.ge [sflag:s1], $0x40  }
0x101: {  	s14 =	sadd.s32 $0x30, s25;
	s12 =	sadd.s32 $0x2C00, s12;
	[sflag:s1] =	ssyncset.done $0x0  }
0x102: {  	s25 =	simm.s32 $0x9;
	s31 =	simm.s32 $0x12;
	[sflag:s1] =	ssyncadd.s32 $0xFFFFFFC0  }
0x103: {  	[spmem:s3] =	stream.indirect.scatter.add.f32 [tilespmem:s18], [sflag:$0xE], $0x80, s19, s26, $0xb8;
	[tilespmem:$0x1FD00] =	vst v63  }
0x104: {  	s10 =	simm.s32 $0x3;
	s11 =	simm.s32 $0x1800;
	_ =	swait.ge [sflag:s31], $0x2000  }
0x105: {  	s17 =	sadd.s32 $0x30, s21;
	[sflag:s31] =	ssyncset.done $0x0;
	s18 =	sld [smem:$0x7E4]  }
0x106: {  	s16 =	sadd.s32 $0x30, s30;
	s1 =	simm.s32 $0x2;
	[sflag:s31] =	ssyncadd.s32 $0xFFFFE000  }
0x107: {  	[tilespmem:s7], [sflag:$0x6] =	stream.linear.gather [hbm4b:s12+s4], $0x2000, $0x38;
	[tilespmem:$0x1FD00] =	vst v63  }
0x108: {  	s12 =	sadd.s32 $0x30, s13;
	s13 =	sadd.s32 $0x180, s15;
	s15 =	sadd.s32 $0x30, s18  }
.LBB2_4:
0x109: {  	s6 =	simm.s32 $0x13B00  }
0x10a: {  	[tilespmem:s6], [sflag:$0xC] =	stream.linear.gather [hbm4b:s18+s4], $0x40, $0x38;
	[tilespmem:$0x1FD00] =	vst v63  }
0x10b: {  	_ =	swait.ge [sflag:s10], $0x2000  }
0x10c: {  	[sflag:s10] =	ssyncset.done $0x0  }
0x10d: {  	[sflag:s10] =	ssyncadd.s32 $0xFFFFE000  }
0x10e: {  	_ =	swait.ge [sflag:s25], $0x40  }
0x10f: {  	s29 =	simm.s32 $0x17D00;
	[sflag:s25] =	ssyncset.done $0x0  }
0x110: {  	s24 =	simm.s32 $0x13980;
	s0 =	simm.s32 $0xD;
	[sflag:s25] =	ssyncadd.s32 $0xFFFFFFC0  }
0x111: {  	[spmem:s5] =	stream.indirect.scatter.add.f32 [tilespmem:s29], [sflag:$0xF], $0x80, s24, s26, $0xb8;
	[tilespmem:$0x1FD00] =	vst v63  }
0x112: {  	_ =	swait.ge [sflag:s0], $0x2000  }
0x113: {  	s21 =	smov.u32 s11;
	s19 =	rddreg [dreg:$0x5]  }
0x114: {  	s23 =	sshrl.u32 s13, $0x3;
	[sflag:s0] =	ssyncset.done $0x0;
	s21 =	sadd.s32 s21, s19  }
0x115: {  	s26 =	simm.s32 $0x13D00;
	[sflag:s0] =	ssyncadd.s32 $0xFFFFE000;
	s19 =	sadd.s32 $0x1800, s21  }
0x116: {  	[tilespmem:s26], [sflag:$0x1] =	stream.linear.gather [hbm4b:s19+s4], $0x2000, $0x38;
	[tilespmem:$0x1FD00] =	vst v63  }
0x117: {  	s30 =	simm.s32 $0x4;
	s20 =	sadd.s32 s22, s23;
	s23 =	simm.s32 $0x13880  }
0x118: {  	[tilespmem:s23], [sflag:$0x7] =	stream.linear.gather [hbm4b:s20+s4], $0x40, $0x38;
	[tilespmem:$0x1FD00] =	vst v63  }
0x119: {  	_ =	swait.ge [sflag:s30], $0x2000  }
0x11a: {  	[sflag:s30] =	ssyncset.done $0x0  }
0x11b: {  	s31 =	simm.s32 $0xA;
	[sflag:s30] =	ssyncadd.s32 $0xFFFFE000  }
0x11c: {  	_ =	swait.ge [sflag:s31], $0x40  }
0x11d: {  	s3 =	simm.s32 $0x40;
	s7 =	simm.s32 $0xE;
	[sflag:s31] =	ssyncset.done $0x0  }
0x11e: {  	s20 =	simm.s32 $0x19D00;
	[sflag:s31] =	ssyncadd.s32 $0xFFFFFFC0;
	s31 =	simm.s32 $0x13A00  }
0x11f: {  	[spmem:s5] =	stream.indirect.scatter.add.f32 [tilespmem:s20], [sflag:$0x10], $0x80, s31, s3, $0xb8;
	[tilespmem:$0x1FD00] =	vst v63  }
0x120: {  	_ =	swait.ge [sflag:s7], $0x2000  }
0x121: {  	[sflag:s7] =	ssyncset.done $0x0  }
0x122: {  	s8 =	sadd.s32 $0x1C00, s21;
	s30 =	simm.s32 $0x15D00;
	[sflag:s7] =	ssyncadd.s32 $0xFFFFE000  }
0x123: {  	[tilespmem:s30], [sflag:$0x2] =	stream.linear.gather [hbm4b:s8+s4], $0x2000, $0x38;
	[tilespmem:$0x1FD00] =	vst v63  }
0x124: {  	s9 =	simm.s32 $0x5;
	s7 =	simm.s32 $0x13900  }
0x125: {  	[tilespmem:s7], [sflag:$0x8] =	stream.linear.gather [hbm4b:s12+s4], $0x40, $0x38;
	[tilespmem:$0x1FD00] =	vst v63  }
0x126: {  	_ =	swait.ge [sflag:s9], $0x2000  }
0x127: {  	[sflag:s9] =	ssyncset.done $0x0  }
0x128: {  	s19 =	simm.s32 $0xB;
	[sflag:s9] =	ssyncadd.s32 $0xFFFFE000  }
0x129: {  	_ =	swait.ge [sflag:s19], $0x40  }
0x12a: {  	s0 =	simm.s32 $0x1BD00;
	[sflag:s19] =	ssyncset.done $0x0  }
0x12b: {  	s8 =	simm.s32 $0xF;
	s9 =	simm.s32 $0x13A80;
	[sflag:s19] =	ssyncadd.s32 $0xFFFFFFC0  }
0x12c: {  	[spmem:s5] =	stream.indirect.scatter.add.f32 [tilespmem:s0], [sflag:$0x11], $0x80, s9, s3, $0xb8;
	[tilespmem:$0x1FD00] =	vst v63  }
0x12d: {  	_ =	swait.ge [sflag:s8], $0x2000  }
0x12e: {  	[sflag:s8] =	ssyncset.done $0x0  }
0x12f: {  	[sflag:s8] =	ssyncadd.s32 $0xFFFFE000;
	s8 =	sadd.s32 $0x2000, s21  }
0x130: {  	[tilespmem:s29], [sflag:$0x3] =	stream.linear.gather [hbm4b:s8+s4], $0x2000, $0x38;
	[tilespmem:$0x1FD00] =	vst v63  }
0x131: {  	s8 =	simm.s32 $0x6  }
0x132: {  	[tilespmem:s24], [sflag:$0x9] =	stream.linear.gather [hbm4b:s14+s4], $0x40, $0x38;
	[tilespmem:$0x1FD00] =	vst v63  }
0x133: {  	_ =	swait.ge [sflag:s8], $0x2000  }
0x134: {  	[sflag:s8] =	ssyncset.done $0x0  }
0x135: {  	s24 =	simm.s32 $0xC;
	[sflag:s8] =	ssyncadd.s32 $0xFFFFE000  }
0x136: {  	_ =	swait.ge [sflag:s24], $0x40  }
0x137: {  	[sflag:s24] =	ssyncset.done $0x0  }
0x138: {  	s8 =	simm.s32 $0x10;
	[sflag:s24] =	ssyncadd.s32 $0xFFFFFFC0;
	s24 =	simm.s32 $0x1DD00  }
0x139: {  	[spmem:s5] =	stream.indirect.scatter.add.f32 [tilespmem:s24], [sflag:$0x12], $0x80, s6, s3, $0xb8;
	[tilespmem:$0x1FD00] =	vst v63  }
0x13a: {  	_ =	swait.ge [sflag:s8], $0x2000  }
0x13b: {  	[sflag:s8] =	ssyncset.done $0x0  }
0x13c: {  	s6 =	sadd.s32 $0x2400, s21;
	[sflag:s8] =	ssyncadd.s32 $0xFFFFE000  }
0x13d: {  	[tilespmem:s20], [sflag:$0x4] =	stream.linear.gather [hbm4b:s6+s4], $0x2000, $0x38;
	[tilespmem:$0x1FD00] =	vst v63  }
0x13e: {  	_ = 	snop  }
0x13f: {  	[tilespmem:s31], [sflag:$0xA] =	stream.linear.gather [hbm4b:s17+s4], $0x40, $0x38;
	[tilespmem:$0x1FD00] =	vst v63  }
0x140: {  	s31 =	simm.s32 $0x1  }
0x141: {  	_ =	swait.ge [sflag:s31], $0x2000  }
0x142: {  	[sflag:s31] =	ssyncset.done $0x0  }
0x143: {  	s19 =	simm.s32 $0x7;
	[sflag:s31] =	ssyncadd.s32 $0xFFFFE000  }
0x144: {  	_ =	swait.ge [sflag:s19], $0x40  }
0x145: {  	[sflag:s19] =	ssyncset.done $0x0  }
0x146: {  	s31 =	simm.s32 $0x11;
	[sflag:s19] =	ssyncadd.s32 $0xFFFFFFC0  }
0x147: {  	[spmem:s5] =	stream.indirect.scatter.add.f32 [tilespmem:s26], [sflag:$0xD], $0x80, s23, s3, $0xb8;
	[tilespmem:$0x1FD00] =	vst v63  }
0x148: {  	_ =	swait.ge [sflag:s31], $0x2000  }
0x149: {  	[sflag:s31] =	ssyncset.done $0x0  }
0x14a: {  	s3 =	sadd.s32 $0x2800, s21;
	[sflag:s31] =	ssyncadd.s32 $0xFFFFE000  }
0x14b: {  	[tilespmem:s0], [sflag:$0x5] =	stream.linear.gather [hbm4b:s3+s4], $0x2000, $0x38;
	[tilespmem:$0x1FD00] =	vst v63  }
0x14c: {  	_ = 	snop  }
0x14d: {  	[tilespmem:s9], [sflag:$0xB] =	stream.linear.gather [hbm4b:s16+s4], $0x40, $0x38;
	[tilespmem:$0x1FD00] =	vst v63  }
0x14e: {  	p3 =	sne.s32 s11, $0x24000;
	_ =	swait.ge [sflag:s1], $0x2000  }
0x14f: {  	s11 =	sadd.s32 $0x1800, s11;
	s28 =	simm.s32 $0x17D00;
	[sflag:s1] =	ssyncset.done $0x0  }
0x150: {  	s13 =	sadd.s32 $0x180, s13;
	s18 =	smov.u32 s15;
	[sflag:s1] =	ssyncadd.s32 $0xFFFFE000  }
0x151: {  	s15 =	sadd.s32 $0x30, s15;
	s12 =	sadd.s32 $0x30, s12;
	_ =	swait.ge [sflag:s2], $0x40  }
0x152: {  	s29 =	simm.s32 $0x13980;
	s14 =	sadd.s32 $0x30, s14;
	[sflag:s2] =	ssyncset.done $0x0  }
0x153: {  	s8 =	simm.s32 $0x19D00;
	s26 =	simm.s32 $0x40;
	[sflag:s2] =	ssyncadd.s32 $0xFFFFFFC0  }
0x154: {  	[spmem:s5] =	stream.indirect.scatter.add.f32 [tilespmem:s30], [sflag:$0xE], $0x80, s7, s26, $0xb8;
	[tilespmem:$0x1FD00] =	vst v63  }
.Ltmp1:
0x155: {  	s20 =	simm.s32 $0x13A00;
	s30 =	simm.s32 $0x12;
	(pc) =	sbr.rel @p3 .LBB2_4-.Ltmp1, $4  }
0x156: {  	s6 =	simm.s32 $0x1BD00;
	s17 =	sadd.s32 $0x30, s17;
	_ =	swait.ge [sflag:s30], $0x2000  }
0x157: {  	s31 =	sadd.s32 $0x2C00, s21;
	s0 =	simm.s32 $0x13A80;
	[sflag:s30] =	ssyncset.done $0x0  }
0x158: {  	s3 =	simm.s32 $0x1DD00;
	s16 =	sadd.s32 $0x30, s16;
	[sflag:s30] =	ssyncadd.s32 $0xFFFFE000  }
0x159: {  	[tilespmem:s24], [sflag:$0x6] =	stream.linear.gather [hbm4b:s31+s4], $0x2000, $0x38;
	[tilespmem:$0x1FD00] =	vst v63  }
0x15a: {  	s1 =	simm.s32 $0x13B00  }
0x15b: {  	[tilespmem:s1], [sflag:$0xC] =	stream.linear.gather [hbm4b:s18+s4], $0x40, $0x38;
	[tilespmem:$0x1FD00] =	vst v63  }
0x15c: {  	_ =	swait.ge [sflag:s10], $0x2000  }
0x15d: {  	[sflag:s10] =	ssyncset.done $0x0  }
0x15e: {  	[sflag:s10] =	ssyncadd.s32 $0xFFFFE000  }
0x15f: {  	_ =	swait.ge [sflag:s25], $0x40  }
0x160: {  	[sflag:s25] =	ssyncset.done $0x0  }
0x161: {  	s2 =	simm.s32 $0xD;
	[sflag:s25] =	ssyncadd.s32 $0xFFFFFFC0  }
0x162: {  	[spmem:s5] =	stream.indirect.scatter.add.f32 [tilespmem:s28], [sflag:$0xF], $0x80, s29, s26, $0xb8;
	[tilespmem:$0x1FD00] =	vst v63  }
0x163: {  	_ =	swait.ge [sflag:s2], $0x2000  }
0x164: {  	[sflag:s2] =	ssyncset.done $0x0  }
0x165: {  	s25 =	simm.s32 $0x4;
	[sflag:s2] =	ssyncadd.s32 $0xFFFFE000  }
0x166: {  	_ =	swait.ge [sflag:s25], $0x2000  }
0x167: {  	[sflag:s25] =	ssyncset.done $0x0  }
0x168: {  	s7 =	simm.s32 $0xA;
	[sflag:s25] =	ssyncadd.s32 $0xFFFFE000  }
0x169: {  	_ =	swait.ge [sflag:s7], $0x40  }
0x16a: {  	[sflag:s7] =	ssyncset.done $0x0  }
0x16b: {  	[sflag:s7] =	ssyncadd.s32 $0xFFFFFFC0  }
0x16c: {  	[spmem:s5] =	stream.indirect.scatter.add.f32 [tilespmem:s8], [sflag:$0x10], $0x80, s20, s26, $0xb8;
	[tilespmem:$0x1FD00] =	vst v63  }
0x16d: {  	s8 =	simm.s32 $0xE  }
0x16e: {  	_ =	swait.ge [sflag:s8], $0x2000  }
0x16f: {  	[sflag:s8] =	ssyncset.done $0x0  }
0x170: {  	s9 =	simm.s32 $0x5;
	[sflag:s8] =	ssyncadd.s32 $0xFFFFE000  }
0x171: {  	_ =	swait.ge [sflag:s9], $0x2000  }
0x172: {  	[sflag:s9] =	ssyncset.done $0x0  }
0x173: {  	s10 =	simm.s32 $0xB;
	[sflag:s9] =	ssyncadd.s32 $0xFFFFE000  }
0x174: {  	_ =	swait.ge [sflag:s10], $0x40  }
0x175: {  	[sflag:s10] =	ssyncset.done $0x0  }
0x176: {  	s11 =	simm.s32 $0xF;
	[sflag:s10] =	ssyncadd.s32 $0xFFFFFFC0  }
0x177: {  	[spmem:s5] =	stream.indirect.scatter.add.f32 [tilespmem:s6], [sflag:$0x11], $0x80, s0, s26, $0xb8;
	[tilespmem:$0x1FD00] =	vst v63  }
0x178: {  	_ =	swait.ge [sflag:s11], $0x2000  }
0x179: {  	[sflag:s11] =	ssyncset.done $0x0  }
0x17a: {  	s12 =	simm.s32 $0x6;
	[sflag:s11] =	ssyncadd.s32 $0xFFFFE000  }
0x17b: {  	_ =	swait.ge [sflag:s12], $0x2000  }
0x17c: {  	[sflag:s12] =	ssyncset.done $0x0  }
0x17d: {  	s13 =	simm.s32 $0xC;
	[sflag:s12] =	ssyncadd.s32 $0xFFFFE000  }
0x17e: {  	_ =	swait.ge [sflag:s13], $0x40  }
0x17f: {  	[sflag:s13] =	ssyncset.done $0x0  }
0x180: {  	s14 =	simm.s32 $0x10;
	[sflag:s13] =	ssyncadd.s32 $0xFFFFFFC0  }
0x181: {  	[spmem:s5] =	stream.indirect.scatter.add.f32 [tilespmem:s3], [sflag:$0x12], $0x80, s1, s26, $0xb8;
	[tilespmem:$0x1FD00] =	vst v63  }
0x182: {  	_ =	swait.ge [sflag:s14], $0x2000  }
0x183: {  	[sflag:s14] =	ssyncset.done $0x0  }
0x184: {  	s15 =	simm.s32 $0x11;
	[sflag:s14] =	ssyncadd.s32 $0xFFFFE000  }
0x185: {  	_ =	swait.ge [sflag:s15], $0x2000  }
0x186: {  	[sflag:s15] =	ssyncset.done $0x0  }
0x187: {  	s16 =	simm.s32 $0x12;
	[sflag:s15] =	ssyncadd.s32 $0xFFFFE000  }
0x188: {  	_ =	swait.ge [sflag:s16], $0x2000  }
0x189: {  	s17 =	simm.s32 $0x13C80;
	[sflag:s16] =	ssyncset.done $0x0  }
0x18a: {  	s18 =	simm.s32 $0x14;
	s11 =	rddreg [dreg:$0x1e];
	[sflag:s16] =	ssyncadd.s32 $0xFFFFE000  }
0x18b: {  	[tilespmem:s17], [sflag:$0x14] =	stream.linear.gather [hbm4b:s11+s4], $0x10, $0x38;
	[tilespmem:$0x1FD00] =	vst v63  }
0x18c: {  	_ =	swait.ge [sflag:s18], $0x10  }
0x18d: {  	s20 =	simm.s32 $0x13D00;
	[sflag:s18] =	ssyncset.done $0x0  }
0x18e: {  	s15 =	simm.s32 $0x13;
	s19 =	rddreg [dreg:$0xc];
	[sflag:s18] =	ssyncadd.s32 $0xFFFFFFF0  }
0x18f: {  	[tilespmem:s20], [sflag:$0x13] =	stream.linear.gather [hbm4b:s19+s4], $0x800, $0x38;
	[tilespmem:$0x1FD00] =	vst v63  }
0x190: {  	_ =	swait.ge [sflag:s15], $0x800  }
0x191: {  	[sflag:s15] =	ssyncset.done $0x0  }
0x192: {  	[sflag:s15] =	ssyncadd.s32 $0xFFFFF800  }
0x193: {  	[spmem:s5] =	stream.indirect.scatter.add.f32 [tilespmem:s20], [sflag:$0x14], $0x80, s17, s14, $0xb8;
	[tilespmem:$0x1FD00] =	vst v63  }
0x194: {  	_ =	swait.ge [sflag:s18], $0x800  }
0x195: {  	[sflag:s18] =	ssyncset.done $0x0  }
0x196: {  	[sflag:s18] =	ssyncadd.s32 $0xFFFFF800  }
0x197: {  	[bflag:$0x0] =	sbarrier.arrive $0xFFFF  }
0x198: {  	s21 =	stileid.u32;
	s13 =	sld [smem:$0x7EA]  }
0x199: {  	s11 =	sshll.u32 s21, $0x6  }
0x19a: {  	s11 =	sor.u32 $0x1C13, s11;
	s12 =	rddreg [dreg:$0xe]  }
0x19b: {  	[hbm:s12], [sflag:s11] =	dma.local [spmem:s13], $0x400  }
0x19c: {  	s13 =	sld [smem:$0x7EB];
	_ =	sdelay $0x1  }
0x19d: {  	s12 =	rddreg [dreg:$0xf]  }
0x19e: {  	[hbm:s12], [sflag:s11] =	dma.local [spmem:s13], $0x400  }
0x19f: {  	s13 =	sld [smem:$0x7EC];
	_ =	sdelay $0x1  }
0x1a0: {  	s12 =	rddreg [dreg:$0x10]  }
0x1a1: {  	[hbm:s12], [sflag:s11] =	dma.local [spmem:s13], $0x400  }
0x1a2: {  	s13 =	sld [smem:$0x7ED];
	_ =	sdelay $0x1  }
0x1a3: {  	s12 =	rddreg [dreg:$0x11]  }
0x1a4: {  	[hbm:s12], [sflag:s11] =	dma.local [spmem:s13], $0x400  }
0x1a5: {  	s13 =	sld [smem:$0x7EE];
	_ =	sdelay $0x1  }
0x1a6: {  	s12 =	rddreg [dreg:$0x12]  }
0x1a7: {  	[hbm:s12], [sflag:s11] =	dma.local [spmem:s13], $0x400  }
0x1a8: {  	s13 =	sld [smem:$0x7EF];
	_ =	sdelay $0x1  }
0x1a9: {  	s12 =	rddreg [dreg:$0x13]  }
0x1aa: {  	[hbm:s12], [sflag:s11] =	dma.local [spmem:s13], $0x400  }
0x1ab: {  	s13 =	sld [smem:$0x7F0];
	_ =	sdelay $0x1  }
0x1ac: {  	s12 =	rddreg [dreg:$0x14]  }
0x1ad: {  	[hbm:s12], [sflag:s11] =	dma.local [spmem:s13], $0x400  }
0x1ae: {  	s13 =	sld [smem:$0x7F1];
	_ =	sdelay $0x1  }
0x1af: {  	s12 =	rddreg [dreg:$0x15]  }
0x1b0: {  	[hbm:s12], [sflag:s11] =	dma.local [spmem:s13], $0x400  }
0x1b1: {  	s13 =	sld [smem:$0x7F2];
	_ =	sdelay $0x1  }
0x1b2: {  	s12 =	rddreg [dreg:$0x16]  }
0x1b3: {  	[hbm:s12], [sflag:s11] =	dma.local [spmem:s13], $0x400  }
0x1b4: {  	s14 =	sld [smem:$0x7F3];
	_ =	sdelay $0x1  }
0x1b5: {  	s12 =	simm.s32 @!p1 $0x1F13;
	s13 =	rddreg [dreg:$0x1f]  }
0x1b6: {  	[hbm:s13], [sflag:s12] =	dma.local @!p1 [spmem:s14], $0x100  }
0x1b7: {  	s13 =	sld [smem:$0x7F4];
	_ =	sdelay $0x1  }
0x1b8: {  	s12 =	rddreg [dreg:$0xd]  }
0x1b9: {  	[hbm:s12], [sflag:s11] =	dma.local @!p0 [spmem:s13], $0x400  }
0x1ba: {  	_ =	swait.ge [sflag:s15], $0x400  }
0x1bb: {  	[sflag:s15] =	ssyncset.done $0x0  }
0x1bc: {  	[sflag:s15] =	ssyncadd.s32 $0xFFFFFC00  }
0x1bd: {  	_ =	swait.ge [sflag:s15], $0x400  }
0x1be: {  	[sflag:s15] =	ssyncset.done $0x0  }
0x1bf: {  	[sflag:s15] =	ssyncadd.s32 $0xFFFFFC00  }
0x1c0: {  	_ =	swait.ge [sflag:s15], $0x400  }
0x1c1: {  	[sflag:s15] =	ssyncset.done $0x0  }
0x1c2: {  	[sflag:s15] =	ssyncadd.s32 $0xFFFFFC00  }
0x1c3: {  	_ =	swait.ge [sflag:s15], $0x400  }
0x1c4: {  	[sflag:s15] =	ssyncset.done $0x0  }
0x1c5: {  	[sflag:s15] =	ssyncadd.s32 $0xFFFFFC00  }
0x1c6: {  	_ =	swait.ge [sflag:s15], $0x400  }
0x1c7: {  	[sflag:s15] =	ssyncset.done $0x0  }
0x1c8: {  	[sflag:s15] =	ssyncadd.s32 $0xFFFFFC00  }
0x1c9: {  	_ =	swait.ge [sflag:s15], $0x400  }
0x1ca: {  	[sflag:s15] =	ssyncset.done $0x0  }
0x1cb: {  	[sflag:s15] =	ssyncadd.s32 $0xFFFFFC00  }
0x1cc: {  	_ =	swait.ge [sflag:s15], $0x400  }
0x1cd: {  	[sflag:s15] =	ssyncset.done $0x0  }
0x1ce: {  	[sflag:s15] =	ssyncadd.s32 $0xFFFFFC00  }
0x1cf: {  	_ =	swait.ge [sflag:s15], $0x400  }
0x1d0: {  	[sflag:s15] =	ssyncset.done $0x0  }
0x1d1: {  	[sflag:s15] =	ssyncadd.s32 $0xFFFFFC00  }
0x1d2: {  	_ =	swait.ge [sflag:s15], $0x400  }
0x1d3: {  	p3 =	por @p0 $0x0, $0x0;
	[sflag:s15] =	ssyncset.done $0x0  }
0x1d4: {  	p4 =	por @!p1 $0x1, $0x1;
	s11 =	simm.s32 @!p0 $0x13;
	[sflag:s15] =	ssyncadd.s32 $0xFFFFFC00  }
0x1d5: {  	p4 =	por @!p2 p3, p3;
	p3 =	por @!p0 $0x0, $0x0;
	_ =	swait.ge @!p0 [sflag:s11], $0x400  }
0x1d6: {  	p4 =	por @!p0 p3, p3;
	[sflag:s11] =	ssyncset.done @!p0 $0x0  }
0x1d7: {  	[sflag:s11] =	ssyncadd.s32 @!p0 $0xFFFFFC00;
	s11 =	simm.s32 @p4 $0x13  }
0x1d8: {  	_ =	swait.ge @p4 [sflag:s11], $0x100  }
0x1d9: {  	s30 =	simm.s32 $0x5;
	s31 =	simm.s32 $0xB;
	s24 =	sld [smem:$0x7E2]  }
0x1da: {  	s28 =	simm.s32 $0xA;
	s29 =	simm.s32 $0xE;
	s25 =	sld [smem:$0x7E3]  }
0x1db: {  	s2 =	simm.s32 $0x3;
	s7 =	simm.s32 $0x1DD00;
	s8 =	simm.s32 $0x13A00  }
0x1dc: {  	s9 =	simm.s32 $0x1;
	s10 =	simm.s32 $0x9;
	s26 =	sadd.s32 $0x1, s24  }
0x1dd: {  	s0 =	simm.s32 $0x1BD00;
	s6 =	simm.s32 $0x2;
	p3 =	sne.s32 s26, s25  }
.Ltmp2:
0x1de: {  	s1 =	simm.s32 $0x8;
	s3 =	smov.u32 s5;
	(pc) =	sbr.rel @p3 .LBB2_1-.Ltmp2, $4  }
0x1df: {  	s16 =	simm.s32 $0x13D00;
	s21 =	simm.s32 $0x19D00;
	s19 =	simm.s32 $0x13900  }
0x1e0: {  	s17 =	simm.s32 $0x13980;
	s20 =	simm.s32 $0x7;
	s18 =	simm.s32 $0x15D00  }
0x1e1: {  	s14 =	simm.s32 $0x17D00;
	s13 =	simm.s32 $0xD;
	[sflag:s11] =	ssyncset.done @p4 $0x0  }
0x1e2: {  	[sflag:s11] =	ssyncadd.s32 @p4 $0xFFFFFF00;
	s24 =	simm.s32 $0x13A80;
	s25 =	simm.s32 $0x4  }
0x1e3: {  	_ =	sfence.sel $0x180000  }
0x1e4: {  	[bflag:$0x0] =	sbarrier.arrive $0xFFFF  }
0x1e5: {  	_ =	strace $0x90000047  }
0x1e6: {  	s0 =	stileid.u32;
	[bflag:$0x2] =	sbarrier.arrive $0xFFFF  }
0x1e7: {  	p0 =	sne.s32 s0, $0x0;
	s0 =	rddreg [dreg:$0x4]  }
0x1e8: {  	s0 =	sadd.s32 @!p0 $0x100000, s0  }
0x1e9: {  	[sflag:s0] =	ssyncadd.tile.s32 @!p0 $0x1;
	_ =	shalt  }
.Lfunc_end2:
_tile_overlayer_lowered:
.L_overlay_start_2:
0x1ea: {  	(tag) =	ssettag $0x2  }
0x1eb: {  	s0 =	rddreg [dreg:$0x0];
	s2 =	stileid.u32  }
0x1ec: {  	s1 =	rddreg [dreg:$0x1];
	p0 =	sne.s32 s2, $0x0  }
0x1ed: {  	s3 =	rddreg [dreg:$0x2];
	[bflag:$0x3] =	sbarrier.arrive $0xFFFF;
	s2 =	simm.s32 @!p0 $0x1C14  }
0x1ee: {  	[timem:s3], [sflag:s2] =	dma.local @!p0 [hbm:s0], s1  }
0x1ef: {  	s0 =	simm.s32 @!p0 $0x14  }
0x1f0: {  	_ =	swait.ge @!p0 [sflag:s0], s1  }
0x1f1: {  	s1 =	ssub.s32 @!p0 $0x0, s1;
	[sflag:s0] =	ssyncset.done @!p0 $0x0  }
0x1f2: {  	[sflag:s0] =	ssyncadd.s32 @!p0 s1  }
0x1f3: {  	[bflag:$0x3] =	sbarrier.arrive $0xFFFF  }
0x1f4: {  	_ =	shalt  }

</sc_bundles>
